<compile_context>
chip_gen: v7x
topology: tpu7x:2x2x1
jax: 0.10.2.dev20260603
libtpu: 0.0.44.dev20260713+nightly
codegen_flags: <defaults>
</compile_context>

<pallas_src>
import jax
import jax.numpy as jnp
from jax import lax
from jax.experimental import pallas as pl
from jax.experimental.pallas import tpu as pltpu
from jax.experimental.pallas import tpu_sc as plsc

N = 10000
E = 320000
D = 128
D_OUT = 40

NC = 2
NS = 16
NW = NC * NS
IB = 128
TOTCH = 2560
NCHUNK = TOTCH // NW
EPAD = TOTCH * IB
CH0 = 118
CH1 = TOTCH // NS - CH0
NPAD = 10112
RPT = NPAD // NS

ROW_BLOCK = 400
GRID = N // ROW_BLOCK

_MESH = dict(core_axis_name="c", subcore_axis_name="s",
             num_cores=NC, num_subcores=NS)


def _agg_body(p_hbm, e_hbm, zrow_hbm, agg_hbm, idxa, idxb, rowsa, rowsb,
              acc, gsem, isem):
    cid = lax.axis_index("c")
    sid = lax.axis_index("s")
    r0 = sid * RPT
    base = jnp.where(cid == 0, sid * CH0, NS * CH0 + sid * CH1)
    nch = jnp.where(cid == 0, CH0, CH1)

    pltpu.sync_copy(zrow_hbm.at[pl.ds(r0, RPT)], acc.at[pl.ds(r0, RPT)])

    pltpu.sync_copy(e_hbm.at[base], idxa)
    pltpu.async_copy(p_hbm.at[idxa.at[0]], rowsa, gsem)
    pltpu.async_copy(e_hbm.at[base + 1], idxb, isem)
    plsc.subcore_barrier()

    def substep(c, idx_c, rows_c, idx_n, rows_n):
        @pl.when(c + 1 < nch)
        def _():
            pltpu.make_async_copy(e_hbm.at[base + c + 1], idx_n, isem).wait()
            pltpu.async_copy(p_hbm.at[idx_n.at[0]], rows_n, gsem)

        pltpu.make_async_copy(p_hbm.at[idx_c.at[0]], rows_c, gsem).wait()
        pltpu.sync_copy(rows_c, acc.at[idx_c.at[1]], add=True)

        @pl.when(c + 2 < nch)
        def _():
            pltpu.async_copy(e_hbm.at[base + c + 2], idx_c, isem)

    def step(g, carry):
        substep(2 * g, idxa, rowsa, idxb, rowsb)
        substep(2 * g + 1, idxb, rowsb, idxa, rowsa)
        return carry

    lax.fori_loop(0, nch // 2, step, 0)
    plsc.subcore_barrier()

    pltpu.sync_copy(acc.at[pl.ds(r0, RPT)], agg_hbm.at[cid, pl.ds(r0, RPT)])


def _deg_body(e_hbm, zrow_hbm, ones_hbm, deg_hbm, idxa, idxb, rowsa, rowsb,
              acc, gsem, isem):
    cid = lax.axis_index("c")
    sid = lax.axis_index("s")
    wid = cid * NS + sid
    r0 = sid * RPT
    base = wid * NCHUNK

    pltpu.sync_copy(zrow_hbm.at[pl.ds(r0, RPT)], acc.at[pl.ds(r0, RPT)])
    pltpu.sync_copy(ones_hbm, rowsb)

    pltpu.sync_copy(e_hbm.at[base, 1], idxa.at[1])
    pltpu.async_copy(e_hbm.at[base + 1, 1], idxb.at[1], isem)
    plsc.subcore_barrier()

    def substep(c, idx_c, idx_n):
        @pl.when(c + 1 < NCHUNK)
        def _():
            pltpu.make_async_copy(e_hbm.at[base + c + 1, 1], idx_n.at[1],
                                  isem).wait()

        pltpu.sync_copy(rowsb, acc.at[idx_c.at[1]], add=True)

        @pl.when(c + 2 < NCHUNK)
        def _():
            pltpu.async_copy(e_hbm.at[base + c + 2, 1], idx_c.at[1], isem)

    def step(g, carry):
        substep(2 * g, idxa, idxb)
        substep(2 * g + 1, idxb, idxa)
        return carry

    lax.fori_loop(0, NCHUNK // 2, step, 0)
    plsc.subcore_barrier()

    pltpu.sync_copy(acc.at[pl.ds(r0, RPT)], deg_hbm.at[cid, pl.ds(r0, RPT)])


_SC_SCRATCH = [
    pltpu.VMEM((2, IB), jnp.int32),
    pltpu.VMEM((2, IB), jnp.int32),
    pltpu.VMEM((IB, D), jnp.float32),
    pltpu.VMEM((IB, D), jnp.float32),
    pltpu.VMEM_SHARED((NPAD, D), jnp.float32),
    pltpu.SemaphoreType.DMA,
    pltpu.SemaphoreType.DMA,
]

_agg = pl.kernel(
    _agg_body,
    out_type=jax.ShapeDtypeStruct((NC, NPAD, D), jnp.float32),
    mesh=plsc.VectorSubcoreMesh(**_MESH),
    scratch_types=list(_SC_SCRATCH),
)

_deg = pl.kernel(
    _deg_body,
    out_type=jax.ShapeDtypeStruct((NC, NPAD, D), jnp.float32),
    mesh=plsc.VectorSubcoreMesh(**_MESH),
    scratch_types=list(_SC_SCRATCH),
)


def _mm2_body(x_ref, wl_ref, wr_ref, p_ref, q_ref):
    xb = x_ref[...]
    p_ref[...] = jnp.dot(xb, wl_ref[...], preferred_element_type=jnp.float32)
    q_ref[...] = jnp.dot(xb, wr_ref[...], preferred_element_type=jnp.float32)


def _mm2(x, wl, wr):
    return pl.pallas_call(
        _mm2_body,
        grid=(GRID,),
        in_specs=[
            pl.BlockSpec((ROW_BLOCK, D), lambda i: (i, 0)),
            pl.BlockSpec((D, D), lambda i: (0, 0)),
            pl.BlockSpec((D, D), lambda i: (0, 0)),
        ],
        out_specs=[
            pl.BlockSpec((ROW_BLOCK, D), lambda i: (i, 0)),
            pl.BlockSpec((ROW_BLOCK, D), lambda i: (i, 0)),
        ],
        out_shape=[
            jax.ShapeDtypeStruct((N, D), jnp.float32),
            jax.ShapeDtypeStruct((N, D), jnp.float32),
        ],
    )(x, wl, wr)


def _mid_body(aggp_ref, degp_ref, q_ref, bl_ref, wl1_ref, wr1_ref, fct_ref,
              p1_ref, q1_ref, op_ref):
    agg = aggp_ref[0] + aggp_ref[1]
    deg = jnp.maximum(degp_ref[0] + degp_ref[1], 1.0)
    h0 = jnp.maximum(agg / deg + q_ref[...] + bl_ref[...], 0.0)
    p1_ref[...] = jnp.dot(h0, wl1_ref[...], preferred_element_type=jnp.float32)
    q1_ref[...] = jnp.dot(h0, wr1_ref[...], preferred_element_type=jnp.float32)
    op_ref[...] = jnp.dot(h0, fct_ref[...], preferred_element_type=jnp.float32)


def _mid(aggp, degp, q0, bl0, wl1, wr1, fc_top):
    return pl.pallas_call(
        _mid_body,
        grid=(GRID,),
        in_specs=[
            pl.BlockSpec((NC, ROW_BLOCK, D), lambda i: (0, i, 0)),
            pl.BlockSpec((NC, ROW_BLOCK, D), lambda i: (0, i, 0)),
            pl.BlockSpec((ROW_BLOCK, D), lambda i: (i, 0)),
            pl.BlockSpec((1, D), lambda i: (0, 0)),
            pl.BlockSpec((D, D), lambda i: (0, 0)),
            pl.BlockSpec((D, D), lambda i: (0, 0)),
            pl.BlockSpec((D, D_OUT), lambda i: (0, 0)),
        ],
        out_specs=[
            pl.BlockSpec((ROW_BLOCK, D), lambda i: (i, 0)),
            pl.BlockSpec((ROW_BLOCK, D), lambda i: (i, 0)),
            pl.BlockSpec((ROW_BLOCK, D_OUT), lambda i: (i, 0)),
        ],
        out_shape=[
            jax.ShapeDtypeStruct((N, D), jnp.float32),
            jax.ShapeDtypeStruct((N, D), jnp.float32),
            jax.ShapeDtypeStruct((N, D_OUT), jnp.float32),
        ],
    )(aggp, degp, q0, bl0, wl1, wr1, fc_top)


def _out_body(aggp_ref, degp_ref, q_ref, bl_ref, op_ref, fcb_ref, b_ref,
              o_ref):
    agg = aggp_ref[0] + aggp_ref[1]
    deg = jnp.maximum(degp_ref[0] + degp_ref[1], 1.0)
    h1 = jnp.maximum(agg / deg + q_ref[...] + bl_ref[...], 0.0)
    o_ref[...] = (op_ref[...] + b_ref[...]
                  + jnp.dot(h1, fcb_ref[...], preferred_element_type=jnp.float32))


def _out(aggp, degp, q1, bl1, opart, fc_bot, fc1_b):
    return pl.pallas_call(
        _out_body,
        grid=(GRID,),
        in_specs=[
            pl.BlockSpec((NC, ROW_BLOCK, D), lambda i: (0, i, 0)),
            pl.BlockSpec((NC, ROW_BLOCK, D), lambda i: (0, i, 0)),
            pl.BlockSpec((ROW_BLOCK, D), lambda i: (i, 0)),
            pl.BlockSpec((1, D), lambda i: (0, 0)),
            pl.BlockSpec((ROW_BLOCK, D_OUT), lambda i: (i, 0)),
            pl.BlockSpec((D, D_OUT), lambda i: (0, 0)),
            pl.BlockSpec((1, D_OUT), lambda i: (0, 0)),
        ],
        out_specs=pl.BlockSpec((ROW_BLOCK, D_OUT), lambda i: (i, 0)),
        out_shape=jax.ShapeDtypeStruct((N, D_OUT), jnp.float32),
    )(aggp, degp, q1, bl1, opart, fc_bot, fc1_b)


@jax.jit
def kernel(x, edge_index, wl0, bl0, wr0, wl1, bl1, wr1, fc1_w, fc1_b):
    npad_e = EPAD - E
    pad_src = jnp.zeros((npad_e,), edge_index.dtype)
    pad_dst = N + (jnp.arange(npad_e, dtype=edge_index.dtype) % 16)
    src_p = jnp.concatenate([edge_index[0], pad_src])
    dst_p = jnp.concatenate([edge_index[1], pad_dst])
    edges = (jnp.stack([src_p, dst_p])
             .reshape(2, TOTCH, IB).transpose(1, 0, 2))
    zrow = jnp.zeros((NPAD, D), jnp.float32)
    ones = jnp.ones((IB, D), jnp.float32)

    degp = _deg(edges, zrow, ones)
    p0, q0 = _mm2(x, wl0, wr0)
    agg0p = _agg(p0, edges, zrow)
    p1, q1, opart = _mid(agg0p, degp, q0, bl0.reshape(1, D), wl1, wr1,
                         fc1_w[:D])
    agg1p = _agg(p1, edges, zrow)
    return _out(agg1p, degp, q1, bl1.reshape(1, D), opart, fc1_w[D:],
                fc1_b.reshape(1, D_OUT))

# --- scband reference (transcript-rebuilt; emitter-appended) ---
"""Pipeline reference for scband-sage-gnn-20882130993208 (READ-ONLY COPY).

The authoritative reference and input builder live on the scoring server;
editing this copy changes nothing except your own understanding.
"""

import jax, jax.numpy as jnp
import numpy as np

N = 10000
E = 320000
D_IN = 128
D_HID = 128
D_OUT = 40


def setup_inputs(seed: int = 0) -> dict:
    key = jax.random.key(seed)
    ks = jax.random.split(key, 12)
    x = jax.random.normal(ks[0], (N, D_IN), dtype=jnp.float32)
    edge_index = jax.random.randint(ks[1], (2, E), 0, N)
    s = 0.05
    wl0 = jax.random.normal(ks[2], (D_IN, D_HID), dtype=jnp.float32) * s
    bl0 = jnp.zeros((D_HID,), dtype=jnp.float32)
    wr0 = jax.random.normal(ks[3], (D_IN, D_HID), dtype=jnp.float32) * s
    wl1 = jax.random.normal(ks[4], (D_HID, D_HID), dtype=jnp.float32) * s
    bl1 = jnp.zeros((D_HID,), dtype=jnp.float32)
    wr1 = jax.random.normal(ks[5], (D_HID, D_HID), dtype=jnp.float32) * s
    fc1_w = jax.random.normal(ks[6], (2 * D_HID, D_OUT), dtype=jnp.float32) * s
    fc1_b = jnp.zeros((D_OUT,), dtype=jnp.float32)
    return {"x": x, "edge_index": edge_index, "wl0": wl0, "bl0": bl0, "wr0": wr0,
            "wl1": wl1, "bl1": bl1, "wr1": wr1, "fc1_w": fc1_w, "fc1_b": fc1_b}


def _sage_layer(h, src, dst, wl, bl, wr):
    # PyG SAGEConv (aggr='mean', project=False, root_weight=True):
    # out = lin_l(mean_{j in N(i)} x_j) + lin_r(x_i)
    msgs = jnp.take(h, src, axis=0)
    agg = jax.ops.segment_sum(msgs, dst, num_segments=N)
    deg = jax.ops.segment_sum(jnp.ones((src.shape[0],), dtype=h.dtype), dst, num_segments=N)
    mean = agg / jnp.clip(deg, 1.0)[:, None]
    return mean @ wl + bl + h @ wr


def reference(x, edge_index, wl0, bl0, wr0, wl1, bl1, wr1, fc1_w, fc1_b):
    src = edge_index[0]
    dst = edge_index[1]
    h = x
    intermediates = []
    for wl, bl, wr in ((wl0, bl0, wr0), (wl1, bl1, wr1)):
        h = _sage_layer(h, src, dst, wl, bl, wr)
        h = jax.nn.relu(h)
        # dropout_rate = 0.0 -> identity
        intermediates.append(h)
    # JumpingKnowledge mode='cat'
    jk = jnp.concatenate(intermediates, axis=-1)
    return jk @ fc1_w + fc1_b

if __name__ == "__main__":
    import jax
    _d = setup_inputs()
    print(jax.jit(kernel)(*tuple(_d.values())))

</pallas_src>

<mosaic_0001>
#map = affine_map<(d0, d1) -> (0, 0)>
#map1 = affine_map<(d0, d1) -> (0, 0, 0)>
module attributes {stable_mosaic.version = 14 : i64} {
  func.func @_agg_body(%arg0: i32, %arg1: i32, %arg2: memref<10000x128xf32, #tpu.memory_space<hbm>>, %arg3: memref<2560x2x128xi32, #tpu.memory_space<hbm>>, %arg4: memref<10112x128xf32, #tpu.memory_space<hbm>>, %arg5: memref<2x10112x128xf32, #tpu.memory_space<hbm>>, %arg6: memref<2x128xi32, #tpu.memory_space<vmem>>, %arg7: memref<2x128xi32, #tpu.memory_space<vmem>>, %arg8: memref<128x128xf32, #tpu.memory_space<vmem>>, %arg9: memref<128x128xf32, #tpu.memory_space<vmem>>, %arg10: memref<10112x128xf32, #tpu.memory_space<vmem_shared>>, %arg11: memref<!tpu.dma_semaphore, #tpu.memory_space<semaphore_mem>>, %arg12: memref<!tpu.dma_semaphore, #tpu.memory_space<semaphore_mem>>) attributes {dimension_semantics = [#tpu.dimension_semantics<core_parallel>, #tpu.dimension_semantics<subcore_parallel>], iteration_bounds = array<i64: 2, 16>, scalar_prefetch = 0 : i64, scratch_operands = 7 : i64, tpu.core_type = #tpu.core_type<sc_vector_subcore>, window_params = [{transform_indices = #map}, {transform_indices = #map1}, {transform_indices = #map}, {transform_indices = #map1}]} {
    %mul3A = arith.constant 632 : i32
    %mul3A_0 = arith.muli %arg1, %mul3A : i32
    %eq3A = arith.constant 0 : i32
    %eq3A_1 = arith.cmpi eq, %arg0, %eq3A : i32
    %mul3A_2 = arith.constant 118 : i32
    %mul3A_3 = arith.muli %arg1, %mul3A_2 : i32
    %mul3A_4 = arith.constant 42 : i32
    %mul3A_5 = arith.muli %arg1, %mul3A_4 : i32
    %add3A = arith.constant 1888 : i32
    %add3A_6 = arith.addi %add3A, %mul3A_5 : i32
    %select_n3A = arith.select %eq3A_1, %mul3A_3, %add3A_6 : i32
    %eq3A_7 = arith.constant 0 : i32
    %eq3A_8 = arith.cmpi eq, %arg0, %eq3A_7 : i32
    %jit3A = arith.constant 118 : i32
    %jit3A_9 = arith.constant 42 : i32
    %select_n3A_10 = arith.select %eq3A_8, %jit3A, %jit3A_9 : i32
    "tpu.region"() ({
      %run_scoped3A = tpu.sem_alloc : memref<!tpu.dma_semaphore, #tpu.memory_space<semaphore_mem>>
      %dma_start3A_55 = arith.constant 0 : i32
      %dma_start3A_56 = tpu.memref_slice %arg10[%mul3A_0, %dma_start3A_55] : memref<10112x128xf32, #tpu.memory_space<vmem_shared>> -> memref<632x128xf32, #tpu.memory_space<vmem_shared>>
      %dma_start3A_57 = arith.constant 0 : i32
      %dma_start3A_58 = tpu.memref_slice %arg4[%mul3A_0, %dma_start3A_57] : memref<10112x128xf32, #tpu.memory_space<hbm>> -> memref<632x128xf32, #tpu.memory_space<hbm>>
      tpu.enqueue_dma source(%dma_start3A_58 : memref<632x128xf32, #tpu.memory_space<hbm>>) target(%dma_start3A_56 : memref<632x128xf32, #tpu.memory_space<vmem_shared>>) target_semaphore(%run_scoped3A : memref<!tpu.dma_semaphore, #tpu.memory_space<semaphore_mem>>)
      %dma_wait3A = arith.constant 0 : i32
      %dma_wait3A_59 = tpu.memref_slice %arg10[%mul3A_0, %dma_wait3A] : memref<10112x128xf32, #tpu.memory_space<vmem_shared>> -> memref<632x128xf32, #tpu.memory_space<vmem_shared>>
      %dma_wait3A_60 = arith.constant 0 : i32
      %dma_wait3A_61 = tpu.memref_slice %arg4[%mul3A_0, %dma_wait3A_60] : memref<10112x128xf32, #tpu.memory_space<hbm>> -> memref<632x128xf32, #tpu.memory_space<hbm>>
      tpu.wait_dma2 semaphore(%run_scoped3A : memref<!tpu.dma_semaphore, #tpu.memory_space<semaphore_mem>>) src(%dma_wait3A_61 : memref<632x128xf32, #tpu.memory_space<hbm>>) dst(%dma_wait3A_59 : memref<632x128xf32, #tpu.memory_space<vmem_shared>>)
      tpu.yield
    }) : () -> ()
    "tpu.region"() ({
      %run_scoped3A = tpu.sem_alloc : memref<!tpu.dma_semaphore, #tpu.memory_space<semaphore_mem>>
      %dma_start3A_55 = arith.constant 0 : i32
      %dma_start3A_56 = arith.constant 0 : i32
      %dma_start3A_57 = tpu.memref_slice %arg3[%select_n3A, %dma_start3A_55, %dma_start3A_56] : memref<2560x2x128xi32, #tpu.memory_space<hbm>> -> memref<1x2x128xi32, #tpu.memory_space<hbm>>
      %dma_start3A_58 = tpu.memref_squeeze %dma_start3A_57 : memref<1x2x128xi32, #tpu.memory_space<hbm>> -> memref<2x128xi32, #tpu.memory_space<hbm>>
      %dma_start3A_59 = arith.constant 0 : i32
      %dma_start3A_60 = arith.constant 0 : i32
      %dma_start3A_61 = tpu.memref_slice %arg3[%select_n3A, %dma_start3A_59, %dma_start3A_60] : memref<2560x2x128xi32, #tpu.memory_space<hbm>> -> memref<1x2x128xi32, #tpu.memory_space<hbm>>
      %dma_start3A_62 = tpu.memref_squeeze %dma_start3A_61 : memref<1x2x128xi32, #tpu.memory_space<hbm>> -> memref<2x128xi32, #tpu.memory_space<hbm>>
      tpu.enqueue_dma source(%dma_start3A_62 : memref<2x128xi32, #tpu.memory_space<hbm>>) target(%arg6 : memref<2x128xi32, #tpu.memory_space<vmem>>) target_semaphore(%run_scoped3A : memref<!tpu.dma_semaphore, #tpu.memory_space<semaphore_mem>>)
      %dma_wait3A = arith.constant 0 : i32
      %dma_wait3A_63 = arith.constant 0 : i32
      %dma_wait3A_64 = tpu.memref_slice %arg3[%select_n3A, %dma_wait3A, %dma_wait3A_63] : memref<2560x2x128xi32, #tpu.memory_space<hbm>> -> memref<1x2x128xi32, #tpu.memory_space<hbm>>
      %dma_wait3A_65 = tpu.memref_squeeze %dma_wait3A_64 : memref<1x2x128xi32, #tpu.memory_space<hbm>> -> memref<2x128xi32, #tpu.memory_space<hbm>>
      %dma_wait3A_66 = arith.constant 0 : i32
      %dma_wait3A_67 = arith.constant 0 : i32
      %dma_wait3A_68 = tpu.memref_slice %arg3[%select_n3A, %dma_wait3A_66, %dma_wait3A_67] : memref<2560x2x128xi32, #tpu.memory_space<hbm>> -> memref<1x2x128xi32, #tpu.memory_space<hbm>>
      %dma_wait3A_69 = tpu.memref_squeeze %dma_wait3A_68 : memref<1x2x128xi32, #tpu.memory_space<hbm>> -> memref<2x128xi32, #tpu.memory_space<hbm>>
      tpu.wait_dma2 semaphore(%run_scoped3A : memref<!tpu.dma_semaphore, #tpu.memory_space<semaphore_mem>>) src(%dma_wait3A_69 : memref<2x128xi32, #tpu.memory_space<hbm>>) dst(%arg6 : memref<2x128xi32, #tpu.memory_space<vmem>>)
      tpu.yield
    }) : () -> ()
    %dma_start3A = arith.constant 0 : i32
    %dma_start3A_11 = arith.constant 0 : i32
    %dma_start3A_12 = tpu.memref_slice %arg6[%dma_start3A, %dma_start3A_11] : memref<2x128xi32, #tpu.memory_space<vmem>> -> memref<1x128xi32, #tpu.memory_space<vmem>>
    %dma_start3A_13 = tpu.memref_squeeze %dma_start3A_12 : memref<1x128xi32, #tpu.memory_space<vmem>> -> memref<128xi32, #tpu.memory_space<vmem>>
    %dma_start3A_14 = arith.constant 0 : i32
    %dma_start3A_15 = arith.constant 0 : i32
    %dma_start3A_16 = tpu.memref_slice %arg2[%dma_start3A_14, %dma_start3A_15] : memref<10000x128xf32, #tpu.memory_space<hbm>> -> memref<10000x128xf32, #tpu.memory_space<hbm>>
    tpu.enqueue_indirect_dma source(%dma_start3A_16 : memref<10000x128xf32, #tpu.memory_space<hbm>>) target(%arg8 : memref<128x128xf32, #tpu.memory_space<vmem>>) offsets(%dma_start3A_13 : memref<128xi32, #tpu.memory_space<vmem>>) semaphore(%arg11 : memref<!tpu.dma_semaphore, #tpu.memory_space<semaphore_mem>>)
    %add3A_17 = arith.constant 1 : i32
    %add3A_18 = arith.addi %select_n3A, %add3A_17 : i32
    %dma_start3A_19 = arith.constant 0 : i32
    %dma_start3A_20 = arith.constant 0 : i32
    %dma_start3A_21 = tpu.memref_slice %arg3[%add3A_18, %dma_start3A_19, %dma_start3A_20] : memref<2560x2x128xi32, #tpu.memory_space<hbm>> -> memref<1x2x128xi32, #tpu.memory_space<hbm>>
    %dma_start3A_22 = tpu.memref_squeeze %dma_start3A_21 : memref<1x2x128xi32, #tpu.memory_space<hbm>> -> memref<2x128xi32, #tpu.memory_space<hbm>>
    %dma_start3A_23 = arith.constant 0 : i32
    %dma_start3A_24 = arith.constant 0 : i32
    %dma_start3A_25 = tpu.memref_slice %arg3[%add3A_18, %dma_start3A_23, %dma_start3A_24] : memref<2560x2x128xi32, #tpu.memory_space<hbm>> -> memref<1x2x128xi32, #tpu.memory_space<hbm>>
    %dma_start3A_26 = tpu.memref_squeeze %dma_start3A_25 : memref<1x2x128xi32, #tpu.memory_space<hbm>> -> memref<2x128xi32, #tpu.memory_space<hbm>>
    tpu.enqueue_dma source(%dma_start3A_26 : memref<2x128xi32, #tpu.memory_space<hbm>>) target(%arg7 : memref<2x128xi32, #tpu.memory_space<vmem>>) target_semaphore(%arg12 : memref<!tpu.dma_semaphore, #tpu.memory_space<semaphore_mem>>)
    %barrier3A = arith.constant 0 : index
    tpu.barrier barrier_id(%barrier3A)
    %jit3A_27 = arith.constant 2 : i32
    %div3A = arith.divsi %select_n3A_10, %jit3A_27 : i32
    %sign3A = arith.constant 0 : i32
    %sign3A_28 = arith.cmpi sgt, %select_n3A_10, %sign3A : i32
    %sign3A_29 = arith.extui %sign3A_28 : i1 to i32
    %sign3A_30 = arith.constant 0 : i32
    %sign3A_31 = arith.cmpi slt, %select_n3A_10, %sign3A_30 : i32
    %sign3A_32 = arith.extui %sign3A_31 : i1 to i32
    %sign3A_33 = arith.subi %sign3A_29, %sign3A_32 : i32
    %sign3A_34 = arith.constant 0 : i32
    %sign3A_35 = arith.cmpi sgt, %jit3A_27, %sign3A_34 : i32
    %sign3A_36 = arith.extui %sign3A_35 : i1 to i32
    %sign3A_37 = arith.constant 0 : i32
    %sign3A_38 = arith.cmpi slt, %jit3A_27, %sign3A_37 : i32
    %sign3A_39 = arith.extui %sign3A_38 : i1 to i32
    %sign3A_40 = arith.subi %sign3A_36, %sign3A_39 : i32
    %ne3A = arith.cmpi ne, %sign3A_33, %sign3A_40 : i32
    %rem3A = arith.remsi %select_n3A_10, %jit3A_27 : i32
    %ne3A_41 = arith.constant 0 : i32
    %ne3A_42 = arith.cmpi ne, %rem3A, %ne3A_41 : i32
    %and3A = arith.andi %ne3A, %ne3A_42 : i1
    %sub3A = arith.constant 1 : i32
    %sub3A_43 = arith.subi %div3A, %sub3A : i32
    %select_n3A_44 = arith.select %and3A, %sub3A_43, %div3A : i32
    %while3A = arith.constant 0 : i32
    %while3A_45 = arith.constant 0 : i32
    %while3A_46 = arith.subi %select_n3A_44, %while3A_45 : i32
    %while3A_47 = arith.addi %while3A_45, %while3A_46 : i32
    %while3A_48 = arith.constant 1 : i32
    %while3A_49 = arith.divsi %while3A_46, %while3A_48 : i32
    %while3A_50 = arith.muli %while3A_49, %while3A_48 : i32
    %while3A_51 = arith.addi %while3A_45, %while3A_50 : i32
    %while3A_52 = arith.constant 1 : i32
    scf.for %while3A_55 = %while3A_45 to %while3A_51 step %while3A_52  : i32 {
      %mul3A_56 = arith.constant 2 : i32
      %mul3A_57 = arith.muli %mul3A_56, %while3A_55 : i32
      %add3A_58 = arith.constant 1 : i32
      %add3A_59 = arith.addi %mul3A_57, %add3A_58 : i32
      %lt3A = arith.cmpi slt, %add3A_59, %select_n3A_10 : i32
      %convert_element_type3A = arith.extui %lt3A : i1 to i32
      %cond3A = arith.constant 0 : i32
      %cond3A_60 = arith.cmpi ne, %convert_element_type3A, %cond3A : i32
      scf.if %cond3A_60 {
        %add3A_97 = arith.addi %select_n3A, %mul3A_57 : i32
        %add3A_98 = arith.constant 1 : i32
        %add3A_99 = arith.addi %add3A_97, %add3A_98 : i32
        %dma_wait3A_100 = arith.constant 0 : i32
        %dma_wait3A_101 = arith.constant 0 : i32
        %dma_wait3A_102 = tpu.memref_slice %arg3[%add3A_99, %dma_wait3A_100, %dma_wait3A_101] : memref<2560x2x128xi32, #tpu.memory_space<hbm>> -> memref<1x2x128xi32, #tpu.memory_space<hbm>>
        %dma_wait3A_103 = tpu.memref_squeeze %dma_wait3A_102 : memref<1x2x128xi32, #tpu.memory_space<hbm>> -> memref<2x128xi32, #tpu.memory_space<hbm>>
        %dma_wait3A_104 = arith.constant 0 : i32
        %dma_wait3A_105 = arith.constant 0 : i32
        %dma_wait3A_106 = tpu.memref_slice %arg3[%add3A_99, %dma_wait3A_104, %dma_wait3A_105] : memref<2560x2x128xi32, #tpu.memory_space<hbm>> -> memref<1x2x128xi32, #tpu.memory_space<hbm>>
        %dma_wait3A_107 = tpu.memref_squeeze %dma_wait3A_106 : memref<1x2x128xi32, #tpu.memory_space<hbm>> -> memref<2x128xi32, #tpu.memory_space<hbm>>
        tpu.wait_dma2 semaphore(%arg12 : memref<!tpu.dma_semaphore, #tpu.memory_space<semaphore_mem>>) src(%dma_wait3A_107 : memref<2x128xi32, #tpu.memory_space<hbm>>) dst(%arg7 : memref<2x128xi32, #tpu.memory_space<vmem>>)
        %dma_start3A_108 = arith.constant 0 : i32
        %dma_start3A_109 = arith.constant 0 : i32
        %dma_start3A_110 = tpu.memref_slice %arg7[%dma_start3A_108, %dma_start3A_109] : memref<2x128xi32, #tpu.memory_space<vmem>> -> memref<1x128xi32, #tpu.memory_space<vmem>>
        %dma_start3A_111 = tpu.memref_squeeze %dma_start3A_110 : memref<1x128xi32, #tpu.memory_space<vmem>> -> memref<128xi32, #tpu.memory_space<vmem>>
        %dma_start3A_112 = arith.constant 0 : i32
        %dma_start3A_113 = arith.constant 0 : i32
        %dma_start3A_114 = tpu.memref_slice %arg2[%dma_start3A_112, %dma_start3A_113] : memref<10000x128xf32, #tpu.memory_space<hbm>> -> memref<10000x128xf32, #tpu.memory_space<hbm>>
        tpu.enqueue_indirect_dma source(%dma_start3A_114 : memref<10000x128xf32, #tpu.memory_space<hbm>>) target(%arg9 : memref<128x128xf32, #tpu.memory_space<vmem>>) offsets(%dma_start3A_111 : memref<128xi32, #tpu.memory_space<vmem>>) semaphore(%arg11 : memref<!tpu.dma_semaphore, #tpu.memory_space<semaphore_mem>>)
      } else {
      }
      %dma_wait3A = arith.constant 0 : i32
      %dma_wait3A_61 = arith.constant 0 : i32
      %dma_wait3A_62 = tpu.memref_slice %arg6[%dma_wait3A, %dma_wait3A_61] : memref<2x128xi32, #tpu.memory_space<vmem>> -> memref<1x128xi32, #tpu.memory_space<vmem>>
      %dma_wait3A_63 = tpu.memref_squeeze %dma_wait3A_62 : memref<1x128xi32, #tpu.memory_space<vmem>> -> memref<128xi32, #tpu.memory_space<vmem>>
      %dma_wait3A_64 = arith.constant 0 : i32
      %dma_wait3A_65 = arith.constant 0 : i32
      %dma_wait3A_66 = tpu.memref_slice %arg2[%dma_wait3A_64, %dma_wait3A_65] : memref<10000x128xf32, #tpu.memory_space<hbm>> -> memref<10000x128xf32, #tpu.memory_space<hbm>>
      tpu.wait_indirect_dma semaphore(%arg11 : memref<!tpu.dma_semaphore, #tpu.memory_space<semaphore_mem>>) src(%dma_wait3A_66 : memref<10000x128xf32, #tpu.memory_space<hbm>>) dst(%arg8 : memref<128x128xf32, #tpu.memory_space<vmem>>)
      %run_scoped3A = arith.constant 1 : i32
      "tpu.region"() ({
        %run_scoped3A_97 = tpu.sem_alloc : memref<!tpu.dma_semaphore, #tpu.memory_space<semaphore_mem>>
        %dma_start3A_98 = arith.constant 0 : i32
        %dma_start3A_99 = tpu.memref_slice %arg6[%run_scoped3A, %dma_start3A_98] : memref<2x128xi32, #tpu.memory_space<vmem>> -> memref<1x128xi32, #tpu.memory_space<vmem>>
        %dma_start3A_100 = tpu.memref_squeeze %dma_start3A_99 : memref<1x128xi32, #tpu.memory_space<vmem>> -> memref<128xi32, #tpu.memory_space<vmem>>
        %dma_start3A_101 = arith.constant 0 : i32
        %dma_start3A_102 = arith.constant 0 : i32
        %dma_start3A_103 = tpu.memref_slice %arg10[%dma_start3A_101, %dma_start3A_102] : memref<10112x128xf32, #tpu.memory_space<vmem_shared>> -> memref<10112x128xf32, #tpu.memory_space<vmem_shared>>
        tpu.enqueue_indirect_dma source(%arg8 : memref<128x128xf32, #tpu.memory_space<vmem>>) target(%dma_start3A_103 : memref<10112x128xf32, #tpu.memory_space<vmem_shared>>) offsets(%dma_start3A_100 : memref<128xi32, #tpu.memory_space<vmem>>) semaphore(%run_scoped3A_97 : memref<!tpu.dma_semaphore, #tpu.memory_space<semaphore_mem>>) {add = true}
        %dma_wait3A_104 = arith.constant 0 : i32
        %dma_wait3A_105 = tpu.memref_slice %arg6[%run_scoped3A, %dma_wait3A_104] : memref<2x128xi32, #tpu.memory_space<vmem>> -> memref<1x128xi32, #tpu.memory_space<vmem>>
        %dma_wait3A_106 = tpu.memref_squeeze %dma_wait3A_105 : memref<1x128xi32, #tpu.memory_space<vmem>> -> memref<128xi32, #tpu.memory_space<vmem>>
        %dma_wait3A_107 = arith.constant 0 : i32
        %dma_wait3A_108 = arith.constant 0 : i32
        %dma_wait3A_109 = tpu.memref_slice %arg10[%dma_wait3A_107, %dma_wait3A_108] : memref<10112x128xf32, #tpu.memory_space<vmem_shared>> -> memref<10112x128xf32, #tpu.memory_space<vmem_shared>>
        tpu.wait_indirect_dma semaphore(%run_scoped3A_97 : memref<!tpu.dma_semaphore, #tpu.memory_space<semaphore_mem>>) src(%arg8 : memref<128x128xf32, #tpu.memory_space<vmem>>) dst(%dma_wait3A_109 : memref<10112x128xf32, #tpu.memory_space<vmem_shared>>)
        tpu.yield
      }) : () -> ()
      %add3A_67 = arith.constant 2 : i32
      %add3A_68 = arith.addi %mul3A_57, %add3A_67 : i32
      %lt3A_69 = arith.cmpi slt, %add3A_68, %select_n3A_10 : i32
      %convert_element_type3A_70 = arith.extui %lt3A_69 : i1 to i32
      %cond3A_71 = arith.constant 0 : i32
      %cond3A_72 = arith.cmpi ne, %convert_element_type3A_70, %cond3A_71 : i32
      scf.if %cond3A_72 {
        %add3A_97 = arith.addi %select_n3A, %mul3A_57 : i32
        %add3A_98 = arith.constant 2 : i32
        %add3A_99 = arith.addi %add3A_97, %add3A_98 : i32
        %dma_start3A_100 = arith.constant 0 : i32
        %dma_start3A_101 = arith.constant 0 : i32
        %dma_start3A_102 = tpu.memref_slice %arg3[%add3A_99, %dma_start3A_100, %dma_start3A_101] : memref<2560x2x128xi32, #tpu.memory_space<hbm>> -> memref<1x2x128xi32, #tpu.memory_space<hbm>>
        %dma_start3A_103 = tpu.memref_squeeze %dma_start3A_102 : memref<1x2x128xi32, #tpu.memory_space<hbm>> -> memref<2x128xi32, #tpu.memory_space<hbm>>
        %dma_start3A_104 = arith.constant 0 : i32
        %dma_start3A_105 = arith.constant 0 : i32
        %dma_start3A_106 = tpu.memref_slice %arg3[%add3A_99, %dma_start3A_104, %dma_start3A_105] : memref<2560x2x128xi32, #tpu.memory_space<hbm>> -> memref<1x2x128xi32, #tpu.memory_space<hbm>>
        %dma_start3A_107 = tpu.memref_squeeze %dma_start3A_106 : memref<1x2x128xi32, #tpu.memory_space<hbm>> -> memref<2x128xi32, #tpu.memory_space<hbm>>
        tpu.enqueue_dma source(%dma_start3A_107 : memref<2x128xi32, #tpu.memory_space<hbm>>) target(%arg6 : memref<2x128xi32, #tpu.memory_space<vmem>>) target_semaphore(%arg12 : memref<!tpu.dma_semaphore, #tpu.memory_space<semaphore_mem>>)
      } else {
      }
      %mul3A_73 = arith.constant 2 : i32
      %mul3A_74 = arith.muli %mul3A_73, %while3A_55 : i32
      %add3A_75 = arith.constant 1 : i32
      %add3A_76 = arith.addi %mul3A_74, %add3A_75 : i32
      %add3A_77 = arith.constant 1 : i32
      %add3A_78 = arith.addi %add3A_76, %add3A_77 : i32
      %lt3A_79 = arith.cmpi slt, %add3A_78, %select_n3A_10 : i32
      %convert_element_type3A_80 = arith.extui %lt3A_79 : i1 to i32
      %cond3A_81 = arith.constant 0 : i32
      %cond3A_82 = arith.cmpi ne, %convert_element_type3A_80, %cond3A_81 : i32
      scf.if %cond3A_82 {
        %add3A_97 = arith.addi %select_n3A, %add3A_76 : i32
        %add3A_98 = arith.constant 1 : i32
        %add3A_99 = arith.addi %add3A_97, %add3A_98 : i32
        %dma_wait3A_100 = arith.constant 0 : i32
        %dma_wait3A_101 = arith.constant 0 : i32
        %dma_wait3A_102 = tpu.memref_slice %arg3[%add3A_99, %dma_wait3A_100, %dma_wait3A_101] : memref<2560x2x128xi32, #tpu.memory_space<hbm>> -> memref<1x2x128xi32, #tpu.memory_space<hbm>>
        %dma_wait3A_103 = tpu.memref_squeeze %dma_wait3A_102 : memref<1x2x128xi32, #tpu.memory_space<hbm>> -> memref<2x128xi32, #tpu.memory_space<hbm>>
        %dma_wait3A_104 = arith.constant 0 : i32
        %dma_wait3A_105 = arith.constant 0 : i32
        %dma_wait3A_106 = tpu.memref_slice %arg3[%add3A_99, %dma_wait3A_104, %dma_wait3A_105] : memref<2560x2x128xi32, #tpu.memory_space<hbm>> -> memref<1x2x128xi32, #tpu.memory_space<hbm>>
        %dma_wait3A_107 = tpu.memref_squeeze %dma_wait3A_106 : memref<1x2x128xi32, #tpu.memory_space<hbm>> -> memref<2x128xi32, #tpu.memory_space<hbm>>
        tpu.wait_dma2 semaphore(%arg12 : memref<!tpu.dma_semaphore, #tpu.memory_space<semaphore_mem>>) src(%dma_wait3A_107 : memref<2x128xi32, #tpu.memory_space<hbm>>) dst(%arg6 : memref<2x128xi32, #tpu.memory_space<vmem>>)
        %dma_start3A_108 = arith.constant 0 : i32
        %dma_start3A_109 = arith.constant 0 : i32
        %dma_start3A_110 = tpu.memref_slice %arg6[%dma_start3A_108, %dma_start3A_109] : memref<2x128xi32, #tpu.memory_space<vmem>> -> memref<1x128xi32, #tpu.memory_space<vmem>>
        %dma_start3A_111 = tpu.memref_squeeze %dma_start3A_110 : memref<1x128xi32, #tpu.memory_space<vmem>> -> memref<128xi32, #tpu.memory_space<vmem>>
        %dma_start3A_112 = arith.constant 0 : i32
        %dma_start3A_113 = arith.constant 0 : i32
        %dma_start3A_114 = tpu.memref_slice %arg2[%dma_start3A_112, %dma_start3A_113] : memref<10000x128xf32, #tpu.memory_space<hbm>> -> memref<10000x128xf32, #tpu.memory_space<hbm>>
        tpu.enqueue_indirect_dma source(%dma_start3A_114 : memref<10000x128xf32, #tpu.memory_space<hbm>>) target(%arg8 : memref<128x128xf32, #tpu.memory_space<vmem>>) offsets(%dma_start3A_111 : memref<128xi32, #tpu.memory_space<vmem>>) semaphore(%arg11 : memref<!tpu.dma_semaphore, #tpu.memory_space<semaphore_mem>>)
      } else {
      }
      %dma_wait3A_83 = arith.constant 0 : i32
      %dma_wait3A_84 = arith.constant 0 : i32
      %dma_wait3A_85 = tpu.memref_slice %arg7[%dma_wait3A_83, %dma_wait3A_84] : memref<2x128xi32, #tpu.memory_space<vmem>> -> memref<1x128xi32, #tpu.memory_space<vmem>>
      %dma_wait3A_86 = tpu.memref_squeeze %dma_wait3A_85 : memref<1x128xi32, #tpu.memory_space<vmem>> -> memref<128xi32, #tpu.memory_space<vmem>>
      %dma_wait3A_87 = arith.constant 0 : i32
      %dma_wait3A_88 = arith.constant 0 : i32
      %dma_wait3A_89 = tpu.memref_slice %arg2[%dma_wait3A_87, %dma_wait3A_88] : memref<10000x128xf32, #tpu.memory_space<hbm>> -> memref<10000x128xf32, #tpu.memory_space<hbm>>
      tpu.wait_indirect_dma semaphore(%arg11 : memref<!tpu.dma_semaphore, #tpu.memory_space<semaphore_mem>>) src(%dma_wait3A_89 : memref<10000x128xf32, #tpu.memory_space<hbm>>) dst(%arg9 : memref<128x128xf32, #tpu.memory_space<vmem>>)
      %run_scoped3A_90 = arith.constant 1 : i32
      "tpu.region"() ({
        %run_scoped3A_97 = tpu.sem_alloc : memref<!tpu.dma_semaphore, #tpu.memory_space<semaphore_mem>>
        %dma_start3A_98 = arith.constant 0 : i32
        %dma_start3A_99 = tpu.memref_slice %arg7[%run_scoped3A_90, %dma_start3A_98] : memref<2x128xi32, #tpu.memory_space<vmem>> -> memref<1x128xi32, #tpu.memory_space<vmem>>
        %dma_start3A_100 = tpu.memref_squeeze %dma_start3A_99 : memref<1x128xi32, #tpu.memory_space<vmem>> -> memref<128xi32, #tpu.memory_space<vmem>>
        %dma_start3A_101 = arith.constant 0 : i32
        %dma_start3A_102 = arith.constant 0 : i32
        %dma_start3A_103 = tpu.memref_slice %arg10[%dma_start3A_101, %dma_start3A_102] : memref<10112x128xf32, #tpu.memory_space<vmem_shared>> -> memref<10112x128xf32, #tpu.memory_space<vmem_shared>>
        tpu.enqueue_indirect_dma source(%arg9 : memref<128x128xf32, #tpu.memory_space<vmem>>) target(%dma_start3A_103 : memref<10112x128xf32, #tpu.memory_space<vmem_shared>>) offsets(%dma_start3A_100 : memref<128xi32, #tpu.memory_space<vmem>>) semaphore(%run_scoped3A_97 : memref<!tpu.dma_semaphore, #tpu.memory_space<semaphore_mem>>) {add = true}
        %dma_wait3A_104 = arith.constant 0 : i32
        %dma_wait3A_105 = tpu.memref_slice %arg7[%run_scoped3A_90, %dma_wait3A_104] : memref<2x128xi32, #tpu.memory_space<vmem>> -> memref<1x128xi32, #tpu.memory_space<vmem>>
        %dma_wait3A_106 = tpu.memref_squeeze %dma_wait3A_105 : memref<1x128xi32, #tpu.memory_space<vmem>> -> memref<128xi32, #tpu.memory_space<vmem>>
        %dma_wait3A_107 = arith.constant 0 : i32
        %dma_wait3A_108 = arith.constant 0 : i32
        %dma_wait3A_109 = tpu.memref_slice %arg10[%dma_wait3A_107, %dma_wait3A_108] : memref<10112x128xf32, #tpu.memory_space<vmem_shared>> -> memref<10112x128xf32, #tpu.memory_space<vmem_shared>>
        tpu.wait_indirect_dma semaphore(%run_scoped3A_97 : memref<!tpu.dma_semaphore, #tpu.memory_space<semaphore_mem>>) src(%arg9 : memref<128x128xf32, #tpu.memory_space<vmem>>) dst(%dma_wait3A_109 : memref<10112x128xf32, #tpu.memory_space<vmem_shared>>)
        tpu.yield
      }) : () -> ()
      %add3A_91 = arith.constant 2 : i32
      %add3A_92 = arith.addi %add3A_76, %add3A_91 : i32
      %lt3A_93 = arith.cmpi slt, %add3A_92, %select_n3A_10 : i32
      %convert_element_type3A_94 = arith.extui %lt3A_93 : i1 to i32
      %cond3A_95 = arith.constant 0 : i32
      %cond3A_96 = arith.cmpi ne, %convert_element_type3A_94, %cond3A_95 : i32
      scf.if %cond3A_96 {
        %add3A_97 = arith.addi %select_n3A, %add3A_76 : i32
        %add3A_98 = arith.constant 2 : i32
        %add3A_99 = arith.addi %add3A_97, %add3A_98 : i32
        %dma_start3A_100 = arith.constant 0 : i32
        %dma_start3A_101 = arith.constant 0 : i32
        %dma_start3A_102 = tpu.memref_slice %arg3[%add3A_99, %dma_start3A_100, %dma_start3A_101] : memref<2560x2x128xi32, #tpu.memory_space<hbm>> -> memref<1x2x128xi32, #tpu.memory_space<hbm>>
        %dma_start3A_103 = tpu.memref_squeeze %dma_start3A_102 : memref<1x2x128xi32, #tpu.memory_space<hbm>> -> memref<2x128xi32, #tpu.memory_space<hbm>>
        %dma_start3A_104 = arith.constant 0 : i32
        %dma_start3A_105 = arith.constant 0 : i32
        %dma_start3A_106 = tpu.memref_slice %arg3[%add3A_99, %dma_start3A_104, %dma_start3A_105] : memref<2560x2x128xi32, #tpu.memory_space<hbm>> -> memref<1x2x128xi32, #tpu.memory_space<hbm>>
        %dma_start3A_107 = tpu.memref_squeeze %dma_start3A_106 : memref<1x2x128xi32, #tpu.memory_space<hbm>> -> memref<2x128xi32, #tpu.memory_space<hbm>>
        tpu.enqueue_dma source(%dma_start3A_107 : memref<2x128xi32, #tpu.memory_space<hbm>>) target(%arg7 : memref<2x128xi32, #tpu.memory_space<vmem>>) target_semaphore(%arg12 : memref<!tpu.dma_semaphore, #tpu.memory_space<semaphore_mem>>)
      } else {
      }
    }
    %while3A_53 = arith.constant 1 : i32
    scf.for %while3A_55 = %while3A_51 to %while3A_47 step %while3A_53  : i32 {
      %mul3A_56 = arith.constant 2 : i32
      %mul3A_57 = arith.muli %mul3A_56, %while3A_55 : i32
      %add3A_58 = arith.constant 1 : i32
      %add3A_59 = arith.addi %mul3A_57, %add3A_58 : i32
      %lt3A = arith.cmpi slt, %add3A_59, %select_n3A_10 : i32
      %convert_element_type3A = arith.extui %lt3A : i1 to i32
      %cond3A = arith.constant 0 : i32
      %cond3A_60 = arith.cmpi ne, %convert_element_type3A, %cond3A : i32
      scf.if %cond3A_60 {
        %add3A_97 = arith.addi %select_n3A, %mul3A_57 : i32
        %add3A_98 = arith.constant 1 : i32
        %add3A_99 = arith.addi %add3A_97, %add3A_98 : i32
        %dma_wait3A_100 = arith.constant 0 : i32
        %dma_wait3A_101 = arith.constant 0 : i32
        %dma_wait3A_102 = tpu.memref_slice %arg3[%add3A_99, %dma_wait3A_100, %dma_wait3A_101] : memref<2560x2x128xi32, #tpu.memory_space<hbm>> -> memref<1x2x128xi32, #tpu.memory_space<hbm>>
        %dma_wait3A_103 = tpu.memref_squeeze %dma_wait3A_102 : memref<1x2x128xi32, #tpu.memory_space<hbm>> -> memref<2x128xi32, #tpu.memory_space<hbm>>
        %dma_wait3A_104 = arith.constant 0 : i32
        %dma_wait3A_105 = arith.constant 0 : i32
        %dma_wait3A_106 = tpu.memref_slice %arg3[%add3A_99, %dma_wait3A_104, %dma_wait3A_105] : memref<2560x2x128xi32, #tpu.memory_space<hbm>> -> memref<1x2x128xi32, #tpu.memory_space<hbm>>
        %dma_wait3A_107 = tpu.memref_squeeze %dma_wait3A_106 : memref<1x2x128xi32, #tpu.memory_space<hbm>> -> memref<2x128xi32, #tpu.memory_space<hbm>>
        tpu.wait_dma2 semaphore(%arg12 : memref<!tpu.dma_semaphore, #tpu.memory_space<semaphore_mem>>) src(%dma_wait3A_107 : memref<2x128xi32, #tpu.memory_space<hbm>>) dst(%arg7 : memref<2x128xi32, #tpu.memory_space<vmem>>)
        %dma_start3A_108 = arith.constant 0 : i32
        %dma_start3A_109 = arith.constant 0 : i32
        %dma_start3A_110 = tpu.memref_slice %arg7[%dma_start3A_108, %dma_start3A_109] : memref<2x128xi32, #tpu.memory_space<vmem>> -> memref<1x128xi32, #tpu.memory_space<vmem>>
        %dma_start3A_111 = tpu.memref_squeeze %dma_start3A_110 : memref<1x128xi32, #tpu.memory_space<vmem>> -> memref<128xi32, #tpu.memory_space<vmem>>
        %dma_start3A_112 = arith.constant 0 : i32
        %dma_start3A_113 = arith.constant 0 : i32
        %dma_start3A_114 = tpu.memref_slice %arg2[%dma_start3A_112, %dma_start3A_113] : memref<10000x128xf32, #tpu.memory_space<hbm>> -> memref<10000x128xf32, #tpu.memory_space<hbm>>
        tpu.enqueue_indirect_dma source(%dma_start3A_114 : memref<10000x128xf32, #tpu.memory_space<hbm>>) target(%arg9 : memref<128x128xf32, #tpu.memory_space<vmem>>) offsets(%dma_start3A_111 : memref<128xi32, #tpu.memory_space<vmem>>) semaphore(%arg11 : memref<!tpu.dma_semaphore, #tpu.memory_space<semaphore_mem>>)
      } else {
      }
      %dma_wait3A = arith.constant 0 : i32
      %dma_wait3A_61 = arith.constant 0 : i32
      %dma_wait3A_62 = tpu.memref_slice %arg6[%dma_wait3A, %dma_wait3A_61] : memref<2x128xi32, #tpu.memory_space<vmem>> -> memref<1x128xi32, #tpu.memory_space<vmem>>
      %dma_wait3A_63 = tpu.memref_squeeze %dma_wait3A_62 : memref<1x128xi32, #tpu.memory_space<vmem>> -> memref<128xi32, #tpu.memory_space<vmem>>
      %dma_wait3A_64 = arith.constant 0 : i32
      %dma_wait3A_65 = arith.constant 0 : i32
      %dma_wait3A_66 = tpu.memref_slice %arg2[%dma_wait3A_64, %dma_wait3A_65] : memref<10000x128xf32, #tpu.memory_space<hbm>> -> memref<10000x128xf32, #tpu.memory_space<hbm>>
      tpu.wait_indirect_dma semaphore(%arg11 : memref<!tpu.dma_semaphore, #tpu.memory_space<semaphore_mem>>) src(%dma_wait3A_66 : memref<10000x128xf32, #tpu.memory_space<hbm>>) dst(%arg8 : memref<128x128xf32, #tpu.memory_space<vmem>>)
      %run_scoped3A = arith.constant 1 : i32
      "tpu.region"() ({
        %run_scoped3A_97 = tpu.sem_alloc : memref<!tpu.dma_semaphore, #tpu.memory_space<semaphore_mem>>
        %dma_start3A_98 = arith.constant 0 : i32
        %dma_start3A_99 = tpu.memref_slice %arg6[%run_scoped3A, %dma_start3A_98] : memref<2x128xi32, #tpu.memory_space<vmem>> -> memref<1x128xi32, #tpu.memory_space<vmem>>
        %dma_start3A_100 = tpu.memref_squeeze %dma_start3A_99 : memref<1x128xi32, #tpu.memory_space<vmem>> -> memref<128xi32, #tpu.memory_space<vmem>>
        %dma_start3A_101 = arith.constant 0 : i32
        %dma_start3A_102 = arith.constant 0 : i32
        %dma_start3A_103 = tpu.memref_slice %arg10[%dma_start3A_101, %dma_start3A_102] : memref<10112x128xf32, #tpu.memory_space<vmem_shared>> -> memref<10112x128xf32, #tpu.memory_space<vmem_shared>>
        tpu.enqueue_indirect_dma source(%arg8 : memref<128x128xf32, #tpu.memory_space<vmem>>) target(%dma_start3A_103 : memref<10112x128xf32, #tpu.memory_space<vmem_shared>>) offsets(%dma_start3A_100 : memref<128xi32, #tpu.memory_space<vmem>>) semaphore(%run_scoped3A_97 : memref<!tpu.dma_semaphore, #tpu.memory_space<semaphore_mem>>) {add = true}
        %dma_wait3A_104 = arith.constant 0 : i32
        %dma_wait3A_105 = tpu.memref_slice %arg6[%run_scoped3A, %dma_wait3A_104] : memref<2x128xi32, #tpu.memory_space<vmem>> -> memref<1x128xi32, #tpu.memory_space<vmem>>
        %dma_wait3A_106 = tpu.memref_squeeze %dma_wait3A_105 : memref<1x128xi32, #tpu.memory_space<vmem>> -> memref<128xi32, #tpu.memory_space<vmem>>
        %dma_wait3A_107 = arith.constant 0 : i32
        %dma_wait3A_108 = arith.constant 0 : i32
        %dma_wait3A_109 = tpu.memref_slice %arg10[%dma_wait3A_107, %dma_wait3A_108] : memref<10112x128xf32, #tpu.memory_space<vmem_shared>> -> memref<10112x128xf32, #tpu.memory_space<vmem_shared>>
        tpu.wait_indirect_dma semaphore(%run_scoped3A_97 : memref<!tpu.dma_semaphore, #tpu.memory_space<semaphore_mem>>) src(%arg8 : memref<128x128xf32, #tpu.memory_space<vmem>>) dst(%dma_wait3A_109 : memref<10112x128xf32, #tpu.memory_space<vmem_shared>>)
        tpu.yield
      }) : () -> ()
      %add3A_67 = arith.constant 2 : i32
      %add3A_68 = arith.addi %mul3A_57, %add3A_67 : i32
      %lt3A_69 = arith.cmpi slt, %add3A_68, %select_n3A_10 : i32
      %convert_element_type3A_70 = arith.extui %lt3A_69 : i1 to i32
      %cond3A_71 = arith.constant 0 : i32
      %cond3A_72 = arith.cmpi ne, %convert_element_type3A_70, %cond3A_71 : i32
      scf.if %cond3A_72 {
        %add3A_97 = arith.addi %select_n3A, %mul3A_57 : i32
        %add3A_98 = arith.constant 2 : i32
        %add3A_99 = arith.addi %add3A_97, %add3A_98 : i32
        %dma_start3A_100 = arith.constant 0 : i32
        %dma_start3A_101 = arith.constant 0 : i32
        %dma_start3A_102 = tpu.memref_slice %arg3[%add3A_99, %dma_start3A_100, %dma_start3A_101] : memref<2560x2x128xi32, #tpu.memory_space<hbm>> -> memref<1x2x128xi32, #tpu.memory_space<hbm>>
        %dma_start3A_103 = tpu.memref_squeeze %dma_start3A_102 : memref<1x2x128xi32, #tpu.memory_space<hbm>> -> memref<2x128xi32, #tpu.memory_space<hbm>>
        %dma_start3A_104 = arith.constant 0 : i32
        %dma_start3A_105 = arith.constant 0 : i32
        %dma_start3A_106 = tpu.memref_slice %arg3[%add3A_99, %dma_start3A_104, %dma_start3A_105] : memref<2560x2x128xi32, #tpu.memory_space<hbm>> -> memref<1x2x128xi32, #tpu.memory_space<hbm>>
        %dma_start3A_107 = tpu.memref_squeeze %dma_start3A_106 : memref<1x2x128xi32, #tpu.memory_space<hbm>> -> memref<2x128xi32, #tpu.memory_space<hbm>>
        tpu.enqueue_dma source(%dma_start3A_107 : memref<2x128xi32, #tpu.memory_space<hbm>>) target(%arg6 : memref<2x128xi32, #tpu.memory_space<vmem>>) target_semaphore(%arg12 : memref<!tpu.dma_semaphore, #tpu.memory_space<semaphore_mem>>)
      } else {
      }
      %mul3A_73 = arith.constant 2 : i32
      %mul3A_74 = arith.muli %mul3A_73, %while3A_55 : i32
      %add3A_75 = arith.constant 1 : i32
      %add3A_76 = arith.addi %mul3A_74, %add3A_75 : i32
      %add3A_77 = arith.constant 1 : i32
      %add3A_78 = arith.addi %add3A_76, %add3A_77 : i32
      %lt3A_79 = arith.cmpi slt, %add3A_78, %select_n3A_10 : i32
      %convert_element_type3A_80 = arith.extui %lt3A_79 : i1 to i32
      %cond3A_81 = arith.constant 0 : i32
      %cond3A_82 = arith.cmpi ne, %convert_element_type3A_80, %cond3A_81 : i32
      scf.if %cond3A_82 {
        %add3A_97 = arith.addi %select_n3A, %add3A_76 : i32
        %add3A_98 = arith.constant 1 : i32
        %add3A_99 = arith.addi %add3A_97, %add3A_98 : i32
        %dma_wait3A_100 = arith.constant 0 : i32
        %dma_wait3A_101 = arith.constant 0 : i32
        %dma_wait3A_102 = tpu.memref_slice %arg3[%add3A_99, %dma_wait3A_100, %dma_wait3A_101] : memref<2560x2x128xi32, #tpu.memory_space<hbm>> -> memref<1x2x128xi32, #tpu.memory_space<hbm>>
        %dma_wait3A_103 = tpu.memref_squeeze %dma_wait3A_102 : memref<1x2x128xi32, #tpu.memory_space<hbm>> -> memref<2x128xi32, #tpu.memory_space<hbm>>
        %dma_wait3A_104 = arith.constant 0 : i32
        %dma_wait3A_105 = arith.constant 0 : i32
        %dma_wait3A_106 = tpu.memref_slice %arg3[%add3A_99, %dma_wait3A_104, %dma_wait3A_105] : memref<2560x2x128xi32, #tpu.memory_space<hbm>> -> memref<1x2x128xi32, #tpu.memory_space<hbm>>
        %dma_wait3A_107 = tpu.memref_squeeze %dma_wait3A_106 : memref<1x2x128xi32, #tpu.memory_space<hbm>> -> memref<2x128xi32, #tpu.memory_space<hbm>>
        tpu.wait_dma2 semaphore(%arg12 : memref<!tpu.dma_semaphore, #tpu.memory_space<semaphore_mem>>) src(%dma_wait3A_107 : memref<2x128xi32, #tpu.memory_space<hbm>>) dst(%arg6 : memref<2x128xi32, #tpu.memory_space<vmem>>)
        %dma_start3A_108 = arith.constant 0 : i32
        %dma_start3A_109 = arith.constant 0 : i32
        %dma_start3A_110 = tpu.memref_slice %arg6[%dma_start3A_108, %dma_start3A_109] : memref<2x128xi32, #tpu.memory_space<vmem>> -> memref<1x128xi32, #tpu.memory_space<vmem>>
        %dma_start3A_111 = tpu.memref_squeeze %dma_start3A_110 : memref<1x128xi32, #tpu.memory_space<vmem>> -> memref<128xi32, #tpu.memory_space<vmem>>
        %dma_start3A_112 = arith.constant 0 : i32
        %dma_start3A_113 = arith.constant 0 : i32
        %dma_start3A_114 = tpu.memref_slice %arg2[%dma_start3A_112, %dma_start3A_113] : memref<10000x128xf32, #tpu.memory_space<hbm>> -> memref<10000x128xf32, #tpu.memory_space<hbm>>
        tpu.enqueue_indirect_dma source(%dma_start3A_114 : memref<10000x128xf32, #tpu.memory_space<hbm>>) target(%arg8 : memref<128x128xf32, #tpu.memory_space<vmem>>) offsets(%dma_start3A_111 : memref<128xi32, #tpu.memory_space<vmem>>) semaphore(%arg11 : memref<!tpu.dma_semaphore, #tpu.memory_space<semaphore_mem>>)
      } else {
      }
      %dma_wait3A_83 = arith.constant 0 : i32
      %dma_wait3A_84 = arith.constant 0 : i32
      %dma_wait3A_85 = tpu.memref_slice %arg7[%dma_wait3A_83, %dma_wait3A_84] : memref<2x128xi32, #tpu.memory_space<vmem>> -> memref<1x128xi32, #tpu.memory_space<vmem>>
      %dma_wait3A_86 = tpu.memref_squeeze %dma_wait3A_85 : memref<1x128xi32, #tpu.memory_space<vmem>> -> memref<128xi32, #tpu.memory_space<vmem>>
      %dma_wait3A_87 = arith.constant 0 : i32
      %dma_wait3A_88 = arith.constant 0 : i32
      %dma_wait3A_89 = tpu.memref_slice %arg2[%dma_wait3A_87, %dma_wait3A_88] : memref<10000x128xf32, #tpu.memory_space<hbm>> -> memref<10000x128xf32, #tpu.memory_space<hbm>>
      tpu.wait_indirect_dma semaphore(%arg11 : memref<!tpu.dma_semaphore, #tpu.memory_space<semaphore_mem>>) src(%dma_wait3A_89 : memref<10000x128xf32, #tpu.memory_space<hbm>>) dst(%arg9 : memref<128x128xf32, #tpu.memory_space<vmem>>)
      %run_scoped3A_90 = arith.constant 1 : i32
      "tpu.region"() ({
        %run_scoped3A_97 = tpu.sem_alloc : memref<!tpu.dma_semaphore, #tpu.memory_space<semaphore_mem>>
        %dma_start3A_98 = arith.constant 0 : i32
        %dma_start3A_99 = tpu.memref_slice %arg7[%run_scoped3A_90, %dma_start3A_98] : memref<2x128xi32, #tpu.memory_space<vmem>> -> memref<1x128xi32, #tpu.memory_space<vmem>>
        %dma_start3A_100 = tpu.memref_squeeze %dma_start3A_99 : memref<1x128xi32, #tpu.memory_space<vmem>> -> memref<128xi32, #tpu.memory_space<vmem>>
        %dma_start3A_101 = arith.constant 0 : i32
        %dma_start3A_102 = arith.constant 0 : i32
        %dma_start3A_103 = tpu.memref_slice %arg10[%dma_start3A_101, %dma_start3A_102] : memref<10112x128xf32, #tpu.memory_space<vmem_shared>> -> memref<10112x128xf32, #tpu.memory_space<vmem_shared>>
        tpu.enqueue_indirect_dma source(%arg9 : memref<128x128xf32, #tpu.memory_space<vmem>>) target(%dma_start3A_103 : memref<10112x128xf32, #tpu.memory_space<vmem_shared>>) offsets(%dma_start3A_100 : memref<128xi32, #tpu.memory_space<vmem>>) semaphore(%run_scoped3A_97 : memref<!tpu.dma_semaphore, #tpu.memory_space<semaphore_mem>>) {add = true}
        %dma_wait3A_104 = arith.constant 0 : i32
        %dma_wait3A_105 = tpu.memref_slice %arg7[%run_scoped3A_90, %dma_wait3A_104] : memref<2x128xi32, #tpu.memory_space<vmem>> -> memref<1x128xi32, #tpu.memory_space<vmem>>
        %dma_wait3A_106 = tpu.memref_squeeze %dma_wait3A_105 : memref<1x128xi32, #tpu.memory_space<vmem>> -> memref<128xi32, #tpu.memory_space<vmem>>
        %dma_wait3A_107 = arith.constant 0 : i32
        %dma_wait3A_108 = arith.constant 0 : i32
        %dma_wait3A_109 = tpu.memref_slice %arg10[%dma_wait3A_107, %dma_wait3A_108] : memref<10112x128xf32, #tpu.memory_space<vmem_shared>> -> memref<10112x128xf32, #tpu.memory_space<vmem_shared>>
        tpu.wait_indirect_dma semaphore(%run_scoped3A_97 : memref<!tpu.dma_semaphore, #tpu.memory_space<semaphore_mem>>) src(%arg9 : memref<128x128xf32, #tpu.memory_space<vmem>>) dst(%dma_wait3A_109 : memref<10112x128xf32, #tpu.memory_space<vmem_shared>>)
        tpu.yield
      }) : () -> ()
      %add3A_91 = arith.constant 2 : i32
      %add3A_92 = arith.addi %add3A_76, %add3A_91 : i32
      %lt3A_93 = arith.cmpi slt, %add3A_92, %select_n3A_10 : i32
      %convert_element_type3A_94 = arith.extui %lt3A_93 : i1 to i32
      %cond3A_95 = arith.constant 0 : i32
      %cond3A_96 = arith.cmpi ne, %convert_element_type3A_94, %cond3A_95 : i32
      scf.if %cond3A_96 {
        %add3A_97 = arith.addi %select_n3A, %add3A_76 : i32
        %add3A_98 = arith.constant 2 : i32
        %add3A_99 = arith.addi %add3A_97, %add3A_98 : i32
        %dma_start3A_100 = arith.constant 0 : i32
        %dma_start3A_101 = arith.constant 0 : i32
        %dma_start3A_102 = tpu.memref_slice %arg3[%add3A_99, %dma_start3A_100, %dma_start3A_101] : memref<2560x2x128xi32, #tpu.memory_space<hbm>> -> memref<1x2x128xi32, #tpu.memory_space<hbm>>
        %dma_start3A_103 = tpu.memref_squeeze %dma_start3A_102 : memref<1x2x128xi32, #tpu.memory_space<hbm>> -> memref<2x128xi32, #tpu.memory_space<hbm>>
        %dma_start3A_104 = arith.constant 0 : i32
        %dma_start3A_105 = arith.constant 0 : i32
        %dma_start3A_106 = tpu.memref_slice %arg3[%add3A_99, %dma_start3A_104, %dma_start3A_105] : memref<2560x2x128xi32, #tpu.memory_space<hbm>> -> memref<1x2x128xi32, #tpu.memory_space<hbm>>
        %dma_start3A_107 = tpu.memref_squeeze %dma_start3A_106 : memref<1x2x128xi32, #tpu.memory_space<hbm>> -> memref<2x128xi32, #tpu.memory_space<hbm>>
        tpu.enqueue_dma source(%dma_start3A_107 : memref<2x128xi32, #tpu.memory_space<hbm>>) target(%arg7 : memref<2x128xi32, #tpu.memory_space<vmem>>) target_semaphore(%arg12 : memref<!tpu.dma_semaphore, #tpu.memory_space<semaphore_mem>>)
      } else {
      }
    }
    %barrier3A_54 = arith.constant 0 : index
    tpu.barrier barrier_id(%barrier3A_54)
    "tpu.region"() ({
      %run_scoped3A = tpu.sem_alloc : memref<!tpu.dma_semaphore, #tpu.memory_space<semaphore_mem>>
      %dma_start3A_55 = arith.constant 0 : i32
      %dma_start3A_56 = tpu.memref_slice %arg5[%arg0, %mul3A_0, %dma_start3A_55] : memref<2x10112x128xf32, #tpu.memory_space<hbm>> -> memref<1x632x128xf32, #tpu.memory_space<hbm>>
      %dma_start3A_57 = tpu.memref_squeeze %dma_start3A_56 : memref<1x632x128xf32, #tpu.memory_space<hbm>> -> memref<632x128xf32, #tpu.memory_space<hbm>>
      %dma_start3A_58 = arith.constant 0 : i32
      %dma_start3A_59 = tpu.memref_slice %arg10[%mul3A_0, %dma_start3A_58] : memref<10112x128xf32, #tpu.memory_space<vmem_shared>> -> memref<632x128xf32, #tpu.memory_space<vmem_shared>>
      tpu.enqueue_dma source(%dma_start3A_59 : memref<632x128xf32, #tpu.memory_space<vmem_shared>>) target(%dma_start3A_57 : memref<632x128xf32, #tpu.memory_space<hbm>>) target_semaphore(%run_scoped3A : memref<!tpu.dma_semaphore, #tpu.memory_space<semaphore_mem>>)
      %dma_wait3A = arith.constant 0 : i32
      %dma_wait3A_60 = tpu.memref_slice %arg5[%arg0, %mul3A_0, %dma_wait3A] : memref<2x10112x128xf32, #tpu.memory_space<hbm>> -> memref<1x632x128xf32, #tpu.memory_space<hbm>>
      %dma_wait3A_61 = tpu.memref_squeeze %dma_wait3A_60 : memref<1x632x128xf32, #tpu.memory_space<hbm>> -> memref<632x128xf32, #tpu.memory_space<hbm>>
      %dma_wait3A_62 = arith.constant 0 : i32
      %dma_wait3A_63 = tpu.memref_slice %arg10[%mul3A_0, %dma_wait3A_62] : memref<10112x128xf32, #tpu.memory_space<vmem_shared>> -> memref<632x128xf32, #tpu.memory_space<vmem_shared>>
      tpu.wait_dma2 semaphore(%run_scoped3A : memref<!tpu.dma_semaphore, #tpu.memory_space<semaphore_mem>>) src(%dma_wait3A_63 : memref<632x128xf32, #tpu.memory_space<vmem_shared>>) dst(%dma_wait3A_61 : memref<632x128xf32, #tpu.memory_space<hbm>>)
      tpu.yield
    }) : () -> ()
    return
  }
}

#map = affine_map<(d0, d1) -> (0, 0, 0)>
#map1 = affine_map<(d0, d1) -> (0, 0)>
module attributes {stable_mosaic.version = 14 : i64} {
  func.func @_deg_body(%arg0: i32, %arg1: i32, %arg2: memref<2560x2x128xi32, #tpu.memory_space<hbm>>, %arg3: memref<10112x128xf32, #tpu.memory_space<hbm>>, %arg4: memref<128x128xf32, #tpu.memory_space<hbm>>, %arg5: memref<2x10112x128xf32, #tpu.memory_space<hbm>>, %arg6: memref<2x128xi32, #tpu.memory_space<vmem>>, %arg7: memref<2x128xi32, #tpu.memory_space<vmem>>, %arg8: memref<128x128xf32, #tpu.memory_space<vmem>>, %arg9: memref<128x128xf32, #tpu.memory_space<vmem>>, %arg10: memref<10112x128xf32, #tpu.memory_space<vmem_shared>>, %arg11: memref<!tpu.dma_semaphore, #tpu.memory_space<semaphore_mem>>, %arg12: memref<!tpu.dma_semaphore, #tpu.memory_space<semaphore_mem>>) attributes {dimension_semantics = [#tpu.dimension_semantics<core_parallel>, #tpu.dimension_semantics<subcore_parallel>], iteration_bounds = array<i64: 2, 16>, scalar_prefetch = 0 : i64, scratch_operands = 7 : i64, tpu.core_type = #tpu.core_type<sc_vector_subcore>, window_params = [{transform_indices = #map}, {transform_indices = #map1}, {transform_indices = #map1}, {transform_indices = #map}]} {
    %mul3A = arith.constant 16 : i32
    %mul3A_0 = arith.muli %arg0, %mul3A : i32
    %add3A = arith.addi %mul3A_0, %arg1 : i32
    %mul3A_1 = arith.constant 632 : i32
    %mul3A_2 = arith.muli %arg1, %mul3A_1 : i32
    %mul3A_3 = arith.constant 80 : i32
    %mul3A_4 = arith.muli %add3A, %mul3A_3 : i32
    "tpu.region"() ({
      %run_scoped3A_27 = tpu.sem_alloc : memref<!tpu.dma_semaphore, #tpu.memory_space<semaphore_mem>>
      %dma_start3A_28 = arith.constant 0 : i32
      %dma_start3A_29 = tpu.memref_slice %arg10[%mul3A_2, %dma_start3A_28] : memref<10112x128xf32, #tpu.memory_space<vmem_shared>> -> memref<632x128xf32, #tpu.memory_space<vmem_shared>>
      %dma_start3A_30 = arith.constant 0 : i32
      %dma_start3A_31 = tpu.memref_slice %arg3[%mul3A_2, %dma_start3A_30] : memref<10112x128xf32, #tpu.memory_space<hbm>> -> memref<632x128xf32, #tpu.memory_space<hbm>>
      tpu.enqueue_dma source(%dma_start3A_31 : memref<632x128xf32, #tpu.memory_space<hbm>>) target(%dma_start3A_29 : memref<632x128xf32, #tpu.memory_space<vmem_shared>>) target_semaphore(%run_scoped3A_27 : memref<!tpu.dma_semaphore, #tpu.memory_space<semaphore_mem>>)
      %dma_wait3A = arith.constant 0 : i32
      %dma_wait3A_32 = tpu.memref_slice %arg10[%mul3A_2, %dma_wait3A] : memref<10112x128xf32, #tpu.memory_space<vmem_shared>> -> memref<632x128xf32, #tpu.memory_space<vmem_shared>>
      %dma_wait3A_33 = arith.constant 0 : i32
      %dma_wait3A_34 = tpu.memref_slice %arg3[%mul3A_2, %dma_wait3A_33] : memref<10112x128xf32, #tpu.memory_space<hbm>> -> memref<632x128xf32, #tpu.memory_space<hbm>>
      tpu.wait_dma2 semaphore(%run_scoped3A_27 : memref<!tpu.dma_semaphore, #tpu.memory_space<semaphore_mem>>) src(%dma_wait3A_34 : memref<632x128xf32, #tpu.memory_space<hbm>>) dst(%dma_wait3A_32 : memref<632x128xf32, #tpu.memory_space<vmem_shared>>)
      tpu.yield
    }) : () -> ()
    "tpu.region"() ({
      %run_scoped3A_27 = tpu.sem_alloc : memref<!tpu.dma_semaphore, #tpu.memory_space<semaphore_mem>>
      tpu.enqueue_dma source(%arg4 : memref<128x128xf32, #tpu.memory_space<hbm>>) target(%arg9 : memref<128x128xf32, #tpu.memory_space<vmem>>) target_semaphore(%run_scoped3A_27 : memref<!tpu.dma_semaphore, #tpu.memory_space<semaphore_mem>>)
      tpu.wait_dma2 semaphore(%run_scoped3A_27 : memref<!tpu.dma_semaphore, #tpu.memory_space<semaphore_mem>>) src(%arg4 : memref<128x128xf32, #tpu.memory_space<hbm>>) dst(%arg9 : memref<128x128xf32, #tpu.memory_space<vmem>>)
      tpu.yield
    }) : () -> ()
    %run_scoped3A = arith.constant 1 : i32
    %run_scoped3A_5 = arith.constant 1 : i32
    "tpu.region"() ({
      %run_scoped3A_27 = tpu.sem_alloc : memref<!tpu.dma_semaphore, #tpu.memory_space<semaphore_mem>>
      %dma_start3A_28 = arith.constant 0 : i32
      %dma_start3A_29 = tpu.memref_slice %arg6[%run_scoped3A_5, %dma_start3A_28] : memref<2x128xi32, #tpu.memory_space<vmem>> -> memref<1x128xi32, #tpu.memory_space<vmem>>
      %dma_start3A_30 = tpu.memref_squeeze %dma_start3A_29 : memref<1x128xi32, #tpu.memory_space<vmem>> -> memref<128xi32, #tpu.memory_space<vmem>>
      %dma_start3A_31 = arith.constant 0 : i32
      %dma_start3A_32 = tpu.memref_slice %arg2[%mul3A_4, %run_scoped3A, %dma_start3A_31] : memref<2560x2x128xi32, #tpu.memory_space<hbm>> -> memref<1x1x128xi32, #tpu.memory_space<hbm>>
      %dma_start3A_33 = tpu.memref_squeeze %dma_start3A_32 : memref<1x1x128xi32, #tpu.memory_space<hbm>> -> memref<128xi32, #tpu.memory_space<hbm>>
      %dma_start3A_34 = arith.constant 0 : i32
      %dma_start3A_35 = tpu.memref_slice %arg6[%run_scoped3A_5, %dma_start3A_34] : memref<2x128xi32, #tpu.memory_space<vmem>> -> memref<1x128xi32, #tpu.memory_space<vmem>>
      %dma_start3A_36 = tpu.memref_squeeze %dma_start3A_35 : memref<1x128xi32, #tpu.memory_space<vmem>> -> memref<128xi32, #tpu.memory_space<vmem>>
      %dma_start3A_37 = arith.constant 0 : i32
      %dma_start3A_38 = tpu.memref_slice %arg2[%mul3A_4, %run_scoped3A, %dma_start3A_37] : memref<2560x2x128xi32, #tpu.memory_space<hbm>> -> memref<1x1x128xi32, #tpu.memory_space<hbm>>
      %dma_start3A_39 = tpu.memref_squeeze %dma_start3A_38 : memref<1x1x128xi32, #tpu.memory_space<hbm>> -> memref<128xi32, #tpu.memory_space<hbm>>
      tpu.enqueue_dma source(%dma_start3A_39 : memref<128xi32, #tpu.memory_space<hbm>>) target(%dma_start3A_36 : memref<128xi32, #tpu.memory_space<vmem>>) target_semaphore(%run_scoped3A_27 : memref<!tpu.dma_semaphore, #tpu.memory_space<semaphore_mem>>)
      %dma_wait3A = arith.constant 0 : i32
      %dma_wait3A_40 = tpu.memref_slice %arg6[%run_scoped3A_5, %dma_wait3A] : memref<2x128xi32, #tpu.memory_space<vmem>> -> memref<1x128xi32, #tpu.memory_space<vmem>>
      %dma_wait3A_41 = tpu.memref_squeeze %dma_wait3A_40 : memref<1x128xi32, #tpu.memory_space<vmem>> -> memref<128xi32, #tpu.memory_space<vmem>>
      %dma_wait3A_42 = arith.constant 0 : i32
      %dma_wait3A_43 = tpu.memref_slice %arg2[%mul3A_4, %run_scoped3A, %dma_wait3A_42] : memref<2560x2x128xi32, #tpu.memory_space<hbm>> -> memref<1x1x128xi32, #tpu.memory_space<hbm>>
      %dma_wait3A_44 = tpu.memref_squeeze %dma_wait3A_43 : memref<1x1x128xi32, #tpu.memory_space<hbm>> -> memref<128xi32, #tpu.memory_space<hbm>>
      %dma_wait3A_45 = arith.constant 0 : i32
      %dma_wait3A_46 = tpu.memref_slice %arg6[%run_scoped3A_5, %dma_wait3A_45] : memref<2x128xi32, #tpu.memory_space<vmem>> -> memref<1x128xi32, #tpu.memory_space<vmem>>
      %dma_wait3A_47 = tpu.memref_squeeze %dma_wait3A_46 : memref<1x128xi32, #tpu.memory_space<vmem>> -> memref<128xi32, #tpu.memory_space<vmem>>
      %dma_wait3A_48 = arith.constant 0 : i32
      %dma_wait3A_49 = tpu.memref_slice %arg2[%mul3A_4, %run_scoped3A, %dma_wait3A_48] : memref<2560x2x128xi32, #tpu.memory_space<hbm>> -> memref<1x1x128xi32, #tpu.memory_space<hbm>>
      %dma_wait3A_50 = tpu.memref_squeeze %dma_wait3A_49 : memref<1x1x128xi32, #tpu.memory_space<hbm>> -> memref<128xi32, #tpu.memory_space<hbm>>
      tpu.wait_dma2 semaphore(%run_scoped3A_27 : memref<!tpu.dma_semaphore, #tpu.memory_space<semaphore_mem>>) src(%dma_wait3A_50 : memref<128xi32, #tpu.memory_space<hbm>>) dst(%dma_wait3A_47 : memref<128xi32, #tpu.memory_space<vmem>>)
      tpu.yield
    }) : () -> ()
    %add3A_6 = arith.constant 1 : i32
    %add3A_7 = arith.addi %mul3A_4, %add3A_6 : i32
    %dma_start3A = arith.constant 1 : i32
    %dma_start3A_8 = arith.constant 1 : i32
    %dma_start3A_9 = arith.constant 0 : i32
    %dma_start3A_10 = tpu.memref_slice %arg7[%dma_start3A_8, %dma_start3A_9] : memref<2x128xi32, #tpu.memory_space<vmem>> -> memref<1x128xi32, #tpu.memory_space<vmem>>
    %dma_start3A_11 = tpu.memref_squeeze %dma_start3A_10 : memref<1x128xi32, #tpu.memory_space<vmem>> -> memref<128xi32, #tpu.memory_space<vmem>>
    %dma_start3A_12 = arith.constant 0 : i32
    %dma_start3A_13 = tpu.memref_slice %arg2[%add3A_7, %dma_start3A, %dma_start3A_12] : memref<2560x2x128xi32, #tpu.memory_space<hbm>> -> memref<1x1x128xi32, #tpu.memory_space<hbm>>
    %dma_start3A_14 = tpu.memref_squeeze %dma_start3A_13 : memref<1x1x128xi32, #tpu.memory_space<hbm>> -> memref<128xi32, #tpu.memory_space<hbm>>
    %dma_start3A_15 = arith.constant 0 : i32
    %dma_start3A_16 = tpu.memref_slice %arg7[%dma_start3A_8, %dma_start3A_15] : memref<2x128xi32, #tpu.memory_space<vmem>> -> memref<1x128xi32, #tpu.memory_space<vmem>>
    %dma_start3A_17 = tpu.memref_squeeze %dma_start3A_16 : memref<1x128xi32, #tpu.memory_space<vmem>> -> memref<128xi32, #tpu.memory_space<vmem>>
    %dma_start3A_18 = arith.constant 0 : i32
    %dma_start3A_19 = tpu.memref_slice %arg2[%add3A_7, %dma_start3A, %dma_start3A_18] : memref<2560x2x128xi32, #tpu.memory_space<hbm>> -> memref<1x1x128xi32, #tpu.memory_space<hbm>>
    %dma_start3A_20 = tpu.memref_squeeze %dma_start3A_19 : memref<1x1x128xi32, #tpu.memory_space<hbm>> -> memref<128xi32, #tpu.memory_space<hbm>>
    tpu.enqueue_dma source(%dma_start3A_20 : memref<128xi32, #tpu.memory_space<hbm>>) target(%dma_start3A_17 : memref<128xi32, #tpu.memory_space<vmem>>) target_semaphore(%arg12 : memref<!tpu.dma_semaphore, #tpu.memory_space<semaphore_mem>>)
    %barrier3A = arith.constant 0 : index
    tpu.barrier barrier_id(%barrier3A)
    %scan3A = arith.constant 0 : i32
    %scan3A_21 = arith.constant 0 : i32
    %scan3A_22 = arith.constant 40 : i32
    %scan3A_23 = arith.addi %scan3A_21, %scan3A_22 : i32
    %scan3A_24 = arith.constant 1 : i32
    scf.for %scan3A_27 = %scan3A_21 to %scan3A_23 step %scan3A_24  : i32 {
      %mul3A_28 = arith.constant 2 : i32
      %mul3A_29 = arith.muli %mul3A_28, %scan3A_27 : i32
      %add3A_30 = arith.constant 1 : i32
      %add3A_31 = arith.addi %mul3A_29, %add3A_30 : i32
      %lt3A = arith.constant 80 : i32
      %lt3A_32 = arith.cmpi slt, %add3A_31, %lt3A : i32
      %convert_element_type3A = arith.extui %lt3A_32 : i1 to i32
      %cond3A = arith.constant 0 : i32
      %cond3A_33 = arith.cmpi ne, %convert_element_type3A, %cond3A : i32
      scf.if %cond3A_33 {
        %add3A_61 = arith.addi %mul3A_4, %mul3A_29 : i32
        %add3A_62 = arith.constant 1 : i32
        %add3A_63 = arith.addi %add3A_61, %add3A_62 : i32
        %dma_wait3A = arith.constant 1 : i32
        %dma_wait3A_64 = arith.constant 1 : i32
        %dma_wait3A_65 = arith.constant 0 : i32
        %dma_wait3A_66 = tpu.memref_slice %arg7[%dma_wait3A_64, %dma_wait3A_65] : memref<2x128xi32, #tpu.memory_space<vmem>> -> memref<1x128xi32, #tpu.memory_space<vmem>>
        %dma_wait3A_67 = tpu.memref_squeeze %dma_wait3A_66 : memref<1x128xi32, #tpu.memory_space<vmem>> -> memref<128xi32, #tpu.memory_space<vmem>>
        %dma_wait3A_68 = arith.constant 0 : i32
        %dma_wait3A_69 = tpu.memref_slice %arg2[%add3A_63, %dma_wait3A, %dma_wait3A_68] : memref<2560x2x128xi32, #tpu.memory_space<hbm>> -> memref<1x1x128xi32, #tpu.memory_space<hbm>>
        %dma_wait3A_70 = tpu.memref_squeeze %dma_wait3A_69 : memref<1x1x128xi32, #tpu.memory_space<hbm>> -> memref<128xi32, #tpu.memory_space<hbm>>
        %dma_wait3A_71 = arith.constant 0 : i32
        %dma_wait3A_72 = tpu.memref_slice %arg7[%dma_wait3A_64, %dma_wait3A_71] : memref<2x128xi32, #tpu.memory_space<vmem>> -> memref<1x128xi32, #tpu.memory_space<vmem>>
        %dma_wait3A_73 = tpu.memref_squeeze %dma_wait3A_72 : memref<1x128xi32, #tpu.memory_space<vmem>> -> memref<128xi32, #tpu.memory_space<vmem>>
        %dma_wait3A_74 = arith.constant 0 : i32
        %dma_wait3A_75 = tpu.memref_slice %arg2[%add3A_63, %dma_wait3A, %dma_wait3A_74] : memref<2560x2x128xi32, #tpu.memory_space<hbm>> -> memref<1x1x128xi32, #tpu.memory_space<hbm>>
        %dma_wait3A_76 = tpu.memref_squeeze %dma_wait3A_75 : memref<1x1x128xi32, #tpu.memory_space<hbm>> -> memref<128xi32, #tpu.memory_space<hbm>>
        tpu.wait_dma2 semaphore(%arg12 : memref<!tpu.dma_semaphore, #tpu.memory_space<semaphore_mem>>) src(%dma_wait3A_76 : memref<128xi32, #tpu.memory_space<hbm>>) dst(%dma_wait3A_73 : memref<128xi32, #tpu.memory_space<vmem>>)
      } else {
      }
      %run_scoped3A_34 = arith.constant 1 : i32
      "tpu.region"() ({
        %run_scoped3A_61 = tpu.sem_alloc : memref<!tpu.dma_semaphore, #tpu.memory_space<semaphore_mem>>
        %dma_start3A_62 = arith.constant 0 : i32
        %dma_start3A_63 = tpu.memref_slice %arg6[%run_scoped3A_34, %dma_start3A_62] : memref<2x128xi32, #tpu.memory_space<vmem>> -> memref<1x128xi32, #tpu.memory_space<vmem>>
        %dma_start3A_64 = tpu.memref_squeeze %dma_start3A_63 : memref<1x128xi32, #tpu.memory_space<vmem>> -> memref<128xi32, #tpu.memory_space<vmem>>
        %dma_start3A_65 = arith.constant 0 : i32
        %dma_start3A_66 = arith.constant 0 : i32
        %dma_start3A_67 = tpu.memref_slice %arg10[%dma_start3A_65, %dma_start3A_66] : memref<10112x128xf32, #tpu.memory_space<vmem_shared>> -> memref<10112x128xf32, #tpu.memory_space<vmem_shared>>
        tpu.enqueue_indirect_dma source(%arg9 : memref<128x128xf32, #tpu.memory_space<vmem>>) target(%dma_start3A_67 : memref<10112x128xf32, #tpu.memory_space<vmem_shared>>) offsets(%dma_start3A_64 : memref<128xi32, #tpu.memory_space<vmem>>) semaphore(%run_scoped3A_61 : memref<!tpu.dma_semaphore, #tpu.memory_space<semaphore_mem>>) {add = true}
        %dma_wait3A = arith.constant 0 : i32
        %dma_wait3A_68 = tpu.memref_slice %arg6[%run_scoped3A_34, %dma_wait3A] : memref<2x128xi32, #tpu.memory_space<vmem>> -> memref<1x128xi32, #tpu.memory_space<vmem>>
        %dma_wait3A_69 = tpu.memref_squeeze %dma_wait3A_68 : memref<1x128xi32, #tpu.memory_space<vmem>> -> memref<128xi32, #tpu.memory_space<vmem>>
        %dma_wait3A_70 = arith.constant 0 : i32
        %dma_wait3A_71 = arith.constant 0 : i32
        %dma_wait3A_72 = tpu.memref_slice %arg10[%dma_wait3A_70, %dma_wait3A_71] : memref<10112x128xf32, #tpu.memory_space<vmem_shared>> -> memref<10112x128xf32, #tpu.memory_space<vmem_shared>>
        tpu.wait_indirect_dma semaphore(%run_scoped3A_61 : memref<!tpu.dma_semaphore, #tpu.memory_space<semaphore_mem>>) src(%arg9 : memref<128x128xf32, #tpu.memory_space<vmem>>) dst(%dma_wait3A_72 : memref<10112x128xf32, #tpu.memory_space<vmem_shared>>)
        tpu.yield
      }) : () -> ()
      %add3A_35 = arith.constant 2 : i32
      %add3A_36 = arith.addi %mul3A_29, %add3A_35 : i32
      %lt3A_37 = arith.constant 80 : i32
      %lt3A_38 = arith.cmpi slt, %add3A_36, %lt3A_37 : i32
      %convert_element_type3A_39 = arith.extui %lt3A_38 : i1 to i32
      %cond3A_40 = arith.constant 0 : i32
      %cond3A_41 = arith.cmpi ne, %convert_element_type3A_39, %cond3A_40 : i32
      scf.if %cond3A_41 {
        %add3A_61 = arith.addi %mul3A_4, %mul3A_29 : i32
        %add3A_62 = arith.constant 2 : i32
        %add3A_63 = arith.addi %add3A_61, %add3A_62 : i32
        %dma_start3A_64 = arith.constant 1 : i32
        %dma_start3A_65 = arith.constant 1 : i32
        %dma_start3A_66 = arith.constant 0 : i32
        %dma_start3A_67 = tpu.memref_slice %arg6[%dma_start3A_65, %dma_start3A_66] : memref<2x128xi32, #tpu.memory_space<vmem>> -> memref<1x128xi32, #tpu.memory_space<vmem>>
        %dma_start3A_68 = tpu.memref_squeeze %dma_start3A_67 : memref<1x128xi32, #tpu.memory_space<vmem>> -> memref<128xi32, #tpu.memory_space<vmem>>
        %dma_start3A_69 = arith.constant 0 : i32
        %dma_start3A_70 = tpu.memref_slice %arg2[%add3A_63, %dma_start3A_64, %dma_start3A_69] : memref<2560x2x128xi32, #tpu.memory_space<hbm>> -> memref<1x1x128xi32, #tpu.memory_space<hbm>>
        %dma_start3A_71 = tpu.memref_squeeze %dma_start3A_70 : memref<1x1x128xi32, #tpu.memory_space<hbm>> -> memref<128xi32, #tpu.memory_space<hbm>>
        %dma_start3A_72 = arith.constant 0 : i32
        %dma_start3A_73 = tpu.memref_slice %arg6[%dma_start3A_65, %dma_start3A_72] : memref<2x128xi32, #tpu.memory_space<vmem>> -> memref<1x128xi32, #tpu.memory_space<vmem>>
        %dma_start3A_74 = tpu.memref_squeeze %dma_start3A_73 : memref<1x128xi32, #tpu.memory_space<vmem>> -> memref<128xi32, #tpu.memory_space<vmem>>
        %dma_start3A_75 = arith.constant 0 : i32
        %dma_start3A_76 = tpu.memref_slice %arg2[%add3A_63, %dma_start3A_64, %dma_start3A_75] : memref<2560x2x128xi32, #tpu.memory_space<hbm>> -> memref<1x1x128xi32, #tpu.memory_space<hbm>>
        %dma_start3A_77 = tpu.memref_squeeze %dma_start3A_76 : memref<1x1x128xi32, #tpu.memory_space<hbm>> -> memref<128xi32, #tpu.memory_space<hbm>>
        tpu.enqueue_dma source(%dma_start3A_77 : memref<128xi32, #tpu.memory_space<hbm>>) target(%dma_start3A_74 : memref<128xi32, #tpu.memory_space<vmem>>) target_semaphore(%arg12 : memref<!tpu.dma_semaphore, #tpu.memory_space<semaphore_mem>>)
      } else {
      }
      %mul3A_42 = arith.constant 2 : i32
      %mul3A_43 = arith.muli %mul3A_42, %scan3A_27 : i32
      %add3A_44 = arith.constant 1 : i32
      %add3A_45 = arith.addi %mul3A_43, %add3A_44 : i32
      %add3A_46 = arith.constant 1 : i32
      %add3A_47 = arith.addi %add3A_45, %add3A_46 : i32
      %lt3A_48 = arith.constant 80 : i32
      %lt3A_49 = arith.cmpi slt, %add3A_47, %lt3A_48 : i32
      %convert_element_type3A_50 = arith.extui %lt3A_49 : i1 to i32
      %cond3A_51 = arith.constant 0 : i32
      %cond3A_52 = arith.cmpi ne, %convert_element_type3A_50, %cond3A_51 : i32
      scf.if %cond3A_52 {
        %add3A_61 = arith.addi %mul3A_4, %add3A_45 : i32
        %add3A_62 = arith.constant 1 : i32
        %add3A_63 = arith.addi %add3A_61, %add3A_62 : i32
        %dma_wait3A = arith.constant 1 : i32
        %dma_wait3A_64 = arith.constant 1 : i32
        %dma_wait3A_65 = arith.constant 0 : i32
        %dma_wait3A_66 = tpu.memref_slice %arg6[%dma_wait3A_64, %dma_wait3A_65] : memref<2x128xi32, #tpu.memory_space<vmem>> -> memref<1x128xi32, #tpu.memory_space<vmem>>
        %dma_wait3A_67 = tpu.memref_squeeze %dma_wait3A_66 : memref<1x128xi32, #tpu.memory_space<vmem>> -> memref<128xi32, #tpu.memory_space<vmem>>
        %dma_wait3A_68 = arith.constant 0 : i32
        %dma_wait3A_69 = tpu.memref_slice %arg2[%add3A_63, %dma_wait3A, %dma_wait3A_68] : memref<2560x2x128xi32, #tpu.memory_space<hbm>> -> memref<1x1x128xi32, #tpu.memory_space<hbm>>
        %dma_wait3A_70 = tpu.memref_squeeze %dma_wait3A_69 : memref<1x1x128xi32, #tpu.memory_space<hbm>> -> memref<128xi32, #tpu.memory_space<hbm>>
        %dma_wait3A_71 = arith.constant 0 : i32
        %dma_wait3A_72 = tpu.memref_slice %arg6[%dma_wait3A_64, %dma_wait3A_71] : memref<2x128xi32, #tpu.memory_space<vmem>> -> memref<1x128xi32, #tpu.memory_space<vmem>>
        %dma_wait3A_73 = tpu.memref_squeeze %dma_wait3A_72 : memref<1x128xi32, #tpu.memory_space<vmem>> -> memref<128xi32, #tpu.memory_space<vmem>>
        %dma_wait3A_74 = arith.constant 0 : i32
        %dma_wait3A_75 = tpu.memref_slice %arg2[%add3A_63, %dma_wait3A, %dma_wait3A_74] : memref<2560x2x128xi32, #tpu.memory_space<hbm>> -> memref<1x1x128xi32, #tpu.memory_space<hbm>>
        %dma_wait3A_76 = tpu.memref_squeeze %dma_wait3A_75 : memref<1x1x128xi32, #tpu.memory_space<hbm>> -> memref<128xi32, #tpu.memory_space<hbm>>
        tpu.wait_dma2 semaphore(%arg12 : memref<!tpu.dma_semaphore, #tpu.memory_space<semaphore_mem>>) src(%dma_wait3A_76 : memref<128xi32, #tpu.memory_space<hbm>>) dst(%dma_wait3A_73 : memref<128xi32, #tpu.memory_space<vmem>>)
      } else {
      }
      %run_scoped3A_53 = arith.constant 1 : i32
      "tpu.region"() ({
        %run_scoped3A_61 = tpu.sem_alloc : memref<!tpu.dma_semaphore, #tpu.memory_space<semaphore_mem>>
        %dma_start3A_62 = arith.constant 0 : i32
        %dma_start3A_63 = tpu.memref_slice %arg7[%run_scoped3A_53, %dma_start3A_62] : memref<2x128xi32, #tpu.memory_space<vmem>> -> memref<1x128xi32, #tpu.memory_space<vmem>>
        %dma_start3A_64 = tpu.memref_squeeze %dma_start3A_63 : memref<1x128xi32, #tpu.memory_space<vmem>> -> memref<128xi32, #tpu.memory_space<vmem>>
        %dma_start3A_65 = arith.constant 0 : i32
        %dma_start3A_66 = arith.constant 0 : i32
        %dma_start3A_67 = tpu.memref_slice %arg10[%dma_start3A_65, %dma_start3A_66] : memref<10112x128xf32, #tpu.memory_space<vmem_shared>> -> memref<10112x128xf32, #tpu.memory_space<vmem_shared>>
        tpu.enqueue_indirect_dma source(%arg9 : memref<128x128xf32, #tpu.memory_space<vmem>>) target(%dma_start3A_67 : memref<10112x128xf32, #tpu.memory_space<vmem_shared>>) offsets(%dma_start3A_64 : memref<128xi32, #tpu.memory_space<vmem>>) semaphore(%run_scoped3A_61 : memref<!tpu.dma_semaphore, #tpu.memory_space<semaphore_mem>>) {add = true}
        %dma_wait3A = arith.constant 0 : i32
        %dma_wait3A_68 = tpu.memref_slice %arg7[%run_scoped3A_53, %dma_wait3A] : memref<2x128xi32, #tpu.memory_space<vmem>> -> memref<1x128xi32, #tpu.memory_space<vmem>>
        %dma_wait3A_69 = tpu.memref_squeeze %dma_wait3A_68 : memref<1x128xi32, #tpu.memory_space<vmem>> -> memref<128xi32, #tpu.memory_space<vmem>>
        %dma_wait3A_70 = arith.constant 0 : i32
        %dma_wait3A_71 = arith.constant 0 : i32
        %dma_wait3A_72 = tpu.memref_slice %arg10[%dma_wait3A_70, %dma_wait3A_71] : memref<10112x128xf32, #tpu.memory_space<vmem_shared>> -> memref<10112x128xf32, #tpu.memory_space<vmem_shared>>
        tpu.wait_indirect_dma semaphore(%run_scoped3A_61 : memref<!tpu.dma_semaphore, #tpu.memory_space<semaphore_mem>>) src(%arg9 : memref<128x128xf32, #tpu.memory_space<vmem>>) dst(%dma_wait3A_72 : memref<10112x128xf32, #tpu.memory_space<vmem_shared>>)
        tpu.yield
      }) : () -> ()
      %add3A_54 = arith.constant 2 : i32
      %add3A_55 = arith.addi %add3A_45, %add3A_54 : i32
      %lt3A_56 = arith.constant 80 : i32
      %lt3A_57 = arith.cmpi slt, %add3A_55, %lt3A_56 : i32
      %convert_element_type3A_58 = arith.extui %lt3A_57 : i1 to i32
      %cond3A_59 = arith.constant 0 : i32
      %cond3A_60 = arith.cmpi ne, %convert_element_type3A_58, %cond3A_59 : i32
      scf.if %cond3A_60 {
        %add3A_61 = arith.addi %mul3A_4, %add3A_45 : i32
        %add3A_62 = arith.constant 2 : i32
        %add3A_63 = arith.addi %add3A_61, %add3A_62 : i32
        %dma_start3A_64 = arith.constant 1 : i32
        %dma_start3A_65 = arith.constant 1 : i32
        %dma_start3A_66 = arith.constant 0 : i32
        %dma_start3A_67 = tpu.memref_slice %arg7[%dma_start3A_65, %dma_start3A_66] : memref<2x128xi32, #tpu.memory_space<vmem>> -> memref<1x128xi32, #tpu.memory_space<vmem>>
        %dma_start3A_68 = tpu.memref_squeeze %dma_start3A_67 : memref<1x128xi32, #tpu.memory_space<vmem>> -> memref<128xi32, #tpu.memory_space<vmem>>
        %dma_start3A_69 = arith.constant 0 : i32
        %dma_start3A_70 = tpu.memref_slice %arg2[%add3A_63, %dma_start3A_64, %dma_start3A_69] : memref<2560x2x128xi32, #tpu.memory_space<hbm>> -> memref<1x1x128xi32, #tpu.memory_space<hbm>>
        %dma_start3A_71 = tpu.memref_squeeze %dma_start3A_70 : memref<1x1x128xi32, #tpu.memory_space<hbm>> -> memref<128xi32, #tpu.memory_space<hbm>>
        %dma_start3A_72 = arith.constant 0 : i32
        %dma_start3A_73 = tpu.memref_slice %arg7[%dma_start3A_65, %dma_start3A_72] : memref<2x128xi32, #tpu.memory_space<vmem>> -> memref<1x128xi32, #tpu.memory_space<vmem>>
        %dma_start3A_74 = tpu.memref_squeeze %dma_start3A_73 : memref<1x128xi32, #tpu.memory_space<vmem>> -> memref<128xi32, #tpu.memory_space<vmem>>
        %dma_start3A_75 = arith.constant 0 : i32
        %dma_start3A_76 = tpu.memref_slice %arg2[%add3A_63, %dma_start3A_64, %dma_start3A_75] : memref<2560x2x128xi32, #tpu.memory_space<hbm>> -> memref<1x1x128xi32, #tpu.memory_space<hbm>>
        %dma_start3A_77 = tpu.memref_squeeze %dma_start3A_76 : memref<1x1x128xi32, #tpu.memory_space<hbm>> -> memref<128xi32, #tpu.memory_space<hbm>>
        tpu.enqueue_dma source(%dma_start3A_77 : memref<128xi32, #tpu.memory_space<hbm>>) target(%dma_start3A_74 : memref<128xi32, #tpu.memory_space<vmem>>) target_semaphore(%arg12 : memref<!tpu.dma_semaphore, #tpu.memory_space<semaphore_mem>>)
      } else {
      }
    }
    %scan3A_25 = arith.constant 40 : i32
    %barrier3A_26 = arith.constant 0 : index
    tpu.barrier barrier_id(%barrier3A_26)
    "tpu.region"() ({
      %run_scoped3A_27 = tpu.sem_alloc : memref<!tpu.dma_semaphore, #tpu.memory_space<semaphore_mem>>
      %dma_start3A_28 = arith.constant 0 : i32
      %dma_start3A_29 = tpu.memref_slice %arg5[%arg0, %mul3A_2, %dma_start3A_28] : memref<2x10112x128xf32, #tpu.memory_space<hbm>> -> memref<1x632x128xf32, #tpu.memory_space<hbm>>
      %dma_start3A_30 = tpu.memref_squeeze %dma_start3A_29 : memref<1x632x128xf32, #tpu.memory_space<hbm>> -> memref<632x128xf32, #tpu.memory_space<hbm>>
      %dma_start3A_31 = arith.constant 0 : i32
      %dma_start3A_32 = tpu.memref_slice %arg10[%mul3A_2, %dma_start3A_31] : memref<10112x128xf32, #tpu.memory_space<vmem_shared>> -> memref<632x128xf32, #tpu.memory_space<vmem_shared>>
      tpu.enqueue_dma source(%dma_start3A_32 : memref<632x128xf32, #tpu.memory_space<vmem_shared>>) target(%dma_start3A_30 : memref<632x128xf32, #tpu.memory_space<hbm>>) target_semaphore(%run_scoped3A_27 : memref<!tpu.dma_semaphore, #tpu.memory_space<semaphore_mem>>)
      %dma_wait3A = arith.constant 0 : i32
      %dma_wait3A_33 = tpu.memref_slice %arg5[%arg0, %mul3A_2, %dma_wait3A] : memref<2x10112x128xf32, #tpu.memory_space<hbm>> -> memref<1x632x128xf32, #tpu.memory_space<hbm>>
      %dma_wait3A_34 = tpu.memref_squeeze %dma_wait3A_33 : memref<1x632x128xf32, #tpu.memory_space<hbm>> -> memref<632x128xf32, #tpu.memory_space<hbm>>
      %dma_wait3A_35 = arith.constant 0 : i32
      %dma_wait3A_36 = tpu.memref_slice %arg10[%mul3A_2, %dma_wait3A_35] : memref<10112x128xf32, #tpu.memory_space<vmem_shared>> -> memref<632x128xf32, #tpu.memory_space<vmem_shared>>
      tpu.wait_dma2 semaphore(%run_scoped3A_27 : memref<!tpu.dma_semaphore, #tpu.memory_space<semaphore_mem>>) src(%dma_wait3A_36 : memref<632x128xf32, #tpu.memory_space<vmem_shared>>) dst(%dma_wait3A_34 : memref<632x128xf32, #tpu.memory_space<hbm>>)
      tpu.yield
    }) : () -> ()
    return
  }
}

#map = affine_map<(d0, d1) -> (0, 0)>
#map1 = affine_map<(d0, d1) -> (0, 0, 0)>
module attributes {stable_mosaic.version = 14 : i64} {
  func.func @_agg_body(%arg0: i32, %arg1: i32, %arg2: memref<10000x128xf32, #tpu.memory_space<hbm>>, %arg3: memref<2560x2x128xi32, #tpu.memory_space<hbm>>, %arg4: memref<10112x128xf32, #tpu.memory_space<hbm>>, %arg5: memref<2x10112x128xf32, #tpu.memory_space<hbm>>, %arg6: memref<2x128xi32, #tpu.memory_space<vmem>>, %arg7: memref<2x128xi32, #tpu.memory_space<vmem>>, %arg8: memref<128x128xf32, #tpu.memory_space<vmem>>, %arg9: memref<128x128xf32, #tpu.memory_space<vmem>>, %arg10: memref<10112x128xf32, #tpu.memory_space<vmem_shared>>, %arg11: memref<!tpu.dma_semaphore, #tpu.memory_space<semaphore_mem>>, %arg12: memref<!tpu.dma_semaphore, #tpu.memory_space<semaphore_mem>>) attributes {dimension_semantics = [#tpu.dimension_semantics<core_parallel>, #tpu.dimension_semantics<subcore_parallel>], iteration_bounds = array<i64: 2, 16>, scalar_prefetch = 0 : i64, scratch_operands = 7 : i64, tpu.core_type = #tpu.core_type<sc_vector_subcore>, window_params = [{transform_indices = #map}, {transform_indices = #map1}, {transform_indices = #map}, {transform_indices = #map1}]} {
    %mul3A = arith.constant 632 : i32
    %mul3A_0 = arith.muli %arg1, %mul3A : i32
    %eq3A = arith.constant 0 : i32
    %eq3A_1 = arith.cmpi eq, %arg0, %eq3A : i32
    %mul3A_2 = arith.constant 118 : i32
    %mul3A_3 = arith.muli %arg1, %mul3A_2 : i32
    %mul3A_4 = arith.constant 42 : i32
    %mul3A_5 = arith.muli %arg1, %mul3A_4 : i32
    %add3A = arith.constant 1888 : i32
    %add3A_6 = arith.addi %add3A, %mul3A_5 : i32
    %select_n3A = arith.select %eq3A_1, %mul3A_3, %add3A_6 : i32
    %eq3A_7 = arith.constant 0 : i32
    %eq3A_8 = arith.cmpi eq, %arg0, %eq3A_7 : i32
    %jit3A = arith.constant 118 : i32
    %jit3A_9 = arith.constant 42 : i32
    %select_n3A_10 = arith.select %eq3A_8, %jit3A, %jit3A_9 : i32
    "tpu.region"() ({
      %run_scoped3A = tpu.sem_alloc : memref<!tpu.dma_semaphore, #tpu.memory_space<semaphore_mem>>
      %dma_start3A_55 = arith.constant 0 : i32
      %dma_start3A_56 = tpu.memref_slice %arg10[%mul3A_0, %dma_start3A_55] : memref<10112x128xf32, #tpu.memory_space<vmem_shared>> -> memref<632x128xf32, #tpu.memory_space<vmem_shared>>
      %dma_start3A_57 = arith.constant 0 : i32
      %dma_start3A_58 = tpu.memref_slice %arg4[%mul3A_0, %dma_start3A_57] : memref<10112x128xf32, #tpu.memory_space<hbm>> -> memref<632x128xf32, #tpu.memory_space<hbm>>
      tpu.enqueue_dma source(%dma_start3A_58 : memref<632x128xf32, #tpu.memory_space<hbm>>) target(%dma_start3A_56 : memref<632x128xf32, #tpu.memory_space<vmem_shared>>) target_semaphore(%run_scoped3A : memref<!tpu.dma_semaphore, #tpu.memory_space<semaphore_mem>>)
      %dma_wait3A = arith.constant 0 : i32
      %dma_wait3A_59 = tpu.memref_slice %arg10[%mul3A_0, %dma_wait3A] : memref<10112x128xf32, #tpu.memory_space<vmem_shared>> -> memref<632x128xf32, #tpu.memory_space<vmem_shared>>
      %dma_wait3A_60 = arith.constant 0 : i32
      %dma_wait3A_61 = tpu.memref_slice %arg4[%mul3A_0, %dma_wait3A_60] : memref<10112x128xf32, #tpu.memory_space<hbm>> -> memref<632x128xf32, #tpu.memory_space<hbm>>
      tpu.wait_dma2 semaphore(%run_scoped3A : memref<!tpu.dma_semaphore, #tpu.memory_space<semaphore_mem>>) src(%dma_wait3A_61 : memref<632x128xf32, #tpu.memory_space<hbm>>) dst(%dma_wait3A_59 : memref<632x128xf32, #tpu.memory_space<vmem_shared>>)
      tpu.yield
    }) : () -> ()
    "tpu.region"() ({
      %run_scoped3A = tpu.sem_alloc : memref<!tpu.dma_semaphore, #tpu.memory_space<semaphore_mem>>
      %dma_start3A_55 = arith.constant 0 : i32
      %dma_start3A_56 = arith.constant 0 : i32
      %dma_start3A_57 = tpu.memref_slice %arg3[%select_n3A, %dma_start3A_55, %dma_start3A_56] : memref<2560x2x128xi32, #tpu.memory_space<hbm>> -> memref<1x2x128xi32, #tpu.memory_space<hbm>>
      %dma_start3A_58 = tpu.memref_squeeze %dma_start3A_57 : memref<1x2x128xi32, #tpu.memory_space<hbm>> -> memref<2x128xi32, #tpu.memory_space<hbm>>
      %dma_start3A_59 = arith.constant 0 : i32
      %dma_start3A_60 = arith.constant 0 : i32
      %dma_start3A_61 = tpu.memref_slice %arg3[%select_n3A, %dma_start3A_59, %dma_start3A_60] : memref<2560x2x128xi32, #tpu.memory_space<hbm>> -> memref<1x2x128xi32, #tpu.memory_space<hbm>>
      %dma_start3A_62 = tpu.memref_squeeze %dma_start3A_61 : memref<1x2x128xi32, #tpu.memory_space<hbm>> -> memref<2x128xi32, #tpu.memory_space<hbm>>
      tpu.enqueue_dma source(%dma_start3A_62 : memref<2x128xi32, #tpu.memory_space<hbm>>) target(%arg6 : memref<2x128xi32, #tpu.memory_space<vmem>>) target_semaphore(%run_scoped3A : memref<!tpu.dma_semaphore, #tpu.memory_space<semaphore_mem>>)
      %dma_wait3A = arith.constant 0 : i32
      %dma_wait3A_63 = arith.constant 0 : i32
      %dma_wait3A_64 = tpu.memref_slice %arg3[%select_n3A, %dma_wait3A, %dma_wait3A_63] : memref<2560x2x128xi32, #tpu.memory_space<hbm>> -> memref<1x2x128xi32, #tpu.memory_space<hbm>>
      %dma_wait3A_65 = tpu.memref_squeeze %dma_wait3A_64 : memref<1x2x128xi32, #tpu.memory_space<hbm>> -> memref<2x128xi32, #tpu.memory_space<hbm>>
      %dma_wait3A_66 = arith.constant 0 : i32
      %dma_wait3A_67 = arith.constant 0 : i32
      %dma_wait3A_68 = tpu.memref_slice %arg3[%select_n3A, %dma_wait3A_66, %dma_wait3A_67] : memref<2560x2x128xi32, #tpu.memory_space<hbm>> -> memref<1x2x128xi32, #tpu.memory_space<hbm>>
      %dma_wait3A_69 = tpu.memref_squeeze %dma_wait3A_68 : memref<1x2x128xi32, #tpu.memory_space<hbm>> -> memref<2x128xi32, #tpu.memory_space<hbm>>
      tpu.wait_dma2 semaphore(%run_scoped3A : memref<!tpu.dma_semaphore, #tpu.memory_space<semaphore_mem>>) src(%dma_wait3A_69 : memref<2x128xi32, #tpu.memory_space<hbm>>) dst(%arg6 : memref<2x128xi32, #tpu.memory_space<vmem>>)
      tpu.yield
    }) : () -> ()
    %dma_start3A = arith.constant 0 : i32
    %dma_start3A_11 = arith.constant 0 : i32
    %dma_start3A_12 = tpu.memref_slice %arg6[%dma_start3A, %dma_start3A_11] : memref<2x128xi32, #tpu.memory_space<vmem>> -> memref<1x128xi32, #tpu.memory_space<vmem>>
    %dma_start3A_13 = tpu.memref_squeeze %dma_start3A_12 : memref<1x128xi32, #tpu.memory_space<vmem>> -> memref<128xi32, #tpu.memory_space<vmem>>
    %dma_start3A_14 = arith.constant 0 : i32
    %dma_start3A_15 = arith.constant 0 : i32
    %dma_start3A_16 = tpu.memref_slice %arg2[%dma_start3A_14, %dma_start3A_15] : memref<10000x128xf32, #tpu.memory_space<hbm>> -> memref<10000x128xf32, #tpu.memory_space<hbm>>
    tpu.enqueue_indirect_dma source(%dma_start3A_16 : memref<10000x128xf32, #tpu.memory_space<hbm>>) target(%arg8 : memref<128x128xf32, #tpu.memory_space<vmem>>) offsets(%dma_start3A_13 : memref<128xi32, #tpu.memory_space<vmem>>) semaphore(%arg11 : memref<!tpu.dma_semaphore, #tpu.memory_space<semaphore_mem>>)
    %add3A_17 = arith.constant 1 : i32
    %add3A_18 = arith.addi %select_n3A, %add3A_17 : i32
    %dma_start3A_19 = arith.constant 0 : i32
    %dma_start3A_20 = arith.constant 0 : i32
    %dma_start3A_21 = tpu.memref_slice %arg3[%add3A_18, %dma_start3A_19, %dma_start3A_20] : memref<2560x2x128xi32, #tpu.memory_space<hbm>> -> memref<1x2x128xi32, #tpu.memory_space<hbm>>
    %dma_start3A_22 = tpu.memref_squeeze %dma_start3A_21 : memref<1x2x128xi32, #tpu.memory_space<hbm>> -> memref<2x128xi32, #tpu.memory_space<hbm>>
    %dma_start3A_23 = arith.constant 0 : i32
    %dma_start3A_24 = arith.constant 0 : i32
    %dma_start3A_25 = tpu.memref_slice %arg3[%add3A_18, %dma_start3A_23, %dma_start3A_24] : memref<2560x2x128xi32, #tpu.memory_space<hbm>> -> memref<1x2x128xi32, #tpu.memory_space<hbm>>
    %dma_start3A_26 = tpu.memref_squeeze %dma_start3A_25 : memref<1x2x128xi32, #tpu.memory_space<hbm>> -> memref<2x128xi32, #tpu.memory_space<hbm>>
    tpu.enqueue_dma source(%dma_start3A_26 : memref<2x128xi32, #tpu.memory_space<hbm>>) target(%arg7 : memref<2x128xi32, #tpu.memory_space<vmem>>) target_semaphore(%arg12 : memref<!tpu.dma_semaphore, #tpu.memory_space<semaphore_mem>>)
    %barrier3A = arith.constant 0 : index
    tpu.barrier barrier_id(%barrier3A)
    %jit3A_27 = arith.constant 2 : i32
    %div3A = arith.divsi %select_n3A_10, %jit3A_27 : i32
    %sign3A = arith.constant 0 : i32
    %sign3A_28 = arith.cmpi sgt, %select_n3A_10, %sign3A : i32
    %sign3A_29 = arith.extui %sign3A_28 : i1 to i32
    %sign3A_30 = arith.constant 0 : i32
    %sign3A_31 = arith.cmpi slt, %select_n3A_10, %sign3A_30 : i32
    %sign3A_32 = arith.extui %sign3A_31 : i1 to i32
    %sign3A_33 = arith.subi %sign3A_29, %sign3A_32 : i32
    %sign3A_34 = arith.constant 0 : i32
    %sign3A_35 = arith.cmpi sgt, %jit3A_27, %sign3A_34 : i32
    %sign3A_36 = arith.extui %sign3A_35 : i1 to i32
    %sign3A_37 = arith.constant 0 : i32
    %sign3A_38 = arith.cmpi slt, %jit3A_27, %sign3A_37 : i32
    %sign3A_39 = arith.extui %sign3A_38 : i1 to i32
    %sign3A_40 = arith.subi %sign3A_36, %sign3A_39 : i32
    %ne3A = arith.cmpi ne, %sign3A_33, %sign3A_40 : i32
    %rem3A = arith.remsi %select_n3A_10, %jit3A_27 : i32
    %ne3A_41 = arith.constant 0 : i32
    %ne3A_42 = arith.cmpi ne, %rem3A, %ne3A_41 : i32
    %and3A = arith.andi %ne3A, %ne3A_42 : i1
    %sub3A = arith.constant 1 : i32
    %sub3A_43 = arith.subi %div3A, %sub3A : i32
    %select_n3A_44 = arith.select %and3A, %sub3A_43, %div3A : i32
    %while3A = arith.constant 0 : i32
    %while3A_45 = arith.constant 0 : i32
    %while3A_46 = arith.subi %select_n3A_44, %while3A_45 : i32
    %while3A_47 = arith.addi %while3A_45, %while3A_46 : i32
    %while3A_48 = arith.constant 1 : i32
    %while3A_49 = arith.divsi %while3A_46, %while3A_48 : i32
    %while3A_50 = arith.muli %while3A_49, %while3A_48 : i32
    %while3A_51 = arith.addi %while3A_45, %while3A_50 : i32
    %while3A_52 = arith.constant 1 : i32
    scf.for %while3A_55 = %while3A_45 to %while3A_51 step %while3A_52  : i32 {
      %mul3A_56 = arith.constant 2 : i32
      %mul3A_57 = arith.muli %mul3A_56, %while3A_55 : i32
      %add3A_58 = arith.constant 1 : i32
      %add3A_59 = arith.addi %mul3A_57, %add3A_58 : i32
      %lt3A = arith.cmpi slt, %add3A_59, %select_n3A_10 : i32
      %convert_element_type3A = arith.extui %lt3A : i1 to i32
      %cond3A = arith.constant 0 : i32
      %cond3A_60 = arith.cmpi ne, %convert_element_type3A, %cond3A : i32
      scf.if %cond3A_60 {
        %add3A_97 = arith.addi %select_n3A, %mul3A_57 : i32
        %add3A_98 = arith.constant 1 : i32
        %add3A_99 = arith.addi %add3A_97, %add3A_98 : i32
        %dma_wait3A_100 = arith.constant 0 : i32
        %dma_wait3A_101 = arith.constant 0 : i32
        %dma_wait3A_102 = tpu.memref_slice %arg3[%add3A_99, %dma_wait3A_100, %dma_wait3A_101] : memref<2560x2x128xi32, #tpu.memory_space<hbm>> -> memref<1x2x128xi32, #tpu.memory_space<hbm>>
        %dma_wait3A_103 = tpu.memref_squeeze %dma_wait3A_102 : memref<1x2x128xi32, #tpu.memory_space<hbm>> -> memref<2x128xi32, #tpu.memory_space<hbm>>
        %dma_wait3A_104 = arith.constant 0 : i32
        %dma_wait3A_105 = arith.constant 0 : i32
        %dma_wait3A_106 = tpu.memref_slice %arg3[%add3A_99, %dma_wait3A_104, %dma_wait3A_105] : memref<2560x2x128xi32, #tpu.memory_space<hbm>> -> memref<1x2x128xi32, #tpu.memory_space<hbm>>
        %dma_wait3A_107 = tpu.memref_squeeze %dma_wait3A_106 : memref<1x2x128xi32, #tpu.memory_space<hbm>> -> memref<2x128xi32, #tpu.memory_space<hbm>>
        tpu.wait_dma2 semaphore(%arg12 : memref<!tpu.dma_semaphore, #tpu.memory_space<semaphore_mem>>) src(%dma_wait3A_107 : memref<2x128xi32, #tpu.memory_space<hbm>>) dst(%arg7 : memref<2x128xi32, #tpu.memory_space<vmem>>)
        %dma_start3A_108 = arith.constant 0 : i32
        %dma_start3A_109 = arith.constant 0 : i32
        %dma_start3A_110 = tpu.memref_slice %arg7[%dma_start3A_108, %dma_start3A_109] : memref<2x128xi32, #tpu.memory_space<vmem>> -> memref<1x128xi32, #tpu.memory_space<vmem>>
        %dma_start3A_111 = tpu.memref_squeeze %dma_start3A_110 : memref<1x128xi32, #tpu.memory_space<vmem>> -> memref<128xi32, #tpu.memory_space<vmem>>
        %dma_start3A_112 = arith.constant 0 : i32
        %dma_start3A_113 = arith.constant 0 : i32
        %dma_start3A_114 = tpu.memref_slice %arg2[%dma_start3A_112, %dma_start3A_113] : memref<10000x128xf32, #tpu.memory_space<hbm>> -> memref<10000x128xf32, #tpu.memory_space<hbm>>
        tpu.enqueue_indirect_dma source(%dma_start3A_114 : memref<10000x128xf32, #tpu.memory_space<hbm>>) target(%arg9 : memref<128x128xf32, #tpu.memory_space<vmem>>) offsets(%dma_start3A_111 : memref<128xi32, #tpu.memory_space<vmem>>) semaphore(%arg11 : memref<!tpu.dma_semaphore, #tpu.memory_space<semaphore_mem>>)
      } else {
      }
      %dma_wait3A = arith.constant 0 : i32
      %dma_wait3A_61 = arith.constant 0 : i32
      %dma_wait3A_62 = tpu.memref_slice %arg6[%dma_wait3A, %dma_wait3A_61] : memref<2x128xi32, #tpu.memory_space<vmem>> -> memref<1x128xi32, #tpu.memory_space<vmem>>
      %dma_wait3A_63 = tpu.memref_squeeze %dma_wait3A_62 : memref<1x128xi32, #tpu.memory_space<vmem>> -> memref<128xi32, #tpu.memory_space<vmem>>
      %dma_wait3A_64 = arith.constant 0 : i32
      %dma_wait3A_65 = arith.constant 0 : i32
      %dma_wait3A_66 = tpu.memref_slice %arg2[%dma_wait3A_64, %dma_wait3A_65] : memref<10000x128xf32, #tpu.memory_space<hbm>> -> memref<10000x128xf32, #tpu.memory_space<hbm>>
      tpu.wait_indirect_dma semaphore(%arg11 : memref<!tpu.dma_semaphore, #tpu.memory_space<semaphore_mem>>) src(%dma_wait3A_66 : memref<10000x128xf32, #tpu.memory_space<hbm>>) dst(%arg8 : memref<128x128xf32, #tpu.memory_space<vmem>>)
      %run_scoped3A = arith.constant 1 : i32
      "tpu.region"() ({
        %run_scoped3A_97 = tpu.sem_alloc : memref<!tpu.dma_semaphore, #tpu.memory_space<semaphore_mem>>
        %dma_start3A_98 = arith.constant 0 : i32
        %dma_start3A_99 = tpu.memref_slice %arg6[%run_scoped3A, %dma_start3A_98] : memref<2x128xi32, #tpu.memory_space<vmem>> -> memref<1x128xi32, #tpu.memory_space<vmem>>
        %dma_start3A_100 = tpu.memref_squeeze %dma_start3A_99 : memref<1x128xi32, #tpu.memory_space<vmem>> -> memref<128xi32, #tpu.memory_space<vmem>>
        %dma_start3A_101 = arith.constant 0 : i32
        %dma_start3A_102 = arith.constant 0 : i32
        %dma_start3A_103 = tpu.memref_slice %arg10[%dma_start3A_101, %dma_start3A_102] : memref<10112x128xf32, #tpu.memory_space<vmem_shared>> -> memref<10112x128xf32, #tpu.memory_space<vmem_shared>>
        tpu.enqueue_indirect_dma source(%arg8 : memref<128x128xf32, #tpu.memory_space<vmem>>) target(%dma_start3A_103 : memref<10112x128xf32, #tpu.memory_space<vmem_shared>>) offsets(%dma_start3A_100 : memref<128xi32, #tpu.memory_space<vmem>>) semaphore(%run_scoped3A_97 : memref<!tpu.dma_semaphore, #tpu.memory_space<semaphore_mem>>) {add = true}
        %dma_wait3A_104 = arith.constant 0 : i32
        %dma_wait3A_105 = tpu.memref_slice %arg6[%run_scoped3A, %dma_wait3A_104] : memref<2x128xi32, #tpu.memory_space<vmem>> -> memref<1x128xi32, #tpu.memory_space<vmem>>
        %dma_wait3A_106 = tpu.memref_squeeze %dma_wait3A_105 : memref<1x128xi32, #tpu.memory_space<vmem>> -> memref<128xi32, #tpu.memory_space<vmem>>
        %dma_wait3A_107 = arith.constant 0 : i32
        %dma_wait3A_108 = arith.constant 0 : i32
        %dma_wait3A_109 = tpu.memref_slice %arg10[%dma_wait3A_107, %dma_wait3A_108] : memref<10112x128xf32, #tpu.memory_space<vmem_shared>> -> memref<10112x128xf32, #tpu.memory_space<vmem_shared>>
        tpu.wait_indirect_dma semaphore(%run_scoped3A_97 : memref<!tpu.dma_semaphore, #tpu.memory_space<semaphore_mem>>) src(%arg8 : memref<128x128xf32, #tpu.memory_space<vmem>>) dst(%dma_wait3A_109 : memref<10112x128xf32, #tpu.memory_space<vmem_shared>>)
        tpu.yield
      }) : () -> ()
      %add3A_67 = arith.constant 2 : i32
      %add3A_68 = arith.addi %mul3A_57, %add3A_67 : i32
      %lt3A_69 = arith.cmpi slt, %add3A_68, %select_n3A_10 : i32
      %convert_element_type3A_70 = arith.extui %lt3A_69 : i1 to i32
      %cond3A_71 = arith.constant 0 : i32
      %cond3A_72 = arith.cmpi ne, %convert_element_type3A_70, %cond3A_71 : i32
      scf.if %cond3A_72 {
        %add3A_97 = arith.addi %select_n3A, %mul3A_57 : i32
        %add3A_98 = arith.constant 2 : i32
        %add3A_99 = arith.addi %add3A_97, %add3A_98 : i32
        %dma_start3A_100 = arith.constant 0 : i32
        %dma_start3A_101 = arith.constant 0 : i32
        %dma_start3A_102 = tpu.memref_slice %arg3[%add3A_99, %dma_start3A_100, %dma_start3A_101] : memref<2560x2x128xi32, #tpu.memory_space<hbm>> -> memref<1x2x128xi32, #tpu.memory_space<hbm>>
        %dma_start3A_103 = tpu.memref_squeeze %dma_start3A_102 : memref<1x2x128xi32, #tpu.memory_space<hbm>> -> memref<2x128xi32, #tpu.memory_space<hbm>>
        %dma_start3A_104 = arith.constant 0 : i32
        %dma_start3A_105 = arith.constant 0 : i32
        %dma_start3A_106 = tpu.memref_slice %arg3[%add3A_99, %dma_start3A_104, %dma_start3A_105] : memref<2560x2x128xi32, #tpu.memory_space<hbm>> -> memref<1x2x128xi32, #tpu.memory_space<hbm>>
        %dma_start3A_107 = tpu.memref_squeeze %dma_start3A_106 : memref<1x2x128xi32, #tpu.memory_space<hbm>> -> memref<2x128xi32, #tpu.memory_space<hbm>>
        tpu.enqueue_dma source(%dma_start3A_107 : memref<2x128xi32, #tpu.memory_space<hbm>>) target(%arg6 : memref<2x128xi32, #tpu.memory_space<vmem>>) target_semaphore(%arg12 : memref<!tpu.dma_semaphore, #tpu.memory_space<semaphore_mem>>)
      } else {
      }
      %mul3A_73 = arith.constant 2 : i32
      %mul3A_74 = arith.muli %mul3A_73, %while3A_55 : i32
      %add3A_75 = arith.constant 1 : i32
      %add3A_76 = arith.addi %mul3A_74, %add3A_75 : i32
      %add3A_77 = arith.constant 1 : i32
      %add3A_78 = arith.addi %add3A_76, %add3A_77 : i32
      %lt3A_79 = arith.cmpi slt, %add3A_78, %select_n3A_10 : i32
      %convert_element_type3A_80 = arith.extui %lt3A_79 : i1 to i32
      %cond3A_81 = arith.constant 0 : i32
      %cond3A_82 = arith.cmpi ne, %convert_element_type3A_80, %cond3A_81 : i32
      scf.if %cond3A_82 {
        %add3A_97 = arith.addi %select_n3A, %add3A_76 : i32
        %add3A_98 = arith.constant 1 : i32
        %add3A_99 = arith.addi %add3A_97, %add3A_98 : i32
        %dma_wait3A_100 = arith.constant 0 : i32
        %dma_wait3A_101 = arith.constant 0 : i32
        %dma_wait3A_102 = tpu.memref_slice %arg3[%add3A_99, %dma_wait3A_100, %dma_wait3A_101] : memref<2560x2x128xi32, #tpu.memory_space<hbm>> -> memref<1x2x128xi32, #tpu.memory_space<hbm>>
        %dma_wait3A_103 = tpu.memref_squeeze %dma_wait3A_102 : memref<1x2x128xi32, #tpu.memory_space<hbm>> -> memref<2x128xi32, #tpu.memory_space<hbm>>
        %dma_wait3A_104 = arith.constant 0 : i32
        %dma_wait3A_105 = arith.constant 0 : i32
        %dma_wait3A_106 = tpu.memref_slice %arg3[%add3A_99, %dma_wait3A_104, %dma_wait3A_105] : memref<2560x2x128xi32, #tpu.memory_space<hbm>> -> memref<1x2x128xi32, #tpu.memory_space<hbm>>
        %dma_wait3A_107 = tpu.memref_squeeze %dma_wait3A_106 : memref<1x2x128xi32, #tpu.memory_space<hbm>> -> memref<2x128xi32, #tpu.memory_space<hbm>>
        tpu.wait_dma2 semaphore(%arg12 : memref<!tpu.dma_semaphore, #tpu.memory_space<semaphore_mem>>) src(%dma_wait3A_107 : memref<2x128xi32, #tpu.memory_space<hbm>>) dst(%arg6 : memref<2x128xi32, #tpu.memory_space<vmem>>)
        %dma_start3A_108 = arith.constant 0 : i32
        %dma_start3A_109 = arith.constant 0 : i32
        %dma_start3A_110 = tpu.memref_slice %arg6[%dma_start3A_108, %dma_start3A_109] : memref<2x128xi32, #tpu.memory_space<vmem>> -> memref<1x128xi32, #tpu.memory_space<vmem>>
        %dma_start3A_111 = tpu.memref_squeeze %dma_start3A_110 : memref<1x128xi32, #tpu.memory_space<vmem>> -> memref<128xi32, #tpu.memory_space<vmem>>
        %dma_start3A_112 = arith.constant 0 : i32
        %dma_start3A_113 = arith.constant 0 : i32
        %dma_start3A_114 = tpu.memref_slice %arg2[%dma_start3A_112, %dma_start3A_113] : memref<10000x128xf32, #tpu.memory_space<hbm>> -> memref<10000x128xf32, #tpu.memory_space<hbm>>
        tpu.enqueue_indirect_dma source(%dma_start3A_114 : memref<10000x128xf32, #tpu.memory_space<hbm>>) target(%arg8 : memref<128x128xf32, #tpu.memory_space<vmem>>) offsets(%dma_start3A_111 : memref<128xi32, #tpu.memory_space<vmem>>) semaphore(%arg11 : memref<!tpu.dma_semaphore, #tpu.memory_space<semaphore_mem>>)
      } else {
      }
      %dma_wait3A_83 = arith.constant 0 : i32
      %dma_wait3A_84 = arith.constant 0 : i32
      %dma_wait3A_85 = tpu.memref_slice %arg7[%dma_wait3A_83, %dma_wait3A_84] : memref<2x128xi32, #tpu.memory_space<vmem>> -> memref<1x128xi32, #tpu.memory_space<vmem>>
      %dma_wait3A_86 = tpu.memref_squeeze %dma_wait3A_85 : memref<1x128xi32, #tpu.memory_space<vmem>> -> memref<128xi32, #tpu.memory_space<vmem>>
      %dma_wait3A_87 = arith.constant 0 : i32
      %dma_wait3A_88 = arith.constant 0 : i32
      %dma_wait3A_89 = tpu.memref_slice %arg2[%dma_wait3A_87, %dma_wait3A_88] : memref<10000x128xf32, #tpu.memory_space<hbm>> -> memref<10000x128xf32, #tpu.memory_space<hbm>>
      tpu.wait_indirect_dma semaphore(%arg11 : memref<!tpu.dma_semaphore, #tpu.memory_space<semaphore_mem>>) src(%dma_wait3A_89 : memref<10000x128xf32, #tpu.memory_space<hbm>>) dst(%arg9 : memref<128x128xf32, #tpu.memory_space<vmem>>)
      %run_scoped3A_90 = arith.constant 1 : i32
      "tpu.region"() ({
        %run_scoped3A_97 = tpu.sem_alloc : memref<!tpu.dma_semaphore, #tpu.memory_space<semaphore_mem>>
        %dma_start3A_98 = arith.constant 0 : i32
        %dma_start3A_99 = tpu.memref_slice %arg7[%run_scoped3A_90, %dma_start3A_98] : memref<2x128xi32, #tpu.memory_space<vmem>> -> memref<1x128xi32, #tpu.memory_space<vmem>>
        %dma_start3A_100 = tpu.memref_squeeze %dma_start3A_99 : memref<1x128xi32, #tpu.memory_space<vmem>> -> memref<128xi32, #tpu.memory_space<vmem>>
        %dma_start3A_101 = arith.constant 0 : i32
        %dma_start3A_102 = arith.constant 0 : i32
        %dma_start3A_103 = tpu.memref_slice %arg10[%dma_start3A_101, %dma_start3A_102] : memref<10112x128xf32, #tpu.memory_space<vmem_shared>> -> memref<10112x128xf32, #tpu.memory_space<vmem_shared>>
        tpu.enqueue_indirect_dma source(%arg9 : memref<128x128xf32, #tpu.memory_space<vmem>>) target(%dma_start3A_103 : memref<10112x128xf32, #tpu.memory_space<vmem_shared>>) offsets(%dma_start3A_100 : memref<128xi32, #tpu.memory_space<vmem>>) semaphore(%run_scoped3A_97 : memref<!tpu.dma_semaphore, #tpu.memory_space<semaphore_mem>>) {add = true}
        %dma_wait3A_104 = arith.constant 0 : i32
        %dma_wait3A_105 = tpu.memref_slice %arg7[%run_scoped3A_90, %dma_wait3A_104] : memref<2x128xi32, #tpu.memory_space<vmem>> -> memref<1x128xi32, #tpu.memory_space<vmem>>
        %dma_wait3A_106 = tpu.memref_squeeze %dma_wait3A_105 : memref<1x128xi32, #tpu.memory_space<vmem>> -> memref<128xi32, #tpu.memory_space<vmem>>
        %dma_wait3A_107 = arith.constant 0 : i32
        %dma_wait3A_108 = arith.constant 0 : i32
        %dma_wait3A_109 = tpu.memref_slice %arg10[%dma_wait3A_107, %dma_wait3A_108] : memref<10112x128xf32, #tpu.memory_space<vmem_shared>> -> memref<10112x128xf32, #tpu.memory_space<vmem_shared>>
        tpu.wait_indirect_dma semaphore(%run_scoped3A_97 : memref<!tpu.dma_semaphore, #tpu.memory_space<semaphore_mem>>) src(%arg9 : memref<128x128xf32, #tpu.memory_space<vmem>>) dst(%dma_wait3A_109 : memref<10112x128xf32, #tpu.memory_space<vmem_shared>>)
        tpu.yield
      }) : () -> ()
      %add3A_91 = arith.constant 2 : i32
      %add3A_92 = arith.addi %add3A_76, %add3A_91 : i32
      %lt3A_93 = arith.cmpi slt, %add3A_92, %select_n3A_10 : i32
      %convert_element_type3A_94 = arith.extui %lt3A_93 : i1 to i32
      %cond3A_95 = arith.constant 0 : i32
      %cond3A_96 = arith.cmpi ne, %convert_element_type3A_94, %cond3A_95 : i32
      scf.if %cond3A_96 {
        %add3A_97 = arith.addi %select_n3A, %add3A_76 : i32
        %add3A_98 = arith.constant 2 : i32
        %add3A_99 = arith.addi %add3A_97, %add3A_98 : i32
        %dma_start3A_100 = arith.constant 0 : i32
        %dma_start3A_101 = arith.constant 0 : i32
        %dma_start3A_102 = tpu.memref_slice %arg3[%add3A_99, %dma_start3A_100, %dma_start3A_101] : memref<2560x2x128xi32, #tpu.memory_space<hbm>> -> memref<1x2x128xi32, #tpu.memory_space<hbm>>
        %dma_start3A_103 = tpu.memref_squeeze %dma_start3A_102 : memref<1x2x128xi32, #tpu.memory_space<hbm>> -> memref<2x128xi32, #tpu.memory_space<hbm>>
        %dma_start3A_104 = arith.constant 0 : i32
        %dma_start3A_105 = arith.constant 0 : i32
        %dma_start3A_106 = tpu.memref_slice %arg3[%add3A_99, %dma_start3A_104, %dma_start3A_105] : memref<2560x2x128xi32, #tpu.memory_space<hbm>> -> memref<1x2x128xi32, #tpu.memory_space<hbm>>
        %dma_start3A_107 = tpu.memref_squeeze %dma_start3A_106 : memref<1x2x128xi32, #tpu.memory_space<hbm>> -> memref<2x128xi32, #tpu.memory_space<hbm>>
        tpu.enqueue_dma source(%dma_start3A_107 : memref<2x128xi32, #tpu.memory_space<hbm>>) target(%arg7 : memref<2x128xi32, #tpu.memory_space<vmem>>) target_semaphore(%arg12 : memref<!tpu.dma_semaphore, #tpu.memory_space<semaphore_mem>>)
      } else {
      }
    }
    %while3A_53 = arith.constant 1 : i32
    scf.for %while3A_55 = %while3A_51 to %while3A_47 step %while3A_53  : i32 {
      %mul3A_56 = arith.constant 2 : i32
      %mul3A_57 = arith.muli %mul3A_56, %while3A_55 : i32
      %add3A_58 = arith.constant 1 : i32
      %add3A_59 = arith.addi %mul3A_57, %add3A_58 : i32
      %lt3A = arith.cmpi slt, %add3A_59, %select_n3A_10 : i32
      %convert_element_type3A = arith.extui %lt3A : i1 to i32
      %cond3A = arith.constant 0 : i32
      %cond3A_60 = arith.cmpi ne, %convert_element_type3A, %cond3A : i32
      scf.if %cond3A_60 {
        %add3A_97 = arith.addi %select_n3A, %mul3A_57 : i32
        %add3A_98 = arith.constant 1 : i32
        %add3A_99 = arith.addi %add3A_97, %add3A_98 : i32
        %dma_wait3A_100 = arith.constant 0 : i32
        %dma_wait3A_101 = arith.constant 0 : i32
        %dma_wait3A_102 = tpu.memref_slice %arg3[%add3A_99, %dma_wait3A_100, %dma_wait3A_101] : memref<2560x2x128xi32, #tpu.memory_space<hbm>> -> memref<1x2x128xi32, #tpu.memory_space<hbm>>
        %dma_wait3A_103 = tpu.memref_squeeze %dma_wait3A_102 : memref<1x2x128xi32, #tpu.memory_space<hbm>> -> memref<2x128xi32, #tpu.memory_space<hbm>>
        %dma_wait3A_104 = arith.constant 0 : i32
        %dma_wait3A_105 = arith.constant 0 : i32
        %dma_wait3A_106 = tpu.memref_slice %arg3[%add3A_99, %dma_wait3A_104, %dma_wait3A_105] : memref<2560x2x128xi32, #tpu.memory_space<hbm>> -> memref<1x2x128xi32, #tpu.memory_space<hbm>>
        %dma_wait3A_107 = tpu.memref_squeeze %dma_wait3A_106 : memref<1x2x128xi32, #tpu.memory_space<hbm>> -> memref<2x128xi32, #tpu.memory_space<hbm>>
        tpu.wait_dma2 semaphore(%arg12 : memref<!tpu.dma_semaphore, #tpu.memory_space<semaphore_mem>>) src(%dma_wait3A_107 : memref<2x128xi32, #tpu.memory_space<hbm>>) dst(%arg7 : memref<2x128xi32, #tpu.memory_space<vmem>>)
        %dma_start3A_108 = arith.constant 0 : i32
        %dma_start3A_109 = arith.constant 0 : i32
        %dma_start3A_110 = tpu.memref_slice %arg7[%dma_start3A_108, %dma_start3A_109] : memref<2x128xi32, #tpu.memory_space<vmem>> -> memref<1x128xi32, #tpu.memory_space<vmem>>
        %dma_start3A_111 = tpu.memref_squeeze %dma_start3A_110 : memref<1x128xi32, #tpu.memory_space<vmem>> -> memref<128xi32, #tpu.memory_space<vmem>>
        %dma_start3A_112 = arith.constant 0 : i32
        %dma_start3A_113 = arith.constant 0 : i32
        %dma_start3A_114 = tpu.memref_slice %arg2[%dma_start3A_112, %dma_start3A_113] : memref<10000x128xf32, #tpu.memory_space<hbm>> -> memref<10000x128xf32, #tpu.memory_space<hbm>>
        tpu.enqueue_indirect_dma source(%dma_start3A_114 : memref<10000x128xf32, #tpu.memory_space<hbm>>) target(%arg9 : memref<128x128xf32, #tpu.memory_space<vmem>>) offsets(%dma_start3A_111 : memref<128xi32, #tpu.memory_space<vmem>>) semaphore(%arg11 : memref<!tpu.dma_semaphore, #tpu.memory_space<semaphore_mem>>)
      } else {
      }
      %dma_wait3A = arith.constant 0 : i32
      %dma_wait3A_61 = arith.constant 0 : i32
      %dma_wait3A_62 = tpu.memref_slice %arg6[%dma_wait3A, %dma_wait3A_61] : memref<2x128xi32, #tpu.memory_space<vmem>> -> memref<1x128xi32, #tpu.memory_space<vmem>>
      %dma_wait3A_63 = tpu.memref_squeeze %dma_wait3A_62 : memref<1x128xi32, #tpu.memory_space<vmem>> -> memref<128xi32, #tpu.memory_space<vmem>>
      %dma_wait3A_64 = arith.constant 0 : i32
      %dma_wait3A_65 = arith.constant 0 : i32
      %dma_wait3A_66 = tpu.memref_slice %arg2[%dma_wait3A_64, %dma_wait3A_65] : memref<10000x128xf32, #tpu.memory_space<hbm>> -> memref<10000x128xf32, #tpu.memory_space<hbm>>
      tpu.wait_indirect_dma semaphore(%arg11 : memref<!tpu.dma_semaphore, #tpu.memory_space<semaphore_mem>>) src(%dma_wait3A_66 : memref<10000x128xf32, #tpu.memory_space<hbm>>) dst(%arg8 : memref<128x128xf32, #tpu.memory_space<vmem>>)
      %run_scoped3A = arith.constant 1 : i32
      "tpu.region"() ({
        %run_scoped3A_97 = tpu.sem_alloc : memref<!tpu.dma_semaphore, #tpu.memory_space<semaphore_mem>>
        %dma_start3A_98 = arith.constant 0 : i32
        %dma_start3A_99 = tpu.memref_slice %arg6[%run_scoped3A, %dma_start3A_98] : memref<2x128xi32, #tpu.memory_space<vmem>> -> memref<1x128xi32, #tpu.memory_space<vmem>>
        %dma_start3A_100 = tpu.memref_squeeze %dma_start3A_99 : memref<1x128xi32, #tpu.memory_space<vmem>> -> memref<128xi32, #tpu.memory_space<vmem>>
        %dma_start3A_101 = arith.constant 0 : i32
        %dma_start3A_102 = arith.constant 0 : i32
        %dma_start3A_103 = tpu.memref_slice %arg10[%dma_start3A_101, %dma_start3A_102] : memref<10112x128xf32, #tpu.memory_space<vmem_shared>> -> memref<10112x128xf32, #tpu.memory_space<vmem_shared>>
        tpu.enqueue_indirect_dma source(%arg8 : memref<128x128xf32, #tpu.memory_space<vmem>>) target(%dma_start3A_103 : memref<10112x128xf32, #tpu.memory_space<vmem_shared>>) offsets(%dma_start3A_100 : memref<128xi32, #tpu.memory_space<vmem>>) semaphore(%run_scoped3A_97 : memref<!tpu.dma_semaphore, #tpu.memory_space<semaphore_mem>>) {add = true}
        %dma_wait3A_104 = arith.constant 0 : i32
        %dma_wait3A_105 = tpu.memref_slice %arg6[%run_scoped3A, %dma_wait3A_104] : memref<2x128xi32, #tpu.memory_space<vmem>> -> memref<1x128xi32, #tpu.memory_space<vmem>>
        %dma_wait3A_106 = tpu.memref_squeeze %dma_wait3A_105 : memref<1x128xi32, #tpu.memory_space<vmem>> -> memref<128xi32, #tpu.memory_space<vmem>>
        %dma_wait3A_107 = arith.constant 0 : i32
        %dma_wait3A_108 = arith.constant 0 : i32
        %dma_wait3A_109 = tpu.memref_slice %arg10[%dma_wait3A_107, %dma_wait3A_108] : memref<10112x128xf32, #tpu.memory_space<vmem_shared>> -> memref<10112x128xf32, #tpu.memory_space<vmem_shared>>
        tpu.wait_indirect_dma semaphore(%run_scoped3A_97 : memref<!tpu.dma_semaphore, #tpu.memory_space<semaphore_mem>>) src(%arg8 : memref<128x128xf32, #tpu.memory_space<vmem>>) dst(%dma_wait3A_109 : memref<10112x128xf32, #tpu.memory_space<vmem_shared>>)
        tpu.yield
      }) : () -> ()
      %add3A_67 = arith.constant 2 : i32
      %add3A_68 = arith.addi %mul3A_57, %add3A_67 : i32
      %lt3A_69 = arith.cmpi slt, %add3A_68, %select_n3A_10 : i32
      %convert_element_type3A_70 = arith.extui %lt3A_69 : i1 to i32
      %cond3A_71 = arith.constant 0 : i32
      %cond3A_72 = arith.cmpi ne, %convert_element_type3A_70, %cond3A_71 : i32
      scf.if %cond3A_72 {
        %add3A_97 = arith.addi %select_n3A, %mul3A_57 : i32
        %add3A_98 = arith.constant 2 : i32
        %add3A_99 = arith.addi %add3A_97, %add3A_98 : i32
        %dma_start3A_100 = arith.constant 0 : i32
        %dma_start3A_101 = arith.constant 0 : i32
        %dma_start3A_102 = tpu.memref_slice %arg3[%add3A_99, %dma_start3A_100, %dma_start3A_101] : memref<2560x2x128xi32, #tpu.memory_space<hbm>> -> memref<1x2x128xi32, #tpu.memory_space<hbm>>
        %dma_start3A_103 = tpu.memref_squeeze %dma_start3A_102 : memref<1x2x128xi32, #tpu.memory_space<hbm>> -> memref<2x128xi32, #tpu.memory_space<hbm>>
        %dma_start3A_104 = arith.constant 0 : i32
        %dma_start3A_105 = arith.constant 0 : i32
        %dma_start3A_106 = tpu.memref_slice %arg3[%add3A_99, %dma_start3A_104, %dma_start3A_105] : memref<2560x2x128xi32, #tpu.memory_space<hbm>> -> memref<1x2x128xi32, #tpu.memory_space<hbm>>
        %dma_start3A_107 = tpu.memref_squeeze %dma_start3A_106 : memref<1x2x128xi32, #tpu.memory_space<hbm>> -> memref<2x128xi32, #tpu.memory_space<hbm>>
        tpu.enqueue_dma source(%dma_start3A_107 : memref<2x128xi32, #tpu.memory_space<hbm>>) target(%arg6 : memref<2x128xi32, #tpu.memory_space<vmem>>) target_semaphore(%arg12 : memref<!tpu.dma_semaphore, #tpu.memory_space<semaphore_mem>>)
      } else {
      }
      %mul3A_73 = arith.constant 2 : i32
      %mul3A_74 = arith.muli %mul3A_73, %while3A_55 : i32
      %add3A_75 = arith.constant 1 : i32
      %add3A_76 = arith.addi %mul3A_74, %add3A_75 : i32
      %add3A_77 = arith.constant 1 : i32
      %add3A_78 = arith.addi %add3A_76, %add3A_77 : i32
      %lt3A_79 = arith.cmpi slt, %add3A_78, %select_n3A_10 : i32
      %convert_element_type3A_80 = arith.extui %lt3A_79 : i1 to i32
      %cond3A_81 = arith.constant 0 : i32
      %cond3A_82 = arith.cmpi ne, %convert_element_type3A_80, %cond3A_81 : i32
      scf.if %cond3A_82 {
        %add3A_97 = arith.addi %select_n3A, %add3A_76 : i32
        %add3A_98 = arith.constant 1 : i32
        %add3A_99 = arith.addi %add3A_97, %add3A_98 : i32
        %dma_wait3A_100 = arith.constant 0 : i32
        %dma_wait3A_101 = arith.constant 0 : i32
        %dma_wait3A_102 = tpu.memref_slice %arg3[%add3A_99, %dma_wait3A_100, %dma_wait3A_101] : memref<2560x2x128xi32, #tpu.memory_space<hbm>> -> memref<1x2x128xi32, #tpu.memory_space<hbm>>
        %dma_wait3A_103 = tpu.memref_squeeze %dma_wait3A_102 : memref<1x2x128xi32, #tpu.memory_space<hbm>> -> memref<2x128xi32, #tpu.memory_space<hbm>>
        %dma_wait3A_104 = arith.constant 0 : i32
        %dma_wait3A_105 = arith.constant 0 : i32
        %dma_wait3A_106 = tpu.memref_slice %arg3[%add3A_99, %dma_wait3A_104, %dma_wait3A_105] : memref<2560x2x128xi32, #tpu.memory_space<hbm>> -> memref<1x2x128xi32, #tpu.memory_space<hbm>>
        %dma_wait3A_107 = tpu.memref_squeeze %dma_wait3A_106 : memref<1x2x128xi32, #tpu.memory_space<hbm>> -> memref<2x128xi32, #tpu.memory_space<hbm>>
        tpu.wait_dma2 semaphore(%arg12 : memref<!tpu.dma_semaphore, #tpu.memory_space<semaphore_mem>>) src(%dma_wait3A_107 : memref<2x128xi32, #tpu.memory_space<hbm>>) dst(%arg6 : memref<2x128xi32, #tpu.memory_space<vmem>>)
        %dma_start3A_108 = arith.constant 0 : i32
        %dma_start3A_109 = arith.constant 0 : i32
        %dma_start3A_110 = tpu.memref_slice %arg6[%dma_start3A_108, %dma_start3A_109] : memref<2x128xi32, #tpu.memory_space<vmem>> -> memref<1x128xi32, #tpu.memory_space<vmem>>
        %dma_start3A_111 = tpu.memref_squeeze %dma_start3A_110 : memref<1x128xi32, #tpu.memory_space<vmem>> -> memref<128xi32, #tpu.memory_space<vmem>>
        %dma_start3A_112 = arith.constant 0 : i32
        %dma_start3A_113 = arith.constant 0 : i32
        %dma_start3A_114 = tpu.memref_slice %arg2[%dma_start3A_112, %dma_start3A_113] : memref<10000x128xf32, #tpu.memory_space<hbm>> -> memref<10000x128xf32, #tpu.memory_space<hbm>>
        tpu.enqueue_indirect_dma source(%dma_start3A_114 : memref<10000x128xf32, #tpu.memory_space<hbm>>) target(%arg8 : memref<128x128xf32, #tpu.memory_space<vmem>>) offsets(%dma_start3A_111 : memref<128xi32, #tpu.memory_space<vmem>>) semaphore(%arg11 : memref<!tpu.dma_semaphore, #tpu.memory_space<semaphore_mem>>)
      } else {
      }
      %dma_wait3A_83 = arith.constant 0 : i32
      %dma_wait3A_84 = arith.constant 0 : i32
      %dma_wait3A_85 = tpu.memref_slice %arg7[%dma_wait3A_83, %dma_wait3A_84] : memref<2x128xi32, #tpu.memory_space<vmem>> -> memref<1x128xi32, #tpu.memory_space<vmem>>
      %dma_wait3A_86 = tpu.memref_squeeze %dma_wait3A_85 : memref<1x128xi32, #tpu.memory_space<vmem>> -> memref<128xi32, #tpu.memory_space<vmem>>
      %dma_wait3A_87 = arith.constant 0 : i32
      %dma_wait3A_88 = arith.constant 0 : i32
      %dma_wait3A_89 = tpu.memref_slice %arg2[%dma_wait3A_87, %dma_wait3A_88] : memref<10000x128xf32, #tpu.memory_space<hbm>> -> memref<10000x128xf32, #tpu.memory_space<hbm>>
      tpu.wait_indirect_dma semaphore(%arg11 : memref<!tpu.dma_semaphore, #tpu.memory_space<semaphore_mem>>) src(%dma_wait3A_89 : memref<10000x128xf32, #tpu.memory_space<hbm>>) dst(%arg9 : memref<128x128xf32, #tpu.memory_space<vmem>>)
      %run_scoped3A_90 = arith.constant 1 : i32
      "tpu.region"() ({
        %run_scoped3A_97 = tpu.sem_alloc : memref<!tpu.dma_semaphore, #tpu.memory_space<semaphore_mem>>
        %dma_start3A_98 = arith.constant 0 : i32
        %dma_start3A_99 = tpu.memref_slice %arg7[%run_scoped3A_90, %dma_start3A_98] : memref<2x128xi32, #tpu.memory_space<vmem>> -> memref<1x128xi32, #tpu.memory_space<vmem>>
        %dma_start3A_100 = tpu.memref_squeeze %dma_start3A_99 : memref<1x128xi32, #tpu.memory_space<vmem>> -> memref<128xi32, #tpu.memory_space<vmem>>
        %dma_start3A_101 = arith.constant 0 : i32
        %dma_start3A_102 = arith.constant 0 : i32
        %dma_start3A_103 = tpu.memref_slice %arg10[%dma_start3A_101, %dma_start3A_102] : memref<10112x128xf32, #tpu.memory_space<vmem_shared>> -> memref<10112x128xf32, #tpu.memory_space<vmem_shared>>
        tpu.enqueue_indirect_dma source(%arg9 : memref<128x128xf32, #tpu.memory_space<vmem>>) target(%dma_start3A_103 : memref<10112x128xf32, #tpu.memory_space<vmem_shared>>) offsets(%dma_start3A_100 : memref<128xi32, #tpu.memory_space<vmem>>) semaphore(%run_scoped3A_97 : memref<!tpu.dma_semaphore, #tpu.memory_space<semaphore_mem>>) {add = true}
        %dma_wait3A_104 = arith.constant 0 : i32
        %dma_wait3A_105 = tpu.memref_slice %arg7[%run_scoped3A_90, %dma_wait3A_104] : memref<2x128xi32, #tpu.memory_space<vmem>> -> memref<1x128xi32, #tpu.memory_space<vmem>>
        %dma_wait3A_106 = tpu.memref_squeeze %dma_wait3A_105 : memref<1x128xi32, #tpu.memory_space<vmem>> -> memref<128xi32, #tpu.memory_space<vmem>>
        %dma_wait3A_107 = arith.constant 0 : i32
        %dma_wait3A_108 = arith.constant 0 : i32
        %dma_wait3A_109 = tpu.memref_slice %arg10[%dma_wait3A_107, %dma_wait3A_108] : memref<10112x128xf32, #tpu.memory_space<vmem_shared>> -> memref<10112x128xf32, #tpu.memory_space<vmem_shared>>
        tpu.wait_indirect_dma semaphore(%run_scoped3A_97 : memref<!tpu.dma_semaphore, #tpu.memory_space<semaphore_mem>>) src(%arg9 : memref<128x128xf32, #tpu.memory_space<vmem>>) dst(%dma_wait3A_109 : memref<10112x128xf32, #tpu.memory_space<vmem_shared>>)
        tpu.yield
      }) : () -> ()
      %add3A_91 = arith.constant 2 : i32
      %add3A_92 = arith.addi %add3A_76, %add3A_91 : i32
      %lt3A_93 = arith.cmpi slt, %add3A_92, %select_n3A_10 : i32
      %convert_element_type3A_94 = arith.extui %lt3A_93 : i1 to i32
      %cond3A_95 = arith.constant 0 : i32
      %cond3A_96 = arith.cmpi ne, %convert_element_type3A_94, %cond3A_95 : i32
      scf.if %cond3A_96 {
        %add3A_97 = arith.addi %select_n3A, %add3A_76 : i32
        %add3A_98 = arith.constant 2 : i32
        %add3A_99 = arith.addi %add3A_97, %add3A_98 : i32
        %dma_start3A_100 = arith.constant 0 : i32
        %dma_start3A_101 = arith.constant 0 : i32
        %dma_start3A_102 = tpu.memref_slice %arg3[%add3A_99, %dma_start3A_100, %dma_start3A_101] : memref<2560x2x128xi32, #tpu.memory_space<hbm>> -> memref<1x2x128xi32, #tpu.memory_space<hbm>>
        %dma_start3A_103 = tpu.memref_squeeze %dma_start3A_102 : memref<1x2x128xi32, #tpu.memory_space<hbm>> -> memref<2x128xi32, #tpu.memory_space<hbm>>
        %dma_start3A_104 = arith.constant 0 : i32
        %dma_start3A_105 = arith.constant 0 : i32
        %dma_start3A_106 = tpu.memref_slice %arg3[%add3A_99, %dma_start3A_104, %dma_start3A_105] : memref<2560x2x128xi32, #tpu.memory_space<hbm>> -> memref<1x2x128xi32, #tpu.memory_space<hbm>>
        %dma_start3A_107 = tpu.memref_squeeze %dma_start3A_106 : memref<1x2x128xi32, #tpu.memory_space<hbm>> -> memref<2x128xi32, #tpu.memory_space<hbm>>
        tpu.enqueue_dma source(%dma_start3A_107 : memref<2x128xi32, #tpu.memory_space<hbm>>) target(%arg7 : memref<2x128xi32, #tpu.memory_space<vmem>>) target_semaphore(%arg12 : memref<!tpu.dma_semaphore, #tpu.memory_space<semaphore_mem>>)
      } else {
      }
    }
    %barrier3A_54 = arith.constant 0 : index
    tpu.barrier barrier_id(%barrier3A_54)
    "tpu.region"() ({
      %run_scoped3A = tpu.sem_alloc : memref<!tpu.dma_semaphore, #tpu.memory_space<semaphore_mem>>
      %dma_start3A_55 = arith.constant 0 : i32
      %dma_start3A_56 = tpu.memref_slice %arg5[%arg0, %mul3A_0, %dma_start3A_55] : memref<2x10112x128xf32, #tpu.memory_space<hbm>> -> memref<1x632x128xf32, #tpu.memory_space<hbm>>
      %dma_start3A_57 = tpu.memref_squeeze %dma_start3A_56 : memref<1x632x128xf32, #tpu.memory_space<hbm>> -> memref<632x128xf32, #tpu.memory_space<hbm>>
      %dma_start3A_58 = arith.constant 0 : i32
      %dma_start3A_59 = tpu.memref_slice %arg10[%mul3A_0, %dma_start3A_58] : memref<10112x128xf32, #tpu.memory_space<vmem_shared>> -> memref<632x128xf32, #tpu.memory_space<vmem_shared>>
      tpu.enqueue_dma source(%dma_start3A_59 : memref<632x128xf32, #tpu.memory_space<vmem_shared>>) target(%dma_start3A_57 : memref<632x128xf32, #tpu.memory_space<hbm>>) target_semaphore(%run_scoped3A : memref<!tpu.dma_semaphore, #tpu.memory_space<semaphore_mem>>)
      %dma_wait3A = arith.constant 0 : i32
      %dma_wait3A_60 = tpu.memref_slice %arg5[%arg0, %mul3A_0, %dma_wait3A] : memref<2x10112x128xf32, #tpu.memory_space<hbm>> -> memref<1x632x128xf32, #tpu.memory_space<hbm>>
      %dma_wait3A_61 = tpu.memref_squeeze %dma_wait3A_60 : memref<1x632x128xf32, #tpu.memory_space<hbm>> -> memref<632x128xf32, #tpu.memory_space<hbm>>
      %dma_wait3A_62 = arith.constant 0 : i32
      %dma_wait3A_63 = tpu.memref_slice %arg10[%mul3A_0, %dma_wait3A_62] : memref<10112x128xf32, #tpu.memory_space<vmem_shared>> -> memref<632x128xf32, #tpu.memory_space<vmem_shared>>
      tpu.wait_dma2 semaphore(%run_scoped3A : memref<!tpu.dma_semaphore, #tpu.memory_space<semaphore_mem>>) src(%dma_wait3A_63 : memref<632x128xf32, #tpu.memory_space<vmem_shared>>) dst(%dma_wait3A_61 : memref<632x128xf32, #tpu.memory_space<hbm>>)
      tpu.yield
    }) : () -> ()
    return
  }
}

module attributes {stable_mosaic.version = 14 : i64} {
  func.func @_mm2_body(%arg0: i32, %arg1: memref<400x128xf32, #tpu.memory_space<vmem>>, %arg2: memref<128x128xf32, #tpu.memory_space<vmem>>, %arg3: memref<128x128xf32, #tpu.memory_space<vmem>>, %arg4: memref<400x128xf32, #tpu.memory_space<vmem>>, %arg5: memref<400x128xf32, #tpu.memory_space<vmem>>) attributes {dimension_semantics = [#tpu.dimension_semantics<arbitrary>], iteration_bounds = array<i64: 25>, scalar_prefetch = 0 : i64, scratch_operands = 0 : i64, tpu.core_type = #tpu.core_type<tc>, window_params = [{transform_indices = @transform_0, window_bounds = array<i64: 400, 128>}, {pipeline_mode = #tpu.pipeline_mode<synchronous>, transform_indices = @transform_1, window_bounds = array<i64: 128, 128>}, {pipeline_mode = #tpu.pipeline_mode<synchronous>, transform_indices = @transform_2, window_bounds = array<i64: 128, 128>}, {transform_indices = @transform_3, window_bounds = array<i64: 400, 128>}, {transform_indices = @transform_4, window_bounds = array<i64: 400, 128>}]} {
    %get3A = arith.constant 0 : index
    %get3A_0 = arith.constant 0 : index
    %get3A_1 = vector.load %arg1[%get3A, %get3A_0] : memref<400x128xf32, #tpu.memory_space<vmem>>, vector<400x128xf32>
    %get3A_2 = arith.constant 0 : index
    %get3A_3 = arith.constant 0 : index
    %get3A_4 = vector.load %arg2[%get3A_2, %get3A_3] : memref<128x128xf32, #tpu.memory_space<vmem>>, vector<128x128xf32>
    %dot_general3A = arith.constant dense<0.000000e+00> : vector<400x128xf32>
    %dot_general3A_5 = tpu.matmul %get3A_1, %get3A_4, %dot_general3A {dimension_numbers = #tpu.dot_dimension_numbers<[1], [0], [0], [1], [0, 0, 1, 1], [], []>, transpose_lhs_hint = false} : vector<400x128xf32>, vector<128x128xf32>, vector<400x128xf32> -> vector<400x128xf32>
    %swap3A = arith.constant 0 : index
    %swap3A_6 = arith.constant 0 : index
    %swap3A_7 = vector.load %arg4[%swap3A, %swap3A_6] : memref<400x128xf32, #tpu.memory_space<vmem>>, vector<400x128xf32>
    tpu.vector_store %arg4[%swap3A, %swap3A_6], %dot_general3A_5 {strides = array<i32>} : memref<400x128xf32, #tpu.memory_space<vmem>>, vector<400x128xf32>,
    %get3A_8 = arith.constant 0 : index
    %get3A_9 = arith.constant 0 : index
    %get3A_10 = vector.load %arg3[%get3A_8, %get3A_9] : memref<128x128xf32, #tpu.memory_space<vmem>>, vector<128x128xf32>
    %dot_general3A_11 = arith.constant dense<0.000000e+00> : vector<400x128xf32>
    %dot_general3A_12 = tpu.matmul %get3A_1, %get3A_10, %dot_general3A_11 {dimension_numbers = #tpu.dot_dimension_numbers<[1], [0], [0], [1], [0, 0, 1, 1], [], []>, transpose_lhs_hint = false} : vector<400x128xf32>, vector<128x128xf32>, vector<400x128xf32> -> vector<400x128xf32>
    %swap3A_13 = arith.constant 0 : index
    %swap3A_14 = arith.constant 0 : index
    %swap3A_15 = vector.load %arg5[%swap3A_13, %swap3A_14] : memref<400x128xf32, #tpu.memory_space<vmem>>, vector<400x128xf32>
    tpu.vector_store %arg5[%swap3A_13, %swap3A_14], %dot_general3A_12 {strides = array<i32>} : memref<400x128xf32, #tpu.memory_space<vmem>>, vector<400x128xf32>,
    return
  }
  func.func @transform_0(%arg0: i32) -> (i32, i32) {
    %c0_i32 = arith.constant 0 : i32
    %c0_i32_0 = arith.constant 0 : i32
    return %arg0, %c0_i32 : i32, i32
  }
  func.func @transform_1(%arg0: i32) -> (i32, i32) {
    %c0_i32 = arith.constant 0 : i32
    %c0_i32_0 = arith.constant 0 : i32
    %c0_i32_1 = arith.constant 0 : i32
    return %c0_i32, %c0_i32_0 : i32, i32
  }
  func.func @transform_2(%arg0: i32) -> (i32, i32) {
    %c0_i32 = arith.constant 0 : i32
    %c0_i32_0 = arith.constant 0 : i32
    %c0_i32_1 = arith.constant 0 : i32
    return %c0_i32, %c0_i32_0 : i32, i32
  }
  func.func @transform_3(%arg0: i32) -> (i32, i32) {
    %c0_i32 = arith.constant 0 : i32
    %c0_i32_0 = arith.constant 0 : i32
    return %arg0, %c0_i32 : i32, i32
  }
  func.func @transform_4(%arg0: i32) -> (i32, i32) {
    %c0_i32 = arith.constant 0 : i32
    %c0_i32_0 = arith.constant 0 : i32
    return %arg0, %c0_i32 : i32, i32
  }
}

module attributes {stable_mosaic.version = 14 : i64} {
  func.func @_mid_body(%arg0: i32, %arg1: memref<2x400x128xf32, #tpu.memory_space<vmem>>, %arg2: memref<2x400x128xf32, #tpu.memory_space<vmem>>, %arg3: memref<400x128xf32, #tpu.memory_space<vmem>>, %arg4: memref<1x128xf32, #tpu.memory_space<vmem>>, %arg5: memref<128x128xf32, #tpu.memory_space<vmem>>, %arg6: memref<128x128xf32, #tpu.memory_space<vmem>>, %arg7: memref<128x40xf32, #tpu.memory_space<vmem>>, %arg8: memref<400x128xf32, #tpu.memory_space<vmem>>, %arg9: memref<400x128xf32, #tpu.memory_space<vmem>>, %arg10: memref<400x40xf32, #tpu.memory_space<vmem>>) attributes {dimension_semantics = [#tpu.dimension_semantics<arbitrary>], iteration_bounds = array<i64: 25>, scalar_prefetch = 0 : i64, scratch_operands = 0 : i64, tpu.core_type = #tpu.core_type<tc>, window_params = [{transform_indices = @transform_0, window_bounds = array<i64: 2, 400, 128>}, {transform_indices = @transform_1, window_bounds = array<i64: 2, 400, 128>}, {transform_indices = @transform_2, window_bounds = array<i64: 400, 128>}, {pipeline_mode = #tpu.pipeline_mode<synchronous>, transform_indices = @transform_3, window_bounds = array<i64: 1, 128>}, {pipeline_mode = #tpu.pipeline_mode<synchronous>, transform_indices = @transform_4, window_bounds = array<i64: 128, 128>}, {pipeline_mode = #tpu.pipeline_mode<synchronous>, transform_indices = @transform_5, window_bounds = array<i64: 128, 128>}, {pipeline_mode = #tpu.pipeline_mode<synchronous>, transform_indices = @transform_6, window_bounds = array<i64: 128, 40>}, {transform_indices = @transform_7, window_bounds = array<i64: 400, 128>}, {transform_indices = @transform_8, window_bounds = array<i64: 400, 128>}, {transform_indices = @transform_9, window_bounds = array<i64: 400, 40>}]} {
    %get3A = arith.constant 0 : index
    %get3A_0 = arith.constant 0 : index
    %get3A_1 = arith.constant 0 : index
    %get3A_2 = vector.load %arg1[%get3A, %get3A_0, %get3A_1] : memref<2x400x128xf32, #tpu.memory_space<vmem>>, vector<1x400x128xf32>
    %get3A_3 = vector.shape_cast %get3A_2 : vector<1x400x128xf32> to vector<400x128xf32>
    %get3A_4 = arith.constant 1 : index
    %get3A_5 = arith.constant 0 : index
    %get3A_6 = arith.constant 0 : index
    %get3A_7 = vector.load %arg1[%get3A_4, %get3A_5, %get3A_6] : memref<2x400x128xf32, #tpu.memory_space<vmem>>, vector<1x400x128xf32>
    %get3A_8 = vector.shape_cast %get3A_7 : vector<1x400x128xf32> to vector<400x128xf32>
    %add3A = arith.addf %get3A_3, %get3A_8 : vector<400x128xf32>
    %get3A_9 = arith.constant 0 : index
    %get3A_10 = arith.constant 0 : index
    %get3A_11 = arith.constant 0 : index
    %get3A_12 = vector.load %arg2[%get3A_9, %get3A_10, %get3A_11] : memref<2x400x128xf32, #tpu.memory_space<vmem>>, vector<1x400x128xf32>
    %get3A_13 = vector.shape_cast %get3A_12 : vector<1x400x128xf32> to vector<400x128xf32>
    %get3A_14 = arith.constant 1 : index
    %get3A_15 = arith.constant 0 : index
    %get3A_16 = arith.constant 0 : index
    %get3A_17 = vector.load %arg2[%get3A_14, %get3A_15, %get3A_16] : memref<2x400x128xf32, #tpu.memory_space<vmem>>, vector<1x400x128xf32>
    %get3A_18 = vector.shape_cast %get3A_17 : vector<1x400x128xf32> to vector<400x128xf32>
    %add3A_19 = arith.addf %get3A_13, %get3A_18 : vector<400x128xf32>
    %max3A = arith.constant 1.000000e+00 : f32
    %max3A_20 = vector.broadcast %max3A : f32 to vector<400x128xf32>
    %max3A_21 = arith.maximumf %add3A_19, %max3A_20 : vector<400x128xf32>
    %div3A = arith.divf %add3A, %max3A_21 : vector<400x128xf32>
    %get3A_22 = arith.constant 0 : index
    %get3A_23 = arith.constant 0 : index
    %get3A_24 = vector.load %arg3[%get3A_22, %get3A_23] : memref<400x128xf32, #tpu.memory_space<vmem>>, vector<400x128xf32>
    %add3A_25 = arith.addf %div3A, %get3A_24 : vector<400x128xf32>
    %get3A_26 = arith.constant 0 : index
    %get3A_27 = arith.constant 0 : index
    %get3A_28 = vector.load %arg4[%get3A_26, %get3A_27] : memref<1x128xf32, #tpu.memory_space<vmem>>, vector<1x128xf32>
    %add3A_29 = vector.broadcast %get3A_28 : vector<1x128xf32> to vector<400x128xf32>
    %add3A_30 = arith.addf %add3A_25, %add3A_29 : vector<400x128xf32>
    %max3A_31 = arith.constant 0.000000e+00 : f32
    %max3A_32 = vector.broadcast %max3A_31 : f32 to vector<400x128xf32>
    %max3A_33 = arith.maximumf %add3A_30, %max3A_32 : vector<400x128xf32>
    %get3A_34 = arith.constant 0 : index
    %get3A_35 = arith.constant 0 : index
    %get3A_36 = vector.load %arg5[%get3A_34, %get3A_35] : memref<128x128xf32, #tpu.memory_space<vmem>>, vector<128x128xf32>
    %dot_general3A = arith.constant dense<0.000000e+00> : vector<400x128xf32>
    %dot_general3A_37 = tpu.matmul %max3A_33, %get3A_36, %dot_general3A {dimension_numbers = #tpu.dot_dimension_numbers<[1], [0], [0], [1], [0, 0, 1, 1], [], []>, transpose_lhs_hint = false} : vector<400x128xf32>, vector<128x128xf32>, vector<400x128xf32> -> vector<400x128xf32>
    %swap3A = arith.constant 0 : index
    %swap3A_38 = arith.constant 0 : index
    %swap3A_39 = vector.load %arg8[%swap3A, %swap3A_38] : memref<400x128xf32, #tpu.memory_space<vmem>>, vector<400x128xf32>
    tpu.vector_store %arg8[%swap3A, %swap3A_38], %dot_general3A_37 {strides = array<i32>} : memref<400x128xf32, #tpu.memory_space<vmem>>, vector<400x128xf32>,
    %get3A_40 = arith.constant 0 : index
    %get3A_41 = arith.constant 0 : index
    %get3A_42 = vector.load %arg6[%get3A_40, %get3A_41] : memref<128x128xf32, #tpu.memory_space<vmem>>, vector<128x128xf32>
    %dot_general3A_43 = arith.constant dense<0.000000e+00> : vector<400x128xf32>
    %dot_general3A_44 = tpu.matmul %max3A_33, %get3A_42, %dot_general3A_43 {dimension_numbers = #tpu.dot_dimension_numbers<[1], [0], [0], [1], [0, 0, 1, 1], [], []>, transpose_lhs_hint = false} : vector<400x128xf32>, vector<128x128xf32>, vector<400x128xf32> -> vector<400x128xf32>
    %swap3A_45 = arith.constant 0 : index
    %swap3A_46 = arith.constant 0 : index
    %swap3A_47 = vector.load %arg9[%swap3A_45, %swap3A_46] : memref<400x128xf32, #tpu.memory_space<vmem>>, vector<400x128xf32>
    tpu.vector_store %arg9[%swap3A_45, %swap3A_46], %dot_general3A_44 {strides = array<i32>} : memref<400x128xf32, #tpu.memory_space<vmem>>, vector<400x128xf32>,
    %get3A_48 = arith.constant 0 : index
    %get3A_49 = arith.constant 0 : index
    %get3A_50 = vector.load %arg7[%get3A_48, %get3A_49] : memref<128x40xf32, #tpu.memory_space<vmem>>, vector<128x40xf32>
    %dot_general3A_51 = arith.constant dense<0.000000e+00> : vector<400x40xf32>
    %dot_general3A_52 = tpu.matmul %max3A_33, %get3A_50, %dot_general3A_51 {dimension_numbers = #tpu.dot_dimension_numbers<[1], [0], [0], [1], [0, 0, 1, 1], [], []>, transpose_lhs_hint = false} : vector<400x128xf32>, vector<128x40xf32>, vector<400x40xf32> -> vector<400x40xf32>
    %swap3A_53 = arith.constant 0 : index
    %swap3A_54 = arith.constant 0 : index
    %swap3A_55 = vector.load %arg10[%swap3A_53, %swap3A_54] : memref<400x40xf32, #tpu.memory_space<vmem>>, vector<400x40xf32>
    tpu.vector_store %arg10[%swap3A_53, %swap3A_54], %dot_general3A_52 {strides = array<i32>} : memref<400x40xf32, #tpu.memory_space<vmem>>, vector<400x40xf32>,
    return
  }
  func.func @transform_0(%arg0: i32) -> (i32, i32, i32) {
    %c0_i32 = arith.constant 0 : i32
    %c0_i32_0 = arith.constant 0 : i32
    %c0_i32_1 = arith.constant 0 : i32
    return %c0_i32, %arg0, %c0_i32_0 : i32, i32, i32
  }
  func.func @transform_1(%arg0: i32) -> (i32, i32, i32) {
    %c0_i32 = arith.constant 0 : i32
    %c0_i32_0 = arith.constant 0 : i32
    %c0_i32_1 = arith.constant 0 : i32
    return %c0_i32, %arg0, %c0_i32_0 : i32, i32, i32
  }
  func.func @transform_2(%arg0: i32) -> (i32, i32) {
    %c0_i32 = arith.constant 0 : i32
    %c0_i32_0 = arith.constant 0 : i32
    return %arg0, %c0_i32 : i32, i32
  }
  func.func @transform_3(%arg0: i32) -> (i32, i32) {
    %c0_i32 = arith.constant 0 : i32
    %c0_i32_0 = arith.constant 0 : i32
    %c0_i32_1 = arith.constant 0 : i32
    return %c0_i32, %c0_i32_0 : i32, i32
  }
  func.func @transform_4(%arg0: i32) -> (i32, i32) {
    %c0_i32 = arith.constant 0 : i32
    %c0_i32_0 = arith.constant 0 : i32
    %c0_i32_1 = arith.constant 0 : i32
    return %c0_i32, %c0_i32_0 : i32, i32
  }
  func.func @transform_5(%arg0: i32) -> (i32, i32) {
    %c0_i32 = arith.constant 0 : i32
    %c0_i32_0 = arith.constant 0 : i32
    %c0_i32_1 = arith.constant 0 : i32
    return %c0_i32, %c0_i32_0 : i32, i32
  }
  func.func @transform_6(%arg0: i32) -> (i32, i32) {
    %c0_i32 = arith.constant 0 : i32
    %c0_i32_0 = arith.constant 0 : i32
    %c0_i32_1 = arith.constant 0 : i32
    return %c0_i32, %c0_i32_0 : i32, i32
  }
  func.func @transform_7(%arg0: i32) -> (i32, i32) {
    %c0_i32 = arith.constant 0 : i32
    %c0_i32_0 = arith.constant 0 : i32
    return %arg0, %c0_i32 : i32, i32
  }
  func.func @transform_8(%arg0: i32) -> (i32, i32) {
    %c0_i32 = arith.constant 0 : i32
    %c0_i32_0 = arith.constant 0 : i32
    return %arg0, %c0_i32 : i32, i32
  }
  func.func @transform_9(%arg0: i32) -> (i32, i32) {
    %c0_i32 = arith.constant 0 : i32
    %c0_i32_0 = arith.constant 0 : i32
    return %arg0, %c0_i32 : i32, i32
  }
}

module attributes {stable_mosaic.version = 14 : i64} {
  func.func @_out_body(%arg0: i32, %arg1: memref<2x400x128xf32, #tpu.memory_space<vmem>>, %arg2: memref<2x400x128xf32, #tpu.memory_space<vmem>>, %arg3: memref<400x128xf32, #tpu.memory_space<vmem>>, %arg4: memref<1x128xf32, #tpu.memory_space<vmem>>, %arg5: memref<400x40xf32, #tpu.memory_space<vmem>>, %arg6: memref<128x40xf32, #tpu.memory_space<vmem>>, %arg7: memref<1x40xf32, #tpu.memory_space<vmem>>, %arg8: memref<400x40xf32, #tpu.memory_space<vmem>>) attributes {dimension_semantics = [#tpu.dimension_semantics<arbitrary>], iteration_bounds = array<i64: 25>, scalar_prefetch = 0 : i64, scratch_operands = 0 : i64, tpu.core_type = #tpu.core_type<tc>, window_params = [{transform_indices = @transform_0, window_bounds = array<i64: 2, 400, 128>}, {transform_indices = @transform_1, window_bounds = array<i64: 2, 400, 128>}, {transform_indices = @transform_2, window_bounds = array<i64: 400, 128>}, {pipeline_mode = #tpu.pipeline_mode<synchronous>, transform_indices = @transform_3, window_bounds = array<i64: 1, 128>}, {transform_indices = @transform_4, window_bounds = array<i64: 400, 40>}, {pipeline_mode = #tpu.pipeline_mode<synchronous>, transform_indices = @transform_5, window_bounds = array<i64: 128, 40>}, {pipeline_mode = #tpu.pipeline_mode<synchronous>, transform_indices = @transform_6, window_bounds = array<i64: 1, 40>}, {transform_indices = @transform_7, window_bounds = array<i64: 400, 40>}]} {
    %get3A = arith.constant 0 : index
    %get3A_0 = arith.constant 0 : index
    %get3A_1 = arith.constant 0 : index
    %get3A_2 = vector.load %arg1[%get3A, %get3A_0, %get3A_1] : memref<2x400x128xf32, #tpu.memory_space<vmem>>, vector<1x400x128xf32>
    %get3A_3 = vector.shape_cast %get3A_2 : vector<1x400x128xf32> to vector<400x128xf32>
    %get3A_4 = arith.constant 1 : index
    %get3A_5 = arith.constant 0 : index
    %get3A_6 = arith.constant 0 : index
    %get3A_7 = vector.load %arg1[%get3A_4, %get3A_5, %get3A_6] : memref<2x400x128xf32, #tpu.memory_space<vmem>>, vector<1x400x128xf32>
    %get3A_8 = vector.shape_cast %get3A_7 : vector<1x400x128xf32> to vector<400x128xf32>
    %add3A = arith.addf %get3A_3, %get3A_8 : vector<400x128xf32>
    %get3A_9 = arith.constant 0 : index
    %get3A_10 = arith.constant 0 : index
    %get3A_11 = arith.constant 0 : index
    %get3A_12 = vector.load %arg2[%get3A_9, %get3A_10, %get3A_11] : memref<2x400x128xf32, #tpu.memory_space<vmem>>, vector<1x400x128xf32>
    %get3A_13 = vector.shape_cast %get3A_12 : vector<1x400x128xf32> to vector<400x128xf32>
    %get3A_14 = arith.constant 1 : index
    %get3A_15 = arith.constant 0 : index
    %get3A_16 = arith.constant 0 : index
    %get3A_17 = vector.load %arg2[%get3A_14, %get3A_15, %get3A_16] : memref<2x400x128xf32, #tpu.memory_space<vmem>>, vector<1x400x128xf32>
    %get3A_18 = vector.shape_cast %get3A_17 : vector<1x400x128xf32> to vector<400x128xf32>
    %add3A_19 = arith.addf %get3A_13, %get3A_18 : vector<400x128xf32>
    %max3A = arith.constant 1.000000e+00 : f32
    %max3A_20 = vector.broadcast %max3A : f32 to vector<400x128xf32>
    %max3A_21 = arith.maximumf %add3A_19, %max3A_20 : vector<400x128xf32>
    %div3A = arith.divf %add3A, %max3A_21 : vector<400x128xf32>
    %get3A_22 = arith.constant 0 : index
    %get3A_23 = arith.constant 0 : index
    %get3A_24 = vector.load %arg3[%get3A_22, %get3A_23] : memref<400x128xf32, #tpu.memory_space<vmem>>, vector<400x128xf32>
    %add3A_25 = arith.addf %div3A, %get3A_24 : vector<400x128xf32>
    %get3A_26 = arith.constant 0 : index
    %get3A_27 = arith.constant 0 : index
    %get3A_28 = vector.load %arg4[%get3A_26, %get3A_27] : memref<1x128xf32, #tpu.memory_space<vmem>>, vector<1x128xf32>
    %add3A_29 = vector.broadcast %get3A_28 : vector<1x128xf32> to vector<400x128xf32>
    %add3A_30 = arith.addf %add3A_25, %add3A_29 : vector<400x128xf32>
    %max3A_31 = arith.constant 0.000000e+00 : f32
    %max3A_32 = vector.broadcast %max3A_31 : f32 to vector<400x128xf32>
    %max3A_33 = arith.maximumf %add3A_30, %max3A_32 : vector<400x128xf32>
    %get3A_34 = arith.constant 0 : index
    %get3A_35 = arith.constant 0 : index
    %get3A_36 = vector.load %arg5[%get3A_34, %get3A_35] : memref<400x40xf32, #tpu.memory_space<vmem>>, vector<400x40xf32>
    %get3A_37 = arith.constant 0 : index
    %get3A_38 = arith.constant 0 : index
    %get3A_39 = vector.load %arg7[%get3A_37, %get3A_38] : memref<1x40xf32, #tpu.memory_space<vmem>>, vector<1x40xf32>
    %add3A_40 = vector.broadcast %get3A_39 : vector<1x40xf32> to vector<400x40xf32>
    %add3A_41 = arith.addf %get3A_36, %add3A_40 : vector<400x40xf32>
    %get3A_42 = arith.constant 0 : index
    %get3A_43 = arith.constant 0 : index
    %get3A_44 = vector.load %arg6[%get3A_42, %get3A_43] : memref<128x40xf32, #tpu.memory_space<vmem>>, vector<128x40xf32>
    %dot_general3A = arith.constant dense<0.000000e+00> : vector<400x40xf32>
    %dot_general3A_45 = tpu.matmul %max3A_33, %get3A_44, %dot_general3A {dimension_numbers = #tpu.dot_dimension_numbers<[1], [0], [0], [1], [0, 0, 1, 1], [], []>, transpose_lhs_hint = false} : vector<400x128xf32>, vector<128x40xf32>, vector<400x40xf32> -> vector<400x40xf32>
    %add3A_46 = arith.addf %add3A_41, %dot_general3A_45 : vector<400x40xf32>
    %swap3A = arith.constant 0 : index
    %swap3A_47 = arith.constant 0 : index
    %swap3A_48 = vector.load %arg8[%swap3A, %swap3A_47] : memref<400x40xf32, #tpu.memory_space<vmem>>, vector<400x40xf32>
    tpu.vector_store %arg8[%swap3A, %swap3A_47], %add3A_46 {strides = array<i32>} : memref<400x40xf32, #tpu.memory_space<vmem>>, vector<400x40xf32>,
    return
  }
  func.func @transform_0(%arg0: i32) -> (i32, i32, i32) {
    %c0_i32 = arith.constant 0 : i32
    %c0_i32_0 = arith.constant 0 : i32
    %c0_i32_1 = arith.constant 0 : i32
    return %c0_i32, %arg0, %c0_i32_0 : i32, i32, i32
  }
  func.func @transform_1(%arg0: i32) -> (i32, i32, i32) {
    %c0_i32 = arith.constant 0 : i32
    %c0_i32_0 = arith.constant 0 : i32
    %c0_i32_1 = arith.constant 0 : i32
    return %c0_i32, %arg0, %c0_i32_0 : i32, i32, i32
  }
  func.func @transform_2(%arg0: i32) -> (i32, i32) {
    %c0_i32 = arith.constant 0 : i32
    %c0_i32_0 = arith.constant 0 : i32
    return %arg0, %c0_i32 : i32, i32
  }
  func.func @transform_3(%arg0: i32) -> (i32, i32) {
    %c0_i32 = arith.constant 0 : i32
    %c0_i32_0 = arith.constant 0 : i32
    %c0_i32_1 = arith.constant 0 : i32
    return %c0_i32, %c0_i32_0 : i32, i32
  }
  func.func @transform_4(%arg0: i32) -> (i32, i32) {
    %c0_i32 = arith.constant 0 : i32
    %c0_i32_0 = arith.constant 0 : i32
    return %arg0, %c0_i32 : i32, i32
  }
  func.func @transform_5(%arg0: i32) -> (i32, i32) {
    %c0_i32 = arith.constant 0 : i32
    %c0_i32_0 = arith.constant 0 : i32
    %c0_i32_1 = arith.constant 0 : i32
    return %c0_i32, %c0_i32_0 : i32, i32
  }
  func.func @transform_6(%arg0: i32) -> (i32, i32) {
    %c0_i32 = arith.constant 0 : i32
    %c0_i32_0 = arith.constant 0 : i32
    %c0_i32_1 = arith.constant 0 : i32
    return %c0_i32, %c0_i32_0 : i32, i32
  }
  func.func @transform_7(%arg0: i32) -> (i32, i32) {
    %c0_i32 = arith.constant 0 : i32
    %c0_i32_0 = arith.constant 0 : i32
    return %arg0, %c0_i32 : i32, i32
  }
}

</mosaic_0001>

<sc_bundles>
// kernel: kernel.11.cloned.1.call-start
scs
__scs_entry_jumppad:
0x0: {  	(pc) =	sbr.rel $0x88, $3  }
0x1: {  	(tag) =	ssettag $0x0;
	lr =	simm.s32 $0x1  }
0x2: {  	[smem:$0x3F97] =	sst lr;
	_ =	strace $0xD0000000  }
0x3: {  	_ = 	snop  }
0x4: {  	_ = 	snop  }
0x5: {  	_ = 	snop  }
0x6: {  	_ = 	snop  }
0x7: {  	_ = 	snop  }
__scs_overlays_trampoline_lowered:
0x8: {  	[smem:$0x3FA6] =	sst s0  }
0x9: {  	[smem:$0x3FA7] =	sst s1  }
0xa: {  	[smem:$0x3FA8] =	sst s2  }
0xb: {  	[smem:$0x3FA9] =	sst s3  }
0xc: {  	[smem:$0x3FAA] =	sst s4  }
0xd: {  	[smem:$0x3FAB] =	sst s5  }
0xe: {  	[smem:$0x3FAC] =	sst s6  }
0xf: {  	[smem:$0x3FAD] =	sst s7  }
0x10: {  	[smem:$0x3FAE] =	sst s8  }
0x11: {  	[smem:$0x3FAF] =	sst s9;
	s0 =	simm.s32 @!p0 $0x0  }
0x12: {  	s1 =	sld [smem:$0x3F95];
	s0 =	simm.s32 @p0 $0x1  }
0x13: {  	[smem:$0x3FB0] =	sst s0;
	s0 =	simm.s32 @!p1 $0x0  }
0x14: {  	s2 =	sld [smem:$0x3F94];
	s0 =	simm.s32 @p1 $0x1  }
0x15: {  	[smem:$0x3FB1] =	sst s0;
	s0 =	simm.s32 @!p2 $0x0  }
0x16: {  	s3 =	sld [smem:$0x3FDB];
	s0 =	simm.s32 @p2 $0x1  }
0x17: {  	s4 =	simm.s32 $0x1BF5;
	[smem:$0x3FB3] =	sst s0  }
0x18: {  	s0 =	sld [smem:$0x3F96];
	_ =	swait.ge [sflag:s4], $0x0  }
0x19: {  	s7 =	sld [smem:$0x3F97]  }
0x1a: {  	s8 =	sadd.s32 $0xFFFFE003, lr  }
0x1b: {  	s9 =	sadd.s32 $0xFFFFFEF7, lr;
	s5 =	simm.s32 $0xFFFFFFFF;
	p2 =	slt.u32 s8, $0xFFFFF086  }
0x1c: {  	p1 =	slt.u32 s9, $0xF7A;
	s5 =	simm.s32 @!p2 $0x0  }
0x1d: {  	s5 =	simm.s32 @p1 $0x1;
	p0 =	seq.s32 s7, s2  }
0x1e: {  	s7 =	smul.u32 @!p0 $0xF7A, s2;
	p2 =	seq.s32 @!p0 s5, $0x0  }
0x1f: {  	s9 =	smul.u32 $0xF7A, s1;
	s8 =	simm.s32 @!p0 $0x1BF5;
	p2 =	por !p2, p0  }
0x20: {  	[sflag:s8] =	ssyncset.s32 @!p0 $0xFFFFF086;
	s6 =	sadd.s32 @!p0 s3, s7;
	s7 =	simm.s32 @!p0 $0x108  }
0x21: {  	s3 =	sadd.s32 s3, s9;
	s6 =	sadd.s32 @!p0 $0x88, s6;
	s7 =	simm.s32 @p2 $0x1082  }
0x22: {  	[simem:s7], [sflag:s8] =	dma.local @!p0 [hbm:s6], $0xF7A  }
0x23: {  	s9 =	sor.u32 $0xD0000000, s2;
	s6 =	simm.s32 $0x108;
	_ =	swait.ge @!p0 [sflag:s8], $0x0  }
0x24: {  	s3 =	sadd.s32 $0x88, s3;
	s6 =	simm.s32 @!p1 $0x1082;
	[sflag:s4] =	ssyncset.s32 $0xFFFFF086  }
0x25: {  	[simem:s6], [sflag:s4] =	dma.local [hbm:s3], $0xF7A  }
0x26: {  	[smem:$0x3F97] =	sst s1;
	(tag) =	ssettag s2;
	_ =	strace s9  }
0x27: {  	s1 =	sld [smem:$0x3FA7]  }
0x28: {  	s2 =	sld [smem:$0x3FA8]  }
0x29: {  	s4 =	sld [smem:$0x3FAA]  }
0x2a: {  	p0 =	seq.s32 s5, $0x0;
	s5 =	sld [smem:$0x3FAB]  }
0x2b: {  	s6 =	sld [smem:$0x3FAC]  }
0x2c: {  	s7 =	sld [smem:$0x3FAD]  }
0x2d: {  	s3 =	simm.s32 $0x108;
	s8 =	sld [smem:$0x3FAE]  }
0x2e: {  	s3 =	simm.s32 @!p0 $0x1082;
	s9 =	sld [smem:$0x3FAF]  }
0x2f: {  	lr =	sadd.s32 s0, s3;
	s0 =	sld [smem:$0x3FA6]  }
0x30: {  	s3 =	sld [smem:$0x3FA9]  }
0x31: {  	[smem:$0x3FB2] =	sst s10  }
0x32: {  	s10 =	sld [smem:$0x3FB0];
	_ =	sdelay $0x3  }
0x33: {  	p0 =	seq.s32 s10, $0x1;
	s10 =	sld [smem:$0x3FB2];
	_ =	sdelay $0x3  }
0x34: {  	[smem:$0x3FB2] =	sst s10  }
0x35: {  	s10 =	sld [smem:$0x3FB1];
	_ =	sdelay $0x3  }
0x36: {  	p1 =	seq.s32 s10, $0x1;
	s10 =	sld [smem:$0x3FB2];
	_ =	sdelay $0x3  }
0x37: {  	[smem:$0x3FB2] =	sst s10  }
0x38: {  	s10 =	sld [smem:$0x3FB3]  }
0x39: {  	_ = 	snop;
	(pc) =	sbr.ind lr, $3  }
0x3a: {  	_ = 	snop  }
0x3b: {  	_ = 	snop  }
0x3c: {  	p2 =	seq.s32 s10, $0x1;
	s10 =	sld [smem:$0x3FB2]  }
0x3d: {  	_ =	shalt  }
0x3e: {  	_ =	shalt  }
0x3f: {  	_ =	shalt  }
0x40: {  	_ =	shalt  }
0x41: {  	_ =	shalt  }
0x42: {  	_ =	shalt  }
0x43: {  	_ =	shalt  }
0x44: {  	_ =	shalt  }
0x45: {  	_ =	shalt  }
0x46: {  	_ =	shalt  }
0x47: {  	_ =	shalt  }
0x48: {  	_ =	shalt  }
0x49: {  	_ =	shalt  }
0x4a: {  	_ =	shalt  }
0x4b: {  	_ =	shalt  }
0x4c: {  	_ =	shalt  }
0x4d: {  	_ =	shalt  }
0x4e: {  	_ =	shalt  }
0x4f: {  	_ =	shalt  }
0x50: {  	_ =	shalt  }
0x51: {  	_ =	shalt  }
0x52: {  	_ =	shalt  }
0x53: {  	_ =	shalt  }
0x54: {  	_ =	shalt  }
0x55: {  	_ =	shalt  }
0x56: {  	_ =	shalt  }
0x57: {  	_ =	shalt  }
0x58: {  	_ =	shalt  }
0x59: {  	_ =	shalt  }
0x5a: {  	_ =	shalt  }
0x5b: {  	_ =	shalt  }
0x5c: {  	_ =	shalt  }
0x5d: {  	_ =	shalt  }
0x5e: {  	_ =	shalt  }
0x5f: {  	_ =	shalt  }
0x60: {  	_ =	shalt  }
0x61: {  	_ =	shalt  }
0x62: {  	_ =	shalt  }
0x63: {  	_ =	shalt  }
0x64: {  	_ =	shalt  }
0x65: {  	_ =	shalt  }
0x66: {  	_ =	shalt  }
0x67: {  	_ =	shalt  }
0x68: {  	_ =	shalt  }
0x69: {  	_ =	shalt  }
0x6a: {  	_ =	shalt  }
0x6b: {  	_ =	shalt  }
0x6c: {  	_ =	shalt  }
0x6d: {  	_ =	shalt  }
0x6e: {  	_ =	shalt  }
0x6f: {  	_ =	shalt  }
0x70: {  	_ =	shalt  }
0x71: {  	_ =	shalt  }
0x72: {  	_ =	shalt  }
0x73: {  	_ =	shalt  }
0x74: {  	_ =	shalt  }
0x75: {  	_ =	shalt  }
0x76: {  	_ =	shalt  }
0x77: {  	_ =	shalt  }
0x78: {  	_ =	shalt  }
0x79: {  	_ =	shalt  }
0x7a: {  	_ =	shalt  }
0x7b: {  	_ =	shalt  }
0x7c: {  	_ =	shalt  }
0x7d: {  	_ =	shalt  }
0x7e: {  	_ =	shalt  }
0x7f: {  	_ =	shalt  }
0x80: {  	_ =	shalt  }
0x81: {  	_ =	shalt  }
0x82: {  	_ =	shalt  }
0x83: {  	_ =	shalt  }
0x84: {  	_ =	shalt  }
0x85: {  	_ =	shalt  }
0x86: {  	_ =	shalt  }
0x87: {  	_ =	shalt  }
.Lfunc_end0:
.L_simem_size_0:
called_computation.1_lowered:
.L_overlay_start_0:
0x88: {  	s2 =	sld [smem:$0x3FD9]  }
0x89: {  	s3 =	sld [smem:$0x3FFE];
	_ =	sdelay $0x1  }
0x8a: {  	s1 =	srdreg.scid  }
0x8b: {  	s0 =	sand.u32 $0x1, s1  }
0x8c: {  	s16 =	sshll.u32 s0, $0xA;
	s2 =	sadd.s32 s3, s2  }
0x8d: {  	s2 =	sadd.s32 s2, s16  }
0x8e: {  	[smem:$0x3FBE] =	sst s2  }
0x8f: {  	_ = 	snop  }
0x90: {  	(tm) =	ssettm $0x1  }
0x91: {  	s17 =	sld [smem:$0x3FFB];
	_ =	sdelay $0x3  }
0x92: {  	_ =	strace s17  }
0x93: {  	s2 =	sld [smem:$0x3FFC];
	_ =	sdelay $0x3  }
0x94: {  	_ =	strace s2  }
0x95: {  	s2 =	sld [smem:$0x3FFD];
	_ =	sdelay $0x3  }
0x96: {  	_ =	strace s2  }
0x97: {  	_ =	strace $0x8FFFFFFF  }
0x98: {  	s18 =	sld [smem:$0x3FDB];
	_ =	sdelay $0x1  }
0x99: {  	s19 =	simm.s32 $_scs_section_size  }
0x9a: {  	s4 =	simm.s32 $_size__tile_overlayer_lowered;
	s5 =	simm.s32 $_tile_overlayer_lowered  }
0x9b: {  	s22 =	simm.s32 $0x1BFF;
	s21 =	sshll.u32 s5, $0x1;
	s2 =	sadd.s32 s19, s18  }
0x9c: {  	s6 =	simm.s32 $0x0;
	s20 =	sshll.u32 s4, $0x1;
	s4 =	sadd.s32 s21, s2  }
0x9d: {  	[timem:s6], [sflag:s22] =	dma.local [hbm:s4], s20  }
0x9e: {  	_ =	swait.ge [sflag:s22], s20  }
0x9f: {  	s3 =	ssub.s32 $0x0, s20;
	[sflag:s22] =	ssyncset.done $0x0  }
0xa0: {  	[sflag:s22] =	ssyncadd.s32 s3;
	_ =	sdelay $0x1  }
0xa1: {  	s23 =	simm.s32 $0x1B8B  }
0xa2: {  	_ =	swait.ge [sflag:s23], $0x1  }
0xa3: {  	[sflag:s23] =	ssyncset.done $0x0  }
0xa4: {  	s25 =	simm.s32 $0x1B8E;
	s24 =	sld [smem:$0x3FFE];
	[sflag:s23] =	ssyncadd.s32 $0xFFFFFFFF  }
0xa5: {  	s26 =	simm.s32 $execute0_lowered;
	[smem:$0x3FD2] =	sst s25  }
0xa6: {  	s4 =	sshll.u32 s26, $0x1;
	_ =	strace $0x80000046;
	[dreg:$0x1] =	wrdreg $0xFFFFFFFF  }
0xa7: {  	s28 =	simm.s32 $_size_execute0_lowered;
	s2 =	sadd.s32 s2, s4;
	[dreg:$0x0] =	wrdreg $0x0  }
0xa8: {  	s4 =	sshll.u32 s28, $0x1;
	[dreg:$0x2] =	wrdreg s2  }
0xa9: {  	[dreg:$0x3] =	wrdreg s4  }
0xaa: {  	[dreg:$0x4] =	wrdreg $0xC0  }
0xab: {  	_ =	task [dreg:s6], $0x5FFFF  }
0xac: {  	[dreg:$0x1] =	wrdreg $0xFFFFFFFF  }
0xad: {  	[dreg:$0x0] =	wrdreg $0x60  }
0xae: {  	[dreg:$0x2] =	wrdreg s24  }
0xaf: {  	[dreg:$0x3] =	wrdreg $0x82000  }
0xb0: {  	[dreg:$0x4] =	wrdreg $0xA  }
0xb1: {  	_ =	task.clear_ibuf [dreg:s6], $0x5FFFF;
	_ =	strace $0x90000046  }
0xb2: {  	s29 =	simm.s32 $0xA;
	_ =	strace $0x80000048  }
0xb3: {  	_ =	swait.ge [sflag:s29], $0x1  }
0xb4: {  	[sflag:s29] =	ssyncadd.s32 $0xFFFFFFFF  }
0xb5: {  	_ =	strace $0x90000048  }
0xb6: {  	_ =	sfence  }
0xb7: {  	s30 =	sld [smem:$0x0];
	_ =	sdelay $0x2  }
0xb8: {  	s31 =	sshll.u32 s1, $0xD;
	s1 =	sshrl.u32 s1, $0x2  }
0xb9: {  	s3 =	sand.u32 $0x4000, s31;
	s1 =	sadd.s32 s1, s30  }
0xba: {  	s0 =	sor.u32 s3, s0;
	s1 =	sshll.u32 s1, $0x11  }
0xbb: {  	s0 =	sor.u32 s1, s0  }
0xbc: {  	s0 =	sadd.s32 $0x8F2B, s0  }
0xbd: {  	[sflag:s0] =	ssyncadd.remote.s32 $0x1  }
0xbe: {  	_ =	sfence.sel $0xFFFF  }
0xbf: {  	[dreg:$0x0] =	wrdreg $0xFFFFFFFF;
	(pc) =	sbr.abs _section_cstart, $3  }
0xc0: {  	[dreg:$0x1] =	wrdreg $0xFFFFFFFF  }
0xc1: {  	_ =	task.clear_ibuf [dreg:s6], $0x2FFFF;
	_ =	strace $0x9FFFFFFF  }
0xc2: {  	(tm) =	ssettm $0x7FFFFFFF  }
0xc3: {  	_ =	shalt  }
tec
execute0_lowered:
.L_overlay_start_1:
0x0: {  	(tag) =	ssettag $0x1  }
0x1: {  	s5 =	rddreg [dreg:$0x0]  }
0x2: {  	s2 =	rddreg [dreg:$0x1];
	s0 =	stileid.u32  }
0x3: {  	s4 =	srdreg.scid;
	s3 =	simm.s32 $0x0;
	s17 =	simm.s32 $0x3  }
0x4: {  	s18 =	simm.s32 $0x80;
	s19 =	simm.s32 $0x200;
	s6 =	smul.u32 $0x2A, s0  }
0x5: {  	s21 =	simm.s32 $0x1;
	s7 =	sand.u32 $0x1, s4;
	s4 =	smul.u32 $0x76, s0  }
0x6: {  	s22 =	simm.s32 $0x180;
	s23 =	simm.s32 $0x4200;
	s8 =	smul.u32 $0x13C00, s0  }
0x7: {  	s24 =	simm.s32 $0x0;
	[smem:$0x7FF] =	sst s3;
	s10 =	smul.u32 $0x4F000, s0  }
0x8: {  	s31 =	sshll.u32 s0, $0x6;
	p0 =	seq.s32 s7, $0x0;
	_ =	strace $0x80000047  }
0x9: {  	s9 =	smul.u32 $0x13C000, s7;
	s7 =	ssub.s32 $0x2, s7;
	s6 =	sadd.s32 $0x760, s6  }
0xa: {  	s28 =	sshrl.u32 s8, $0x3;
	s29 =	sshrl.u32 s7, $0x1;
	s30 =	sshrl.u32 s10, $0x2  }
0xb: {  	s6 =	smov.u32 @p0 s4;
	s4 =	sadd.s32 $0x16600, s5;
	s8 =	sadd.s32 s8, s9  }
0xc: {  	s12 =	ssub.s32 s7, s29;
	s16 =	sadd.s32 s30, s2;
	s6 =	sshll.u32 s6, $0x5  }
0xd: {  	s7 =	sor.u32 $0x1C03, s31;
	s8 =	sshrl.u32 s8, $0x3;
	s15 =	sadd.s32 s6, s5  }
0xe: {  	s6 =	sadd.s32 s28, s5;
	s11 =	sadd.s32 s8, s5;
	s5 =	simm.s32 $0x76  }
0xf: {  	s16 =	sshrl.u32 s16, $0x3;
	s5 =	simm.s32 @!p0 $0x2A;
	s6 =	sadd.s32 $0x3D800, s6  }
0x10: {  	s8 =	sadd.s32 $0x2600, s15;
	s9 =	sadd.s32 $0x2620, s15;
	s10 =	sadd.s32 $0x65000, s11  }
0x11: {  	s11 =	smax.u32 s12, $0x1;
	s15 =	sadd.s32 $0x2640, s15;
	s14 =	sshrl.u32 s5, $0x1  }
0x12: {  	s12 =	sadd.s32 $0xFFFFFFFE, s5;
	s13 =	sadd.s32 $0xFFFFFFFD, s5;
	s14 =	sadd.s32 $0xFFFFFFFF, s14  }
.LBB2_1:
0x13: {  	[spmem:s16], [sflag:s7] =	dma.local [hbm:s6], $0x2780  }
0x14: {  	_ =	swait.ge [sflag:s17], $0x2780  }
0x15: {  	[sflag:s17] =	ssyncset.done $0x0  }
0x16: {  	[sflag:s17] =	ssyncadd.s32 $0xFFFFD880  }
0x17: {  	[tilespmem:s3], [sflag:$0x3] =	stream.linear.gather [hbm4b:s8+s3], $0x100, $0x38;
	[tilespmem:$0x1BE00] =	vst v63  }
0x18: {  	_ =	swait.ge [sflag:s17], $0x100  }
0x19: {  	s25 =	sadd.s32 $0xFFFFFFFF, s14;
	[sflag:s17] =	ssyncset.done $0x0  }
0x1a: {  	p2 =	sne.s32 s25, $0x0;
	[sflag:s17] =	ssyncadd.s32 $0xFFFFFF00  }
0x1b: {  	[tilespmem:s19], [sflag:$0x1] =	stream.indirect.gather [hbm4b:s4+s18], $0x80, s3, s18, $0xb8;
	[tilespmem:$0x1BE00] =	vst v63  }
.Ltmp0:
0x1c: {  	_ = 	snop;
	(pc) =	sbr.rel @!p2 .LBB2_2-.Ltmp0, $4  }
0x1d: {  	s0 =	simm.s32 $0x100  }
0x1e: {  	[tilespmem:s0], [sflag:$0x2] =	stream.linear.gather [hbm4b:s9+s3], $0x100, $0x38;
	[tilespmem:$0x1BE00] =	vst v63  }
0x1f: {  	[bflag:$0x0] =	sbarrier.arrive $0xFFFF  }
0x20: {  	p1 =	sle.u32 s5, $0x1;
	p0 =	por $0x0, $0x0  }
0x21: {  	s26 =	simm.s32 @!p1 $0x2  }
0x22: {  	_ =	swait.ge @!p1 [sflag:s26], $0x100  }
0x23: {  	s28 =	simm.s32 @!p1 $0x4200;
	[sflag:s26] =	ssyncset.done @!p1 $0x0  }
0x24: {  	s29 =	simm.s32 @!p1 $0x80;
	s30 =	simm.s32 @!p1 $0x100;
	[sflag:s26] =	ssyncadd.s32 @!p1 $0xFFFFFF00  }
0x25: {  	[tilespmem:s28], [sflag:$0x1] =	stream.indirect.gather @!p1 [hbm4b:s4+s29], $0x80, s30, s29, $0xb8;
	[tilespmem:$0x1BE00] =	vst v63  }
0x26: {  	_ =	swait.ge [sflag:s21], $0x4000  }
0x27: {  	[sflag:s21] =	ssyncset.done $0x0  }
0x28: {  	[sflag:s21] =	ssyncadd.s32 $0xFFFFC000  }
0x29: {  	[spmem:s2] =	stream.indirect.scatter.add.f32 [tilespmem:s19], [sflag:$0x3], $0x80, s18, s18, $0xb8;
	[tilespmem:$0x1BE00] =	vst v63  }
0x2a: {  	_ =	swait.ge [sflag:s17], $0x4000  }
0x2b: {  	p0 =	sle.u32 s12, $0x0;
	[sflag:s17] =	ssyncset.done $0x0  }
0x2c: {  	s26 =	simm.s32 @!p0 $0x0;
	s28 =	simm.s32 @!p0 $0x2;
	[sflag:s17] =	ssyncadd.s32 $0xFFFFC000  }
0x2d: {  	[tilespmem:s26], [sflag:$0x2] =	stream.linear.gather @!p0 [hbm4b:s15+s26], $0x100, $0x38;
	[tilespmem:$0x1BE00] =	vst v63  }
0x2e: {  	_ =	swait.ge @!p0 [sflag:s28], $0x100  }
0x2f: {  	s29 =	simm.s32 @!p0 $0x80;
	[sflag:s28] =	ssyncset.done @!p0 $0x0  }
0x30: {  	s30 =	simm.s32 @!p0 $0x200;
	[sflag:s28] =	ssyncadd.s32 @!p0 $0xFFFFFF00;
	s28 =	sadd.s32 $0xFFFFFFFF, s25  }
0x31: {  	[tilespmem:s30], [sflag:$0x1] =	stream.indirect.gather @!p0 [hbm4b:s4+s29], $0x80, s26, s29, $0xb8;
	[tilespmem:$0x1BE00] =	vst v63  }
0x32: {  	p2 =	sne.s32 s28, $0x0  }
.Ltmp1:
0x33: {  	_ =	swait.ge [sflag:s21], $0x4000;
	(pc) =	sbr.rel @!p2 .LBB2_5-.Ltmp1, $4  }
0x34: {  	p3 =	sle.u32 s13, $0x0;
	p1 =	sle.u32 s5, $0x3;
	[sflag:s21] =	ssyncset.done $0x0  }
0x35: {  	s25 =	sadd.s32 $0x40, s15;
	s26 =	simm.s32 $0x2;
	[sflag:s21] =	ssyncadd.s32 $0xFFFFC000  }
0x36: {  	[spmem:s2] =	stream.indirect.scatter.add.f32 [tilespmem:s23], [sflag:$0x3], $0x80, s22, s18, $0xb8;
	[tilespmem:$0x1BE00] =	vst v63  }
0x37: {  	s29 =	sadd.s32 @!p3 $0x20, s15;
	p0 =	por $0x1, $0x1;
	_ =	swait.ge [sflag:s17], $0x4000  }
.LBB2_4:
0x38: {  	s30 =	simm.s32 @!p1 $0x2;
	[sflag:s17] =	ssyncset.done $0x0;
	s31 =	simm.s32 @!p3 $0x100  }
0x39: {  	s28 =	sadd.s32 $0xFFFFFFFF, s28;
	s0 =	simm.s32 @!p3 $0x0;
	[sflag:s17] =	ssyncadd.s32 $0xFFFFC000  }
0x3a: {  	[tilespmem:s31], [sflag:$0x2] =	stream.linear.gather @!p3 [hbm4b:s29+s0], $0x100, $0x38;
	[tilespmem:$0x1BE00] =	vst v63  }
0x3b: {  	p2 =	sne.s32 s28, $0x0;
	s0 =	simm.s32 @!p1 $0x4200;
	_ =	swait.ge @!p1 [sflag:s30], $0x100  }
0x3c: {  	s29 =	simm.s32 @!p1 $0x80;
	s31 =	simm.s32 @!p1 $0x100;
	[sflag:s30] =	ssyncset.done @!p1 $0x0  }
0x3d: {  	s1 =	smov.u32 s25;
	[sflag:s30] =	ssyncadd.s32 @!p1 $0xFFFFFF00;
	s30 =	smov.u32 s26  }
0x3e: {  	[tilespmem:s0], [sflag:$0x1] =	stream.indirect.gather @!p1 [hbm4b:s4+s29], $0x80, s31, s29, $0xb8;
	[tilespmem:$0x1BE00] =	vst v63  }
0x3f: {  	_ =	swait.ge [sflag:s21], $0x4000  }
0x40: {  	[sflag:s21] =	ssyncset.done $0x0  }
0x41: {  	[sflag:s21] =	ssyncadd.s32 $0xFFFFC000  }
0x42: {  	[spmem:s2] =	stream.indirect.scatter.add.f32 [tilespmem:s19], [sflag:$0x3], $0x80, s18, s18, $0xb8;
	[tilespmem:$0x1BE00] =	vst v63  }
0x43: {  	p1 =	sge.u32 s26, s12;
	_ =	swait.ge [sflag:s17], $0x4000  }
0x44: {  	s0 =	simm.s32 @!p1 $0x0;
	s29 =	simm.s32 @!p1 $0x2;
	[sflag:s17] =	ssyncset.done $0x0  }
0x45: {  	[sflag:s17] =	ssyncadd.s32 $0xFFFFC000  }
0x46: {  	[tilespmem:s0], [sflag:$0x2] =	stream.linear.gather @!p1 [hbm4b:s25+s0], $0x100, $0x38;
	[tilespmem:$0x1BE00] =	vst v63  }
0x47: {  	_ =	swait.ge @!p1 [sflag:s29], $0x100  }
0x48: {  	s31 =	simm.s32 @!p1 $0x80;
	s20 =	simm.s32 @!p1 $0x200;
	[sflag:s29] =	ssyncset.done @!p1 $0x0  }
0x49: {  	[sflag:s29] =	ssyncadd.s32 @!p1 $0xFFFFFF00  }
0x4a: {  	[tilespmem:s20], [sflag:$0x1] =	stream.indirect.gather @!p1 [hbm4b:s4+s31], $0x80, s0, s31, $0xb8;
	[tilespmem:$0x1BE00] =	vst v63  }
.Ltmp2:
0x4b: {  	_ =	swait.ge [sflag:s21], $0x4000;
	(pc) =	sbr.rel @p2 .LBB2_4-.Ltmp2, $4  }
0x4c: {  	s26 =	sadd.s32 $0x2, s26;
	s25 =	sadd.s32 $0x40, s25;
	[sflag:s21] =	ssyncset.done $0x0  }
0x4d: {  	p3 =	sge.u32 s30, s13;
	s0 =	sadd.s32 $0x1, s26;
	[sflag:s21] =	ssyncadd.s32 $0xFFFFC000  }
0x4e: {  	[spmem:s2] =	stream.indirect.scatter.add.f32 [tilespmem:s23], [sflag:$0x3], $0x80, s22, s18, $0xb8;
	[tilespmem:$0x1BE00] =	vst v63  }
0x4f: {  	s29 =	sadd.s32 @!p3 $0x20, s1;
	p1 =	sge.u32 s0, s5;
	_ =	swait.ge [sflag:s17], $0x4000  }
.LBB2_5:
0x50: {  	s0 =	simm.s32 @!p1 $0x2;
	[sflag:s17] =	ssyncset.done @p0 $0x0;
	p2 =	por p3, !p0  }
0x51: {  	s1 =	simm.s32 @!p2 $0x100;
	[sflag:s17] =	ssyncadd.s32 @p0 $0xFFFFC000;
	s20 =	simm.s32 @!p2 $0x0  }
0x52: {  	[tilespmem:s1], [sflag:$0x2] =	stream.linear.gather @!p2 [hbm4b:s29+s20], $0x100, $0x38;
	[tilespmem:$0x1BE00] =	vst v63  }
0x53: {  	_ =	swait.ge @!p1 [sflag:s0], $0x100  }
0x54: {  	s28 =	simm.s32 @!p1 $0x100;
	[sflag:s0] =	ssyncset.done @!p1 $0x0  }
0x55: {  	s1 =	simm.s32 @!p1 $0x4200;
	s20 =	simm.s32 @!p1 $0x80;
	[sflag:s0] =	ssyncadd.s32 @!p1 $0xFFFFFF00  }
0x56: {  	[tilespmem:s1], [sflag:$0x1] =	stream.indirect.gather @!p1 [hbm4b:s4+s20], $0x80, s28, s20, $0xb8;
	[tilespmem:$0x1BE00] =	vst v63  }
0x57: {  	_ =	swait.ge [sflag:s21], $0x4000  }
0x58: {  	[sflag:s21] =	ssyncset.done $0x0  }
0x59: {  	[sflag:s21] =	ssyncadd.s32 $0xFFFFC000  }
0x5a: {  	[spmem:s2] =	stream.indirect.scatter.add.f32 [tilespmem:s19], [sflag:$0x3], $0x80, s18, s18, $0xb8;
	[tilespmem:$0x1BE00] =	vst v63  }
0x5b: {  	_ =	swait.ge [sflag:s17], $0x4000  }
0x5c: {  	p0 =	sge.u32 s26, s12;
	[sflag:s17] =	ssyncset.done $0x0  }
0x5d: {  	s0 =	simm.s32 @!p0 $0x0;
	s1 =	simm.s32 @!p0 $0x2;
	[sflag:s17] =	ssyncadd.s32 $0xFFFFC000  }
0x5e: {  	[tilespmem:s0], [sflag:$0x2] =	stream.linear.gather @!p0 [hbm4b:s25+s0], $0x100, $0x38;
	[tilespmem:$0x1BE00] =	vst v63  }
0x5f: {  	_ =	swait.ge @!p0 [sflag:s1], $0x100  }
0x60: {  	[sflag:s1] =	ssyncset.done @!p0 $0x0  }
0x61: {  	s20 =	simm.s32 @!p0 $0x80;
	s28 =	simm.s32 @!p0 $0x200;
	[sflag:s1] =	ssyncadd.s32 @!p0 $0xFFFFFF00  }
0x62: {  	[tilespmem:s28], [sflag:$0x1] =	stream.indirect.gather @!p0 [hbm4b:s4+s20], $0x80, s0, s20, $0xb8;
	[tilespmem:$0x1BE00] =	vst v63  }
0x63: {  	_ =	swait.ge [sflag:s21], $0x4000  }
0x64: {  	[sflag:s21] =	ssyncset.done $0x0  }
0x65: {  	[sflag:s21] =	ssyncadd.s32 $0xFFFFC000  }
0x66: {  	[spmem:s2] =	stream.indirect.scatter.add.f32 [tilespmem:s23], [sflag:$0x3], $0x80, s22, s18, $0xb8;
	[tilespmem:$0x1BE00] =	vst v63  }
0x67: {  	s30 =	sadd.s32 $0x2, s26;
	p0 =	sge.u32 s26, s13;
	_ =	swait.ge [sflag:s17], $0x4000  }
0x68: {  	s31 =	sadd.s32 $0x1, s30;
	s1 =	sadd.s32 @!p0 $0x20, s25;
	[sflag:s17] =	ssyncset.done $0x0  }
0x69: {  	s20 =	simm.s32 @!p0 $0x100;
	s26 =	simm.s32 @!p0 $0x0;
	[sflag:s17] =	ssyncadd.s32 $0xFFFFC000  }
0x6a: {  	[tilespmem:s20], [sflag:$0x2] =	stream.linear.gather @!p0 [hbm4b:s1+s26], $0x100, $0x38;
	[tilespmem:$0x1BE00] =	vst v63  }
0x6b: {  	p0 =	sge.u32 s31, s5  }
0x6c: {  	s1 =	simm.s32 @!p0 $0x2  }
0x6d: {  	_ =	swait.ge @!p0 [sflag:s1], $0x100  }
0x6e: {  	s20 =	simm.s32 @!p0 $0x100;
	[sflag:s1] =	ssyncset.done @!p0 $0x0  }
0x6f: {  	s26 =	simm.s32 @!p0 $0x4200;
	[sflag:s1] =	ssyncadd.s32 @!p0 $0xFFFFFF00;
	s1 =	simm.s32 @!p0 $0x80  }
0x70: {  	[tilespmem:s26], [sflag:$0x1] =	stream.indirect.gather @!p0 [hbm4b:s4+s1], $0x80, s20, s1, $0xb8;
	[tilespmem:$0x1BE00] =	vst v63  }
0x71: {  	_ =	swait.ge [sflag:s21], $0x4000  }
0x72: {  	[sflag:s21] =	ssyncset.done $0x0  }
0x73: {  	[sflag:s21] =	ssyncadd.s32 $0xFFFFC000  }
0x74: {  	[spmem:s2] =	stream.indirect.scatter.add.f32 [tilespmem:s19], [sflag:$0x3], $0x80, s18, s18, $0xb8;
	[tilespmem:$0x1BE00] =	vst v63  }
0x75: {  	_ =	swait.ge [sflag:s17], $0x4000  }
0x76: {  	p0 =	sge.u32 s30, s12;
	s1 =	sadd.s32 $0x40, s25;
	[sflag:s17] =	ssyncset.done $0x0  }
0x77: {  	s20 =	simm.s32 @!p0 $0x0;
	s25 =	simm.s32 @!p0 $0x2;
	[sflag:s17] =	ssyncadd.s32 $0xFFFFC000  }
0x78: {  	[tilespmem:s20], [sflag:$0x2] =	stream.linear.gather @!p0 [hbm4b:s1+s20], $0x100, $0x38;
	[tilespmem:$0x1BE00] =	vst v63  }
0x79: {  	_ =	swait.ge @!p0 [sflag:s25], $0x100  }
0x7a: {  	[sflag:s25] =	ssyncset.done @!p0 $0x0  }
0x7b: {  	s26 =	simm.s32 @!p0 $0x200;
	[sflag:s25] =	ssyncadd.s32 @!p0 $0xFFFFFF00;
	s25 =	simm.s32 @!p0 $0x80  }
0x7c: {  	[tilespmem:s26], [sflag:$0x1] =	stream.indirect.gather @!p0 [hbm4b:s4+s25], $0x80, s20, s25, $0xb8;
	[tilespmem:$0x1BE00] =	vst v63  }
0x7d: {  	_ =	swait.ge [sflag:s21], $0x4000  }
0x7e: {  	[sflag:s21] =	ssyncset.done $0x0  }
0x7f: {  	[sflag:s21] =	ssyncadd.s32 $0xFFFFC000  }
0x80: {  	[spmem:s2] =	stream.indirect.scatter.add.f32 [tilespmem:s23], [sflag:$0x3], $0x80, s22, s18, $0xb8;
	[tilespmem:$0x1BE00] =	vst v63  }
0x81: {  	p0 =	sge.u32 s30, s13;
	_ =	swait.ge [sflag:s17], $0x4000  }
0x82: {  	s24 =	sadd.s32 $0x1, s24;
	s0 =	sadd.s32 @!p0 $0x20, s1;
	[sflag:s17] =	ssyncset.done $0x0  }
0x83: {  	s1 =	simm.s32 @!p0 $0x0;
	s20 =	simm.s32 @!p0 $0x100;
	[sflag:s17] =	ssyncadd.s32 $0xFFFFC000  }
0x84: {  	[tilespmem:s20], [sflag:$0x2] =	stream.linear.gather @!p0 [hbm4b:s0+s1], $0x100, $0x38;
	[tilespmem:$0x1BE00] =	vst v63  }
0x85: {  	p0 =	sne.s32 s24, s11;
	[bflag:$0x0] =	sbarrier.arrive $0xFFFF  }
0x86: {  	[hbm:s10], [sflag:s7] =	dma.local [spmem:s16], $0x2780  }
.Ltmp3:
0x87: {  	_ = 	snop;
	(pc) =	sbr.rel @p0 .LBB2_1-.Ltmp3, $4  }
.Ltmp4:
0x88: {  	_ = 	snop;
	(pc) =	sbr.rel @!p0 .LBB2_6-.Ltmp4, $4  }
0x89: {  	_ =	swait.ge [sflag:s17], $0x2780  }
0x8a: {  	[sflag:s17] =	ssyncset.done $0x0  }
0x8b: {  	[sflag:s17] =	ssyncadd.s32 $0xFFFFD880  }
0x8c: {  	_ = 	snop  }
.LBB2_2:
.Ltmp5:
0x8d: {  	(pc) =	sbr.rel .LBB2_5-.Ltmp5, $2  }
0x8e: {  	_ =	sdelay $0x2  }
0x8f: {  	s26 =	simm.s32 $0x0;
	s25 =	smov.u32 s15  }
.LBB2_6:
0x90: {  	_ =	sfence.sel $0x180000  }
0x91: {  	[bflag:$0x0] =	sbarrier.arrive $0xFFFF  }
0x92: {  	_ =	strace $0x90000047  }
0x93: {  	s0 =	stileid.u32;
	[bflag:$0x2] =	sbarrier.arrive $0xFFFF  }
0x94: {  	p0 =	sne.s32 s0, $0x0;
	s0 =	rddreg [dreg:$0x2]  }
0x95: {  	s0 =	sadd.s32 @!p0 $0x100000, s0  }
0x96: {  	[sflag:s0] =	ssyncadd.tile.s32 @!p0 $0x1;
	_ =	shalt  }
.Lfunc_end2:
_tile_overlayer_lowered:
.L_overlay_start_2:
0x97: {  	(tag) =	ssettag $0x2  }
0x98: {  	s0 =	rddreg [dreg:$0x0];
	s2 =	stileid.u32  }
0x99: {  	s1 =	rddreg [dreg:$0x1];
	p0 =	sne.s32 s2, $0x0  }
0x9a: {  	s3 =	rddreg [dreg:$0x2];
	[bflag:$0x3] =	sbarrier.arrive $0xFFFF;
	s2 =	simm.s32 @!p0 $0x1C03  }
0x9b: {  	[timem:s3], [sflag:s2] =	dma.local @!p0 [hbm:s0], s1  }
0x9c: {  	s0 =	simm.s32 @!p0 $0x3  }
0x9d: {  	_ =	swait.ge @!p0 [sflag:s0], s1  }
0x9e: {  	s1 =	ssub.s32 @!p0 $0x0, s1;
	[sflag:s0] =	ssyncset.done @!p0 $0x0  }
0x9f: {  	[sflag:s0] =	ssyncadd.s32 @!p0 s1  }
0xa0: {  	[bflag:$0x3] =	sbarrier.arrive $0xFFFF  }
0xa1: {  	_ =	shalt  }

// kernel: kernel.14.cloned.1.call-start
scs
__scs_entry_jumppad:
0x0: {  	(pc) =	sbr.rel $0x88, $3  }
0x1: {  	(tag) =	ssettag $0x0;
	lr =	simm.s32 $0x1  }
0x2: {  	[smem:$0x3F97] =	sst lr;
	_ =	strace $0xD0000000  }
0x3: {  	_ = 	snop  }
0x4: {  	_ = 	snop  }
0x5: {  	_ = 	snop  }
0x6: {  	_ = 	snop  }
0x7: {  	_ = 	snop  }
__scs_overlays_trampoline_lowered:
0x8: {  	[smem:$0x3FA6] =	sst s0  }
0x9: {  	[smem:$0x3FA7] =	sst s1  }
0xa: {  	[smem:$0x3FA8] =	sst s2  }
0xb: {  	[smem:$0x3FA9] =	sst s3  }
0xc: {  	[smem:$0x3FAA] =	sst s4  }
0xd: {  	[smem:$0x3FAB] =	sst s5  }
0xe: {  	[smem:$0x3FAC] =	sst s6  }
0xf: {  	[smem:$0x3FAD] =	sst s7  }
0x10: {  	[smem:$0x3FAE] =	sst s8  }
0x11: {  	[smem:$0x3FAF] =	sst s9;
	s0 =	simm.s32 @!p0 $0x0  }
0x12: {  	s1 =	sld [smem:$0x3F95];
	s0 =	simm.s32 @p0 $0x1  }
0x13: {  	[smem:$0x3FB0] =	sst s0;
	s0 =	simm.s32 @!p1 $0x0  }
0x14: {  	s2 =	sld [smem:$0x3F94];
	s0 =	simm.s32 @p1 $0x1  }
0x15: {  	[smem:$0x3FB1] =	sst s0;
	s0 =	simm.s32 @!p2 $0x0  }
0x16: {  	s3 =	sld [smem:$0x3FDB];
	s0 =	simm.s32 @p2 $0x1  }
0x17: {  	s4 =	simm.s32 $0x1BF5;
	[smem:$0x3FB3] =	sst s0  }
0x18: {  	s0 =	sld [smem:$0x3F96];
	_ =	swait.ge [sflag:s4], $0x0  }
0x19: {  	s7 =	sld [smem:$0x3F97]  }
0x1a: {  	s8 =	sadd.s32 $0xFFFFE003, lr  }
0x1b: {  	s9 =	sadd.s32 $0xFFFFFEF7, lr;
	s5 =	simm.s32 $0xFFFFFFFF;
	p2 =	slt.u32 s8, $0xFFFFF086  }
0x1c: {  	p1 =	slt.u32 s9, $0xF7A;
	s5 =	simm.s32 @!p2 $0x0  }
0x1d: {  	s5 =	simm.s32 @p1 $0x1;
	p0 =	seq.s32 s7, s2  }
0x1e: {  	s7 =	smul.u32 @!p0 $0xF7A, s2;
	p2 =	seq.s32 @!p0 s5, $0x0  }
0x1f: {  	s9 =	smul.u32 $0xF7A, s1;
	s8 =	simm.s32 @!p0 $0x1BF5;
	p2 =	por !p2, p0  }
0x20: {  	[sflag:s8] =	ssyncset.s32 @!p0 $0xFFFFF086;
	s6 =	sadd.s32 @!p0 s3, s7;
	s7 =	simm.s32 @!p0 $0x108  }
0x21: {  	s3 =	sadd.s32 s3, s9;
	s6 =	sadd.s32 @!p0 $0x88, s6;
	s7 =	simm.s32 @p2 $0x1082  }
0x22: {  	[simem:s7], [sflag:s8] =	dma.local @!p0 [hbm:s6], $0xF7A  }
0x23: {  	s9 =	sor.u32 $0xD0000000, s2;
	s6 =	simm.s32 $0x108;
	_ =	swait.ge @!p0 [sflag:s8], $0x0  }
0x24: {  	s3 =	sadd.s32 $0x88, s3;
	s6 =	simm.s32 @!p1 $0x1082;
	[sflag:s4] =	ssyncset.s32 $0xFFFFF086  }
0x25: {  	[simem:s6], [sflag:s4] =	dma.local [hbm:s3], $0xF7A  }
0x26: {  	[smem:$0x3F97] =	sst s1;
	(tag) =	ssettag s2;
	_ =	strace s9  }
0x27: {  	s1 =	sld [smem:$0x3FA7]  }
0x28: {  	s2 =	sld [smem:$0x3FA8]  }
0x29: {  	s4 =	sld [smem:$0x3FAA]  }
0x2a: {  	p0 =	seq.s32 s5, $0x0;
	s5 =	sld [smem:$0x3FAB]  }
0x2b: {  	s6 =	sld [smem:$0x3FAC]  }
0x2c: {  	s7 =	sld [smem:$0x3FAD]  }
0x2d: {  	s3 =	simm.s32 $0x108;
	s8 =	sld [smem:$0x3FAE]  }
0x2e: {  	s3 =	simm.s32 @!p0 $0x1082;
	s9 =	sld [smem:$0x3FAF]  }
0x2f: {  	lr =	sadd.s32 s0, s3;
	s0 =	sld [smem:$0x3FA6]  }
0x30: {  	s3 =	sld [smem:$0x3FA9]  }
0x31: {  	[smem:$0x3FB2] =	sst s10  }
0x32: {  	s10 =	sld [smem:$0x3FB0];
	_ =	sdelay $0x3  }
0x33: {  	p0 =	seq.s32 s10, $0x1;
	s10 =	sld [smem:$0x3FB2];
	_ =	sdelay $0x3  }
0x34: {  	[smem:$0x3FB2] =	sst s10  }
0x35: {  	s10 =	sld [smem:$0x3FB1];
	_ =	sdelay $0x3  }
0x36: {  	p1 =	seq.s32 s10, $0x1;
	s10 =	sld [smem:$0x3FB2];
	_ =	sdelay $0x3  }
0x37: {  	[smem:$0x3FB2] =	sst s10  }
0x38: {  	s10 =	sld [smem:$0x3FB3]  }
0x39: {  	_ = 	snop;
	(pc) =	sbr.ind lr, $3  }
0x3a: {  	_ = 	snop  }
0x3b: {  	_ = 	snop  }
0x3c: {  	p2 =	seq.s32 s10, $0x1;
	s10 =	sld [smem:$0x3FB2]  }
0x3d: {  	_ =	shalt  }
0x3e: {  	_ =	shalt  }
0x3f: {  	_ =	shalt  }
0x40: {  	_ =	shalt  }
0x41: {  	_ =	shalt  }
0x42: {  	_ =	shalt  }
0x43: {  	_ =	shalt  }
0x44: {  	_ =	shalt  }
0x45: {  	_ =	shalt  }
0x46: {  	_ =	shalt  }
0x47: {  	_ =	shalt  }
0x48: {  	_ =	shalt  }
0x49: {  	_ =	shalt  }
0x4a: {  	_ =	shalt  }
0x4b: {  	_ =	shalt  }
0x4c: {  	_ =	shalt  }
0x4d: {  	_ =	shalt  }
0x4e: {  	_ =	shalt  }
0x4f: {  	_ =	shalt  }
0x50: {  	_ =	shalt  }
0x51: {  	_ =	shalt  }
0x52: {  	_ =	shalt  }
0x53: {  	_ =	shalt  }
0x54: {  	_ =	shalt  }
0x55: {  	_ =	shalt  }
0x56: {  	_ =	shalt  }
0x57: {  	_ =	shalt  }
0x58: {  	_ =	shalt  }
0x59: {  	_ =	shalt  }
0x5a: {  	_ =	shalt  }
0x5b: {  	_ =	shalt  }
0x5c: {  	_ =	shalt  }
0x5d: {  	_ =	shalt  }
0x5e: {  	_ =	shalt  }
0x5f: {  	_ =	shalt  }
0x60: {  	_ =	shalt  }
0x61: {  	_ =	shalt  }
0x62: {  	_ =	shalt  }
0x63: {  	_ =	shalt  }
0x64: {  	_ =	shalt  }
0x65: {  	_ =	shalt  }
0x66: {  	_ =	shalt  }
0x67: {  	_ =	shalt  }
0x68: {  	_ =	shalt  }
0x69: {  	_ =	shalt  }
0x6a: {  	_ =	shalt  }
0x6b: {  	_ =	shalt  }
0x6c: {  	_ =	shalt  }
0x6d: {  	_ =	shalt  }
0x6e: {  	_ =	shalt  }
0x6f: {  	_ =	shalt  }
0x70: {  	_ =	shalt  }
0x71: {  	_ =	shalt  }
0x72: {  	_ =	shalt  }
0x73: {  	_ =	shalt  }
0x74: {  	_ =	shalt  }
0x75: {  	_ =	shalt  }
0x76: {  	_ =	shalt  }
0x77: {  	_ =	shalt  }
0x78: {  	_ =	shalt  }
0x79: {  	_ =	shalt  }
0x7a: {  	_ =	shalt  }
0x7b: {  	_ =	shalt  }
0x7c: {  	_ =	shalt  }
0x7d: {  	_ =	shalt  }
0x7e: {  	_ =	shalt  }
0x7f: {  	_ =	shalt  }
0x80: {  	_ =	shalt  }
0x81: {  	_ =	shalt  }
0x82: {  	_ =	shalt  }
0x83: {  	_ =	shalt  }
0x84: {  	_ =	shalt  }
0x85: {  	_ =	shalt  }
0x86: {  	_ =	shalt  }
0x87: {  	_ =	shalt  }
.Lfunc_end0:
.L_simem_size_0:
called_computation.2_lowered:
.L_overlay_start_0:
0x88: {  	s2 =	sld [smem:$0x3FD9]  }
0x89: {  	s3 =	sld [smem:$0x3FFE];
	_ =	sdelay $0x1  }
0x8a: {  	s1 =	srdreg.scid  }
0x8b: {  	s0 =	sand.u32 $0x1, s1  }
0x8c: {  	s16 =	sshll.u32 s0, $0xA;
	s2 =	sadd.s32 s3, s2  }
0x8d: {  	s2 =	sadd.s32 s2, s16  }
0x8e: {  	[smem:$0x3FBE] =	sst s2  }
0x8f: {  	_ = 	snop  }
0x90: {  	(tm) =	ssettm $0x1  }
0x91: {  	s17 =	sld [smem:$0x3FFB];
	_ =	sdelay $0x3  }
0x92: {  	_ =	strace s17  }
0x93: {  	s2 =	sld [smem:$0x3FFC];
	_ =	sdelay $0x3  }
0x94: {  	_ =	strace s2  }
0x95: {  	s2 =	sld [smem:$0x3FFD];
	_ =	sdelay $0x3  }
0x96: {  	_ =	strace s2  }
0x97: {  	_ =	strace $0x8FFFFFFF  }
0x98: {  	s18 =	sld [smem:$0x3FDB];
	_ =	sdelay $0x1  }
0x99: {  	s19 =	simm.s32 $_scs_section_size  }
0x9a: {  	s4 =	simm.s32 $_size__tile_overlayer_lowered;
	s5 =	simm.s32 $_tile_overlayer_lowered  }
0x9b: {  	s22 =	simm.s32 $0x1BFF;
	s21 =	sshll.u32 s5, $0x1;
	s2 =	sadd.s32 s19, s18  }
0x9c: {  	s6 =	simm.s32 $0x0;
	s20 =	sshll.u32 s4, $0x1;
	s4 =	sadd.s32 s21, s2  }
0x9d: {  	[timem:s6], [sflag:s22] =	dma.local [hbm:s4], s20  }
0x9e: {  	_ =	swait.ge [sflag:s22], s20  }
0x9f: {  	s3 =	ssub.s32 $0x0, s20;
	[sflag:s22] =	ssyncset.done $0x0  }
0xa0: {  	[sflag:s22] =	ssyncadd.s32 s3;
	_ =	sdelay $0x1  }
0xa1: {  	s23 =	simm.s32 $0x1B8B  }
0xa2: {  	_ =	swait.ge [sflag:s23], $0x1  }
0xa3: {  	[sflag:s23] =	ssyncset.done $0x0  }
0xa4: {  	s25 =	simm.s32 $0x1B8E;
	s24 =	sld [smem:$0x3FFE];
	[sflag:s23] =	ssyncadd.s32 $0xFFFFFFFF  }
0xa5: {  	s26 =	simm.s32 $execute0_lowered;
	[smem:$0x3FD2] =	sst s25  }
0xa6: {  	s4 =	sshll.u32 s26, $0x1;
	_ =	strace $0x8000004C;
	[dreg:$0x1] =	wrdreg $0xFFFFFFFF  }
0xa7: {  	s28 =	simm.s32 $_size_execute0_lowered;
	s2 =	sadd.s32 s2, s4;
	[dreg:$0x0] =	wrdreg $0x0  }
0xa8: {  	s4 =	sshll.u32 s28, $0x1;
	[dreg:$0x2] =	wrdreg s2  }
0xa9: {  	[dreg:$0x3] =	wrdreg s4  }
0xaa: {  	[dreg:$0x4] =	wrdreg $0xC0  }
0xab: {  	_ =	task [dreg:s6], $0x5FFFF  }
0xac: {  	[dreg:$0x1] =	wrdreg $0xFFFFFFFF  }
0xad: {  	[dreg:$0x0] =	wrdreg $0x60  }
0xae: {  	[dreg:$0x2] =	wrdreg s24  }
0xaf: {  	[dreg:$0x3] =	wrdreg $0x82000  }
0xb0: {  	[dreg:$0x4] =	wrdreg $0x9  }
0xb1: {  	_ =	task.clear_ibuf [dreg:s6], $0x5FFFF;
	_ =	strace $0x9000004C  }
0xb2: {  	s29 =	simm.s32 $0x9;
	_ =	strace $0x8000004E  }
0xb3: {  	_ =	swait.ge [sflag:s29], $0x1  }
0xb4: {  	[sflag:s29] =	ssyncadd.s32 $0xFFFFFFFF  }
0xb5: {  	_ =	strace $0x9000004E  }
0xb6: {  	_ =	sfence  }
0xb7: {  	s30 =	sld [smem:$0x0];
	_ =	sdelay $0x2  }
0xb8: {  	s31 =	sshll.u32 s1, $0xD;
	s1 =	sshrl.u32 s1, $0x2  }
0xb9: {  	s3 =	sand.u32 $0x4000, s31;
	s1 =	sadd.s32 s1, s30  }
0xba: {  	s0 =	sor.u32 s3, s0;
	s1 =	sshll.u32 s1, $0x11  }
0xbb: {  	s0 =	sor.u32 s1, s0  }
0xbc: {  	s0 =	sadd.s32 $0x8F2B, s0  }
0xbd: {  	[sflag:s0] =	ssyncadd.remote.s32 $0x1  }
0xbe: {  	_ =	sfence.sel $0xFFFF  }
0xbf: {  	[dreg:$0x0] =	wrdreg $0xFFFFFFFF;
	(pc) =	sbr.abs _section_cstart, $3  }
0xc0: {  	[dreg:$0x1] =	wrdreg $0xFFFFFFFF  }
0xc1: {  	_ =	task.clear_ibuf [dreg:s6], $0x2FFFF;
	_ =	strace $0x9FFFFFFF  }
0xc2: {  	(tm) =	ssettm $0x7FFFFFFF  }
0xc3: {  	_ =	shalt  }
tec
execute0_lowered:
.L_overlay_start_1:
0x0: {  	(tag) =	ssettag $0x1  }
0x1: {  	s5 =	rddreg [dreg:$0x0]  }
0x2: {  	s2 =	rddreg [dreg:$0x1];
	s0 =	stileid.u32  }
0x3: {  	s4 =	srdreg.scid;
	s3 =	simm.s32 $0x0;
	s17 =	simm.s32 $0x3  }
0x4: {  	s18 =	simm.s32 $0x80;
	s19 =	simm.s32 $0x200;
	s6 =	smul.u32 $0x2A, s0  }
0x5: {  	s21 =	simm.s32 $0x1;
	s7 =	sand.u32 $0x1, s4;
	s4 =	smul.u32 $0x76, s0  }
0x6: {  	s22 =	simm.s32 $0x180;
	s23 =	simm.s32 $0x4200;
	s8 =	smul.u32 $0x13C00, s0  }
0x7: {  	s24 =	simm.s32 $0x0;
	[smem:$0x7FF] =	sst s3;
	s10 =	smul.u32 $0x4F000, s0  }
0x8: {  	s31 =	sshll.u32 s0, $0x6;
	p0 =	seq.s32 s7, $0x0;
	_ =	strace $0x8000004D  }
0x9: {  	s9 =	smul.u32 $0x13C000, s7;
	s7 =	ssub.s32 $0x2, s7;
	s6 =	sadd.s32 $0x760, s6  }
0xa: {  	s28 =	sshrl.u32 s8, $0x3;
	s29 =	sshrl.u32 s7, $0x1;
	s30 =	sshrl.u32 s10, $0x2  }
0xb: {  	s6 =	smov.u32 @p0 s4;
	s4 =	sadd.s32 $0x16600, s5;
	s8 =	sadd.s32 s8, s9  }
0xc: {  	s12 =	ssub.s32 s7, s29;
	s16 =	sadd.s32 s30, s2;
	s6 =	sshll.u32 s6, $0x5  }
0xd: {  	s7 =	sor.u32 $0x1C03, s31;
	s8 =	sshrl.u32 s8, $0x3;
	s15 =	sadd.s32 s6, s5  }
0xe: {  	s6 =	sadd.s32 s28, s5;
	s11 =	sadd.s32 s8, s5;
	s5 =	simm.s32 $0x76  }
0xf: {  	s16 =	sshrl.u32 s16, $0x3;
	s5 =	simm.s32 @!p0 $0x2A;
	s6 =	sadd.s32 $0x3D800, s6  }
0x10: {  	s8 =	sadd.s32 $0x2600, s15;
	s9 =	sadd.s32 $0x2620, s15;
	s10 =	sadd.s32 $0x65000, s11  }
0x11: {  	s11 =	smax.u32 s12, $0x1;
	s15 =	sadd.s32 $0x2640, s15;
	s14 =	sshrl.u32 s5, $0x1  }
0x12: {  	s12 =	sadd.s32 $0xFFFFFFFE, s5;
	s13 =	sadd.s32 $0xFFFFFFFD, s5;
	s14 =	sadd.s32 $0xFFFFFFFF, s14  }
.LBB2_1:
0x13: {  	[spmem:s16], [sflag:s7] =	dma.local [hbm:s6], $0x2780  }
0x14: {  	_ =	swait.ge [sflag:s17], $0x2780  }
0x15: {  	[sflag:s17] =	ssyncset.done $0x0  }
0x16: {  	[sflag:s17] =	ssyncadd.s32 $0xFFFFD880  }
0x17: {  	[tilespmem:s3], [sflag:$0x3] =	stream.linear.gather [hbm4b:s8+s3], $0x100, $0x38;
	[tilespmem:$0x1BE00] =	vst v63  }
0x18: {  	_ =	swait.ge [sflag:s17], $0x100  }
0x19: {  	s25 =	sadd.s32 $0xFFFFFFFF, s14;
	[sflag:s17] =	ssyncset.done $0x0  }
0x1a: {  	p2 =	sne.s32 s25, $0x0;
	[sflag:s17] =	ssyncadd.s32 $0xFFFFFF00  }
0x1b: {  	[tilespmem:s19], [sflag:$0x1] =	stream.indirect.gather [hbm4b:s4+s18], $0x80, s3, s18, $0xb8;
	[tilespmem:$0x1BE00] =	vst v63  }
.Ltmp0:
0x1c: {  	_ = 	snop;
	(pc) =	sbr.rel @!p2 .LBB2_2-.Ltmp0, $4  }
0x1d: {  	s0 =	simm.s32 $0x100  }
0x1e: {  	[tilespmem:s0], [sflag:$0x2] =	stream.linear.gather [hbm4b:s9+s3], $0x100, $0x38;
	[tilespmem:$0x1BE00] =	vst v63  }
0x1f: {  	[bflag:$0x0] =	sbarrier.arrive $0xFFFF  }
0x20: {  	p1 =	sle.u32 s5, $0x1;
	p0 =	por $0x0, $0x0  }
0x21: {  	s26 =	simm.s32 @!p1 $0x2  }
0x22: {  	_ =	swait.ge @!p1 [sflag:s26], $0x100  }
0x23: {  	s28 =	simm.s32 @!p1 $0x4200;
	[sflag:s26] =	ssyncset.done @!p1 $0x0  }
0x24: {  	s29 =	simm.s32 @!p1 $0x80;
	s30 =	simm.s32 @!p1 $0x100;
	[sflag:s26] =	ssyncadd.s32 @!p1 $0xFFFFFF00  }
0x25: {  	[tilespmem:s28], [sflag:$0x1] =	stream.indirect.gather @!p1 [hbm4b:s4+s29], $0x80, s30, s29, $0xb8;
	[tilespmem:$0x1BE00] =	vst v63  }
0x26: {  	_ =	swait.ge [sflag:s21], $0x4000  }
0x27: {  	[sflag:s21] =	ssyncset.done $0x0  }
0x28: {  	[sflag:s21] =	ssyncadd.s32 $0xFFFFC000  }
0x29: {  	[spmem:s2] =	stream.indirect.scatter.add.f32 [tilespmem:s19], [sflag:$0x3], $0x80, s18, s18, $0xb8;
	[tilespmem:$0x1BE00] =	vst v63  }
0x2a: {  	_ =	swait.ge [sflag:s17], $0x4000  }
0x2b: {  	p0 =	sle.u32 s12, $0x0;
	[sflag:s17] =	ssyncset.done $0x0  }
0x2c: {  	s26 =	simm.s32 @!p0 $0x0;
	s28 =	simm.s32 @!p0 $0x2;
	[sflag:s17] =	ssyncadd.s32 $0xFFFFC000  }
0x2d: {  	[tilespmem:s26], [sflag:$0x2] =	stream.linear.gather @!p0 [hbm4b:s15+s26], $0x100, $0x38;
	[tilespmem:$0x1BE00] =	vst v63  }
0x2e: {  	_ =	swait.ge @!p0 [sflag:s28], $0x100  }
0x2f: {  	s29 =	simm.s32 @!p0 $0x80;
	[sflag:s28] =	ssyncset.done @!p0 $0x0  }
0x30: {  	s30 =	simm.s32 @!p0 $0x200;
	[sflag:s28] =	ssyncadd.s32 @!p0 $0xFFFFFF00;
	s28 =	sadd.s32 $0xFFFFFFFF, s25  }
0x31: {  	[tilespmem:s30], [sflag:$0x1] =	stream.indirect.gather @!p0 [hbm4b:s4+s29], $0x80, s26, s29, $0xb8;
	[tilespmem:$0x1BE00] =	vst v63  }
0x32: {  	p2 =	sne.s32 s28, $0x0  }
.Ltmp1:
0x33: {  	_ =	swait.ge [sflag:s21], $0x4000;
	(pc) =	sbr.rel @!p2 .LBB2_5-.Ltmp1, $4  }
0x34: {  	p3 =	sle.u32 s13, $0x0;
	p1 =	sle.u32 s5, $0x3;
	[sflag:s21] =	ssyncset.done $0x0  }
0x35: {  	s25 =	sadd.s32 $0x40, s15;
	s26 =	simm.s32 $0x2;
	[sflag:s21] =	ssyncadd.s32 $0xFFFFC000  }
0x36: {  	[spmem:s2] =	stream.indirect.scatter.add.f32 [tilespmem:s23], [sflag:$0x3], $0x80, s22, s18, $0xb8;
	[tilespmem:$0x1BE00] =	vst v63  }
0x37: {  	s29 =	sadd.s32 @!p3 $0x20, s15;
	p0 =	por $0x1, $0x1;
	_ =	swait.ge [sflag:s17], $0x4000  }
.LBB2_4:
0x38: {  	s30 =	simm.s32 @!p1 $0x2;
	[sflag:s17] =	ssyncset.done $0x0;
	s31 =	simm.s32 @!p3 $0x100  }
0x39: {  	s28 =	sadd.s32 $0xFFFFFFFF, s28;
	s0 =	simm.s32 @!p3 $0x0;
	[sflag:s17] =	ssyncadd.s32 $0xFFFFC000  }
0x3a: {  	[tilespmem:s31], [sflag:$0x2] =	stream.linear.gather @!p3 [hbm4b:s29+s0], $0x100, $0x38;
	[tilespmem:$0x1BE00] =	vst v63  }
0x3b: {  	p2 =	sne.s32 s28, $0x0;
	s0 =	simm.s32 @!p1 $0x4200;
	_ =	swait.ge @!p1 [sflag:s30], $0x100  }
0x3c: {  	s29 =	simm.s32 @!p1 $0x80;
	s31 =	simm.s32 @!p1 $0x100;
	[sflag:s30] =	ssyncset.done @!p1 $0x0  }
0x3d: {  	s1 =	smov.u32 s25;
	[sflag:s30] =	ssyncadd.s32 @!p1 $0xFFFFFF00;
	s30 =	smov.u32 s26  }
0x3e: {  	[tilespmem:s0], [sflag:$0x1] =	stream.indirect.gather @!p1 [hbm4b:s4+s29], $0x80, s31, s29, $0xb8;
	[tilespmem:$0x1BE00] =	vst v63  }
0x3f: {  	_ =	swait.ge [sflag:s21], $0x4000  }
0x40: {  	[sflag:s21] =	ssyncset.done $0x0  }
0x41: {  	[sflag:s21] =	ssyncadd.s32 $0xFFFFC000  }
0x42: {  	[spmem:s2] =	stream.indirect.scatter.add.f32 [tilespmem:s19], [sflag:$0x3], $0x80, s18, s18, $0xb8;
	[tilespmem:$0x1BE00] =	vst v63  }
0x43: {  	p1 =	sge.u32 s26, s12;
	_ =	swait.ge [sflag:s17], $0x4000  }
0x44: {  	s0 =	simm.s32 @!p1 $0x0;
	s29 =	simm.s32 @!p1 $0x2;
	[sflag:s17] =	ssyncset.done $0x0  }
0x45: {  	[sflag:s17] =	ssyncadd.s32 $0xFFFFC000  }
0x46: {  	[tilespmem:s0], [sflag:$0x2] =	stream.linear.gather @!p1 [hbm4b:s25+s0], $0x100, $0x38;
	[tilespmem:$0x1BE00] =	vst v63  }
0x47: {  	_ =	swait.ge @!p1 [sflag:s29], $0x100  }
0x48: {  	s31 =	simm.s32 @!p1 $0x80;
	s20 =	simm.s32 @!p1 $0x200;
	[sflag:s29] =	ssyncset.done @!p1 $0x0  }
0x49: {  	[sflag:s29] =	ssyncadd.s32 @!p1 $0xFFFFFF00  }
0x4a: {  	[tilespmem:s20], [sflag:$0x1] =	stream.indirect.gather @!p1 [hbm4b:s4+s31], $0x80, s0, s31, $0xb8;
	[tilespmem:$0x1BE00] =	vst v63  }
.Ltmp2:
0x4b: {  	_ =	swait.ge [sflag:s21], $0x4000;
	(pc) =	sbr.rel @p2 .LBB2_4-.Ltmp2, $4  }
0x4c: {  	s26 =	sadd.s32 $0x2, s26;
	s25 =	sadd.s32 $0x40, s25;
	[sflag:s21] =	ssyncset.done $0x0  }
0x4d: {  	p3 =	sge.u32 s30, s13;
	s0 =	sadd.s32 $0x1, s26;
	[sflag:s21] =	ssyncadd.s32 $0xFFFFC000  }
0x4e: {  	[spmem:s2] =	stream.indirect.scatter.add.f32 [tilespmem:s23], [sflag:$0x3], $0x80, s22, s18, $0xb8;
	[tilespmem:$0x1BE00] =	vst v63  }
0x4f: {  	s29 =	sadd.s32 @!p3 $0x20, s1;
	p1 =	sge.u32 s0, s5;
	_ =	swait.ge [sflag:s17], $0x4000  }
.LBB2_5:
0x50: {  	s0 =	simm.s32 @!p1 $0x2;
	[sflag:s17] =	ssyncset.done @p0 $0x0;
	p2 =	por p3, !p0  }
0x51: {  	s1 =	simm.s32 @!p2 $0x100;
	[sflag:s17] =	ssyncadd.s32 @p0 $0xFFFFC000;
	s20 =	simm.s32 @!p2 $0x0  }
0x52: {  	[tilespmem:s1], [sflag:$0x2] =	stream.linear.gather @!p2 [hbm4b:s29+s20], $0x100, $0x38;
	[tilespmem:$0x1BE00] =	vst v63  }
0x53: {  	_ =	swait.ge @!p1 [sflag:s0], $0x100  }
0x54: {  	s28 =	simm.s32 @!p1 $0x100;
	[sflag:s0] =	ssyncset.done @!p1 $0x0  }
0x55: {  	s1 =	simm.s32 @!p1 $0x4200;
	s20 =	simm.s32 @!p1 $0x80;
	[sflag:s0] =	ssyncadd.s32 @!p1 $0xFFFFFF00  }
0x56: {  	[tilespmem:s1], [sflag:$0x1] =	stream.indirect.gather @!p1 [hbm4b:s4+s20], $0x80, s28, s20, $0xb8;
	[tilespmem:$0x1BE00] =	vst v63  }
0x57: {  	_ =	swait.ge [sflag:s21], $0x4000  }
0x58: {  	[sflag:s21] =	ssyncset.done $0x0  }
0x59: {  	[sflag:s21] =	ssyncadd.s32 $0xFFFFC000  }
0x5a: {  	[spmem:s2] =	stream.indirect.scatter.add.f32 [tilespmem:s19], [sflag:$0x3], $0x80, s18, s18, $0xb8;
	[tilespmem:$0x1BE00] =	vst v63  }
0x5b: {  	_ =	swait.ge [sflag:s17], $0x4000  }
0x5c: {  	p0 =	sge.u32 s26, s12;
	[sflag:s17] =	ssyncset.done $0x0  }
0x5d: {  	s0 =	simm.s32 @!p0 $0x0;
	s1 =	simm.s32 @!p0 $0x2;
	[sflag:s17] =	ssyncadd.s32 $0xFFFFC000  }
0x5e: {  	[tilespmem:s0], [sflag:$0x2] =	stream.linear.gather @!p0 [hbm4b:s25+s0], $0x100, $0x38;
	[tilespmem:$0x1BE00] =	vst v63  }
0x5f: {  	_ =	swait.ge @!p0 [sflag:s1], $0x100  }
0x60: {  	[sflag:s1] =	ssyncset.done @!p0 $0x0  }
0x61: {  	s20 =	simm.s32 @!p0 $0x80;
	s28 =	simm.s32 @!p0 $0x200;
	[sflag:s1] =	ssyncadd.s32 @!p0 $0xFFFFFF00  }
0x62: {  	[tilespmem:s28], [sflag:$0x1] =	stream.indirect.gather @!p0 [hbm4b:s4+s20], $0x80, s0, s20, $0xb8;
	[tilespmem:$0x1BE00] =	vst v63  }
0x63: {  	_ =	swait.ge [sflag:s21], $0x4000  }
0x64: {  	[sflag:s21] =	ssyncset.done $0x0  }
0x65: {  	[sflag:s21] =	ssyncadd.s32 $0xFFFFC000  }
0x66: {  	[spmem:s2] =	stream.indirect.scatter.add.f32 [tilespmem:s23], [sflag:$0x3], $0x80, s22, s18, $0xb8;
	[tilespmem:$0x1BE00] =	vst v63  }
0x67: {  	s30 =	sadd.s32 $0x2, s26;
	p0 =	sge.u32 s26, s13;
	_ =	swait.ge [sflag:s17], $0x4000  }
0x68: {  	s31 =	sadd.s32 $0x1, s30;
	s1 =	sadd.s32 @!p0 $0x20, s25;
	[sflag:s17] =	ssyncset.done $0x0  }
0x69: {  	s20 =	simm.s32 @!p0 $0x100;
	s26 =	simm.s32 @!p0 $0x0;
	[sflag:s17] =	ssyncadd.s32 $0xFFFFC000  }
0x6a: {  	[tilespmem:s20], [sflag:$0x2] =	stream.linear.gather @!p0 [hbm4b:s1+s26], $0x100, $0x38;
	[tilespmem:$0x1BE00] =	vst v63  }
0x6b: {  	p0 =	sge.u32 s31, s5  }
0x6c: {  	s1 =	simm.s32 @!p0 $0x2  }
0x6d: {  	_ =	swait.ge @!p0 [sflag:s1], $0x100  }
0x6e: {  	s20 =	simm.s32 @!p0 $0x100;
	[sflag:s1] =	ssyncset.done @!p0 $0x0  }
0x6f: {  	s26 =	simm.s32 @!p0 $0x4200;
	[sflag:s1] =	ssyncadd.s32 @!p0 $0xFFFFFF00;
	s1 =	simm.s32 @!p0 $0x80  }
0x70: {  	[tilespmem:s26], [sflag:$0x1] =	stream.indirect.gather @!p0 [hbm4b:s4+s1], $0x80, s20, s1, $0xb8;
	[tilespmem:$0x1BE00] =	vst v63  }
0x71: {  	_ =	swait.ge [sflag:s21], $0x4000  }
0x72: {  	[sflag:s21] =	ssyncset.done $0x0  }
0x73: {  	[sflag:s21] =	ssyncadd.s32 $0xFFFFC000  }
0x74: {  	[spmem:s2] =	stream.indirect.scatter.add.f32 [tilespmem:s19], [sflag:$0x3], $0x80, s18, s18, $0xb8;
	[tilespmem:$0x1BE00] =	vst v63  }
0x75: {  	_ =	swait.ge [sflag:s17], $0x4000  }
0x76: {  	p0 =	sge.u32 s30, s12;
	s1 =	sadd.s32 $0x40, s25;
	[sflag:s17] =	ssyncset.done $0x0  }
0x77: {  	s20 =	simm.s32 @!p0 $0x0;
	s25 =	simm.s32 @!p0 $0x2;
	[sflag:s17] =	ssyncadd.s32 $0xFFFFC000  }
0x78: {  	[tilespmem:s20], [sflag:$0x2] =	stream.linear.gather @!p0 [hbm4b:s1+s20], $0x100, $0x38;
	[tilespmem:$0x1BE00] =	vst v63  }
0x79: {  	_ =	swait.ge @!p0 [sflag:s25], $0x100  }
0x7a: {  	[sflag:s25] =	ssyncset.done @!p0 $0x0  }
0x7b: {  	s26 =	simm.s32 @!p0 $0x200;
	[sflag:s25] =	ssyncadd.s32 @!p0 $0xFFFFFF00;
	s25 =	simm.s32 @!p0 $0x80  }
0x7c: {  	[tilespmem:s26], [sflag:$0x1] =	stream.indirect.gather @!p0 [hbm4b:s4+s25], $0x80, s20, s25, $0xb8;
	[tilespmem:$0x1BE00] =	vst v63  }
0x7d: {  	_ =	swait.ge [sflag:s21], $0x4000  }
0x7e: {  	[sflag:s21] =	ssyncset.done $0x0  }
0x7f: {  	[sflag:s21] =	ssyncadd.s32 $0xFFFFC000  }
0x80: {  	[spmem:s2] =	stream.indirect.scatter.add.f32 [tilespmem:s23], [sflag:$0x3], $0x80, s22, s18, $0xb8;
	[tilespmem:$0x1BE00] =	vst v63  }
0x81: {  	p0 =	sge.u32 s30, s13;
	_ =	swait.ge [sflag:s17], $0x4000  }
0x82: {  	s24 =	sadd.s32 $0x1, s24;
	s0 =	sadd.s32 @!p0 $0x20, s1;
	[sflag:s17] =	ssyncset.done $0x0  }
0x83: {  	s1 =	simm.s32 @!p0 $0x0;
	s20 =	simm.s32 @!p0 $0x100;
	[sflag:s17] =	ssyncadd.s32 $0xFFFFC000  }
0x84: {  	[tilespmem:s20], [sflag:$0x2] =	stream.linear.gather @!p0 [hbm4b:s0+s1], $0x100, $0x38;
	[tilespmem:$0x1BE00] =	vst v63  }
0x85: {  	p0 =	sne.s32 s24, s11;
	[bflag:$0x0] =	sbarrier.arrive $0xFFFF  }
0x86: {  	[hbm:s10], [sflag:s7] =	dma.local [spmem:s16], $0x2780  }
.Ltmp3:
0x87: {  	_ = 	snop;
	(pc) =	sbr.rel @p0 .LBB2_1-.Ltmp3, $4  }
.Ltmp4:
0x88: {  	_ = 	snop;
	(pc) =	sbr.rel @!p0 .LBB2_6-.Ltmp4, $4  }
0x89: {  	_ =	swait.ge [sflag:s17], $0x2780  }
0x8a: {  	[sflag:s17] =	ssyncset.done $0x0  }
0x8b: {  	[sflag:s17] =	ssyncadd.s32 $0xFFFFD880  }
0x8c: {  	_ = 	snop  }
.LBB2_2:
.Ltmp5:
0x8d: {  	(pc) =	sbr.rel .LBB2_5-.Ltmp5, $2  }
0x8e: {  	_ =	sdelay $0x2  }
0x8f: {  	s26 =	simm.s32 $0x0;
	s25 =	smov.u32 s15  }
.LBB2_6:
0x90: {  	_ =	sfence.sel $0x180000  }
0x91: {  	[bflag:$0x0] =	sbarrier.arrive $0xFFFF  }
0x92: {  	_ =	strace $0x9000004D  }
0x93: {  	s0 =	stileid.u32;
	[bflag:$0x2] =	sbarrier.arrive $0xFFFF  }
0x94: {  	p0 =	sne.s32 s0, $0x0;
	s0 =	rddreg [dreg:$0x2]  }
0x95: {  	s0 =	sadd.s32 @!p0 $0x100000, s0  }
0x96: {  	[sflag:s0] =	ssyncadd.tile.s32 @!p0 $0x1;
	_ =	shalt  }
.Lfunc_end2:
_tile_overlayer_lowered:
.L_overlay_start_2:
0x97: {  	(tag) =	ssettag $0x2  }
0x98: {  	s0 =	rddreg [dreg:$0x0];
	s2 =	stileid.u32  }
0x99: {  	s1 =	rddreg [dreg:$0x1];
	p0 =	sne.s32 s2, $0x0  }
0x9a: {  	s3 =	rddreg [dreg:$0x2];
	[bflag:$0x3] =	sbarrier.arrive $0xFFFF;
	s2 =	simm.s32 @!p0 $0x1C03  }
0x9b: {  	[timem:s3], [sflag:s2] =	dma.local @!p0 [hbm:s0], s1  }
0x9c: {  	s0 =	simm.s32 @!p0 $0x3  }
0x9d: {  	_ =	swait.ge @!p0 [sflag:s0], s1  }
0x9e: {  	s1 =	ssub.s32 @!p0 $0x0, s1;
	[sflag:s0] =	ssyncset.done @!p0 $0x0  }
0x9f: {  	[sflag:s0] =	ssyncadd.s32 @!p0 s1  }
0xa0: {  	[bflag:$0x3] =	sbarrier.arrive $0xFFFF  }
0xa1: {  	_ =	shalt  }

// kernel: kernel.8.cloned.1.call-start
scs
__scs_entry_jumppad:
0x0: {  	(pc) =	sbr.rel $0x88, $3  }
0x1: {  	(tag) =	ssettag $0x0;
	lr =	simm.s32 $0x1  }
0x2: {  	[smem:$0x3F97] =	sst lr;
	_ =	strace $0xD0000000  }
0x3: {  	_ = 	snop  }
0x4: {  	_ = 	snop  }
0x5: {  	_ = 	snop  }
0x6: {  	_ = 	snop  }
0x7: {  	_ = 	snop  }
__scs_overlays_trampoline_lowered:
0x8: {  	[smem:$0x3FA6] =	sst s0  }
0x9: {  	[smem:$0x3FA7] =	sst s1  }
0xa: {  	[smem:$0x3FA8] =	sst s2  }
0xb: {  	[smem:$0x3FA9] =	sst s3  }
0xc: {  	[smem:$0x3FAA] =	sst s4  }
0xd: {  	[smem:$0x3FAB] =	sst s5  }
0xe: {  	[smem:$0x3FAC] =	sst s6  }
0xf: {  	[smem:$0x3FAD] =	sst s7  }
0x10: {  	[smem:$0x3FAE] =	sst s8  }
0x11: {  	[smem:$0x3FAF] =	sst s9;
	s0 =	simm.s32 @!p0 $0x0  }
0x12: {  	s1 =	sld [smem:$0x3F95];
	s0 =	simm.s32 @p0 $0x1  }
0x13: {  	[smem:$0x3FB0] =	sst s0;
	s0 =	simm.s32 @!p1 $0x0  }
0x14: {  	s2 =	sld [smem:$0x3F94];
	s0 =	simm.s32 @p1 $0x1  }
0x15: {  	[smem:$0x3FB1] =	sst s0;
	s0 =	simm.s32 @!p2 $0x0  }
0x16: {  	s3 =	sld [smem:$0x3FDB];
	s0 =	simm.s32 @p2 $0x1  }
0x17: {  	s4 =	simm.s32 $0x1BF5;
	[smem:$0x3FB3] =	sst s0  }
0x18: {  	s0 =	sld [smem:$0x3F96];
	_ =	swait.ge [sflag:s4], $0x0  }
0x19: {  	s7 =	sld [smem:$0x3F97]  }
0x1a: {  	s8 =	sadd.s32 $0xFFFFE003, lr  }
0x1b: {  	s9 =	sadd.s32 $0xFFFFFEF7, lr;
	s5 =	simm.s32 $0xFFFFFFFF;
	p2 =	slt.u32 s8, $0xFFFFF086  }
0x1c: {  	p1 =	slt.u32 s9, $0xF7A;
	s5 =	simm.s32 @!p2 $0x0  }
0x1d: {  	s5 =	simm.s32 @p1 $0x1;
	p0 =	seq.s32 s7, s2  }
0x1e: {  	s7 =	smul.u32 @!p0 $0xF7A, s2;
	p2 =	seq.s32 @!p0 s5, $0x0  }
0x1f: {  	s9 =	smul.u32 $0xF7A, s1;
	s8 =	simm.s32 @!p0 $0x1BF5;
	p2 =	por !p2, p0  }
0x20: {  	[sflag:s8] =	ssyncset.s32 @!p0 $0xFFFFF086;
	s6 =	sadd.s32 @!p0 s3, s7;
	s7 =	simm.s32 @!p0 $0x108  }
0x21: {  	s3 =	sadd.s32 s3, s9;
	s6 =	sadd.s32 @!p0 $0x88, s6;
	s7 =	simm.s32 @p2 $0x1082  }
0x22: {  	[simem:s7], [sflag:s8] =	dma.local @!p0 [hbm:s6], $0xF7A  }
0x23: {  	s9 =	sor.u32 $0xD0000000, s2;
	s6 =	simm.s32 $0x108;
	_ =	swait.ge @!p0 [sflag:s8], $0x0  }
0x24: {  	s3 =	sadd.s32 $0x88, s3;
	s6 =	simm.s32 @!p1 $0x1082;
	[sflag:s4] =	ssyncset.s32 $0xFFFFF086  }
0x25: {  	[simem:s6], [sflag:s4] =	dma.local [hbm:s3], $0xF7A  }
0x26: {  	[smem:$0x3F97] =	sst s1;
	(tag) =	ssettag s2;
	_ =	strace s9  }
0x27: {  	s1 =	sld [smem:$0x3FA7]  }
0x28: {  	s2 =	sld [smem:$0x3FA8]  }
0x29: {  	s4 =	sld [smem:$0x3FAA]  }
0x2a: {  	p0 =	seq.s32 s5, $0x0;
	s5 =	sld [smem:$0x3FAB]  }
0x2b: {  	s6 =	sld [smem:$0x3FAC]  }
0x2c: {  	s7 =	sld [smem:$0x3FAD]  }
0x2d: {  	s3 =	simm.s32 $0x108;
	s8 =	sld [smem:$0x3FAE]  }
0x2e: {  	s3 =	simm.s32 @!p0 $0x1082;
	s9 =	sld [smem:$0x3FAF]  }
0x2f: {  	lr =	sadd.s32 s0, s3;
	s0 =	sld [smem:$0x3FA6]  }
0x30: {  	s3 =	sld [smem:$0x3FA9]  }
0x31: {  	[smem:$0x3FB2] =	sst s10  }
0x32: {  	s10 =	sld [smem:$0x3FB0];
	_ =	sdelay $0x3  }
0x33: {  	p0 =	seq.s32 s10, $0x1;
	s10 =	sld [smem:$0x3FB2];
	_ =	sdelay $0x3  }
0x34: {  	[smem:$0x3FB2] =	sst s10  }
0x35: {  	s10 =	sld [smem:$0x3FB1];
	_ =	sdelay $0x3  }
0x36: {  	p1 =	seq.s32 s10, $0x1;
	s10 =	sld [smem:$0x3FB2];
	_ =	sdelay $0x3  }
0x37: {  	[smem:$0x3FB2] =	sst s10  }
0x38: {  	s10 =	sld [smem:$0x3FB3]  }
0x39: {  	_ = 	snop;
	(pc) =	sbr.ind lr, $3  }
0x3a: {  	_ = 	snop  }
0x3b: {  	_ = 	snop  }
0x3c: {  	p2 =	seq.s32 s10, $0x1;
	s10 =	sld [smem:$0x3FB2]  }
0x3d: {  	_ =	shalt  }
0x3e: {  	_ =	shalt  }
0x3f: {  	_ =	shalt  }
0x40: {  	_ =	shalt  }
0x41: {  	_ =	shalt  }
0x42: {  	_ =	shalt  }
0x43: {  	_ =	shalt  }
0x44: {  	_ =	shalt  }
0x45: {  	_ =	shalt  }
0x46: {  	_ =	shalt  }
0x47: {  	_ =	shalt  }
0x48: {  	_ =	shalt  }
0x49: {  	_ =	shalt  }
0x4a: {  	_ =	shalt  }
0x4b: {  	_ =	shalt  }
0x4c: {  	_ =	shalt  }
0x4d: {  	_ =	shalt  }
0x4e: {  	_ =	shalt  }
0x4f: {  	_ =	shalt  }
0x50: {  	_ =	shalt  }
0x51: {  	_ =	shalt  }
0x52: {  	_ =	shalt  }
0x53: {  	_ =	shalt  }
0x54: {  	_ =	shalt  }
0x55: {  	_ =	shalt  }
0x56: {  	_ =	shalt  }
0x57: {  	_ =	shalt  }
0x58: {  	_ =	shalt  }
0x59: {  	_ =	shalt  }
0x5a: {  	_ =	shalt  }
0x5b: {  	_ =	shalt  }
0x5c: {  	_ =	shalt  }
0x5d: {  	_ =	shalt  }
0x5e: {  	_ =	shalt  }
0x5f: {  	_ =	shalt  }
0x60: {  	_ =	shalt  }
0x61: {  	_ =	shalt  }
0x62: {  	_ =	shalt  }
0x63: {  	_ =	shalt  }
0x64: {  	_ =	shalt  }
0x65: {  	_ =	shalt  }
0x66: {  	_ =	shalt  }
0x67: {  	_ =	shalt  }
0x68: {  	_ =	shalt  }
0x69: {  	_ =	shalt  }
0x6a: {  	_ =	shalt  }
0x6b: {  	_ =	shalt  }
0x6c: {  	_ =	shalt  }
0x6d: {  	_ =	shalt  }
0x6e: {  	_ =	shalt  }
0x6f: {  	_ =	shalt  }
0x70: {  	_ =	shalt  }
0x71: {  	_ =	shalt  }
0x72: {  	_ =	shalt  }
0x73: {  	_ =	shalt  }
0x74: {  	_ =	shalt  }
0x75: {  	_ =	shalt  }
0x76: {  	_ =	shalt  }
0x77: {  	_ =	shalt  }
0x78: {  	_ =	shalt  }
0x79: {  	_ =	shalt  }
0x7a: {  	_ =	shalt  }
0x7b: {  	_ =	shalt  }
0x7c: {  	_ =	shalt  }
0x7d: {  	_ =	shalt  }
0x7e: {  	_ =	shalt  }
0x7f: {  	_ =	shalt  }
0x80: {  	_ =	shalt  }
0x81: {  	_ =	shalt  }
0x82: {  	_ =	shalt  }
0x83: {  	_ =	shalt  }
0x84: {  	_ =	shalt  }
0x85: {  	_ =	shalt  }
0x86: {  	_ =	shalt  }
0x87: {  	_ =	shalt  }
.Lfunc_end0:
.L_simem_size_0:
called_computation_lowered:
.L_overlay_start_0:
0x88: {  	s2 =	sld [smem:$0x3FD9]  }
0x89: {  	s3 =	sld [smem:$0x3FFE];
	_ =	sdelay $0x1  }
0x8a: {  	s1 =	srdreg.scid  }
0x8b: {  	s0 =	sand.u32 $0x1, s1  }
0x8c: {  	s17 =	sshll.u32 s0, $0xA;
	s2 =	sadd.s32 s3, s2  }
0x8d: {  	s2 =	sadd.s32 s2, s17  }
0x8e: {  	[smem:$0x3FBE] =	sst s2  }
0x8f: {  	_ = 	snop  }
0x90: {  	s18 =	sld [smem:$0x3FD0];
	(tm) =	ssettm $0x1  }
0x91: {  	s19 =	sld [smem:$0x3FFB];
	_ =	sdelay $0x3  }
0x92: {  	_ =	strace s19  }
0x93: {  	s2 =	sld [smem:$0x3FFC];
	_ =	sdelay $0x3  }
0x94: {  	_ =	strace s2  }
0x95: {  	s2 =	sld [smem:$0x3FFD];
	_ =	sdelay $0x3  }
0x96: {  	_ =	strace s2  }
0x97: {  	_ =	strace $0x8FFFFFFF  }
0x98: {  	s20 =	sld [smem:$0x3FDB];
	_ =	sdelay $0x1  }
0x99: {  	s4 =	simm.s32 $_scs_section_size  }
0x9a: {  	s5 =	simm.s32 $_size__tile_overlayer_lowered;
	s6 =	simm.s32 $_tile_overlayer_lowered  }
0x9b: {  	s7 =	simm.s32 $0x1BFF;
	s21 =	sshll.u32 s6, $0x1;
	s4 =	sadd.s32 s4, s20  }
0x9c: {  	s22 =	simm.s32 $0x0;
	s5 =	sshll.u32 s5, $0x1;
	s6 =	sadd.s32 s21, s4  }
0x9d: {  	[timem:s22], [sflag:s7] =	dma.local [hbm:s6], s5  }
0x9e: {  	_ =	swait.ge [sflag:s7], s5  }
0x9f: {  	s5 =	ssub.s32 $0x0, s5;
	[sflag:s7] =	ssyncset.done $0x0  }
0xa0: {  	[sflag:s7] =	ssyncadd.s32 s5;
	_ =	sdelay $0x1  }
0xa1: {  	s23 =	simm.s32 $0x1B8B  }
0xa2: {  	_ =	swait.ge [sflag:s23], $0x1  }
0xa3: {  	[sflag:s23] =	ssyncset.done $0x0  }
0xa4: {  	[sflag:s23] =	ssyncadd.s32 $0xFFFFFFFF  }
0xa5: {  	s5 =	sld [smem:$0x0]  }
0xa6: {  	s6 =	sand.u32 $0xFFFFFFFE, s1  }
0xa7: {  	p0 =	sne.s32 s1, s6  }
0xa8: {  	s6 =	sshll.u32 @p0 s6, $0xE  }
0xa9: {  	s6 =	sadd.s32 @p0 $0x11B8D, s6;
	s7 =	sshll.u32 @p0 s5, $0x11  }
0xaa: {  	s6 =	sor.u32 @p0 s7, s6  }
0xab: {  	[sflag:s6] =	ssyncadd.remote.s32 @p0 $0x1;
	_ =	sdelay $0x1  }
0xac: {  	s6 =	simm.s32 @p0 $0x1B8D  }
0xad: {  	_ =	swait.eq @p0 [sflag:s6], $0x1  }
0xae: {  	[sflag:s6] =	ssyncadd.s32 @p0 $0xFFFFFFFF  }
0xaf: {  	s7 =	sshll.u32 @!p0 s1, $0xE  }
0xb0: {  	s7 =	sor.u32 @!p0 $0x4000, s7;
	s6 =	simm.s32 @!p0 $0x1B8D  }
0xb1: {  	s5 =	sshll.u32 @!p0 s5, $0x11;
	s7 =	sadd.s32 @!p0 $0x11B8D, s7;
	_ =	swait.eq @!p0 [sflag:s6], $0x1  }
0xb2: {  	s5 =	sor.u32 @!p0 s5, s7;
	[sflag:s6] =	ssyncadd.s32 @!p0 $0xFFFFFFFF  }
0xb3: {  	s25 =	simm.s32 $0x1B8E;
	s24 =	sld [smem:$0x3FFE];
	[sflag:s5] =	ssyncadd.remote.s32 @!p0 $0x1  }
0xb4: {  	s26 =	simm.s32 $execute0_lowered;
	[smem:$0x3FD2] =	sst s25  }
0xb5: {  	s6 =	sshll.u32 s26, $0x1;
	_ =	strace $0x80000049;
	[dreg:$0x1] =	wrdreg $0xFFFFFFFF  }
0xb6: {  	s28 =	simm.s32 $_size_execute0_lowered;
	s4 =	sadd.s32 s4, s6;
	[dreg:$0x0] =	wrdreg $0x0  }
0xb7: {  	s6 =	sshll.u32 s28, $0x1;
	[dreg:$0x2] =	wrdreg s4  }
0xb8: {  	[dreg:$0x3] =	wrdreg s6  }
0xb9: {  	[dreg:$0x4] =	wrdreg $0xC0  }
0xba: {  	_ =	task [dreg:s22], $0x5FFFF  }
0xbb: {  	[dreg:$0x1] =	wrdreg $0xFFFFFFFF  }
0xbc: {  	[dreg:$0x0] =	wrdreg $0x60  }
0xbd: {  	[dreg:$0x2] =	wrdreg s24  }
0xbe: {  	[dreg:$0x3] =	wrdreg s18  }
0xbf: {  	[dreg:$0x4] =	wrdreg $0x42000  }
0xc0: {  	[dreg:$0x5] =	wrdreg $0x9  }
0xc1: {  	_ =	task.clear_ibuf [dreg:s22], $0x6FFFF;
	_ =	strace $0x90000049  }
0xc2: {  	s29 =	simm.s32 $0x9;
	_ =	strace $0x8000004B  }
0xc3: {  	_ =	swait.ge [sflag:s29], $0x1  }
0xc4: {  	[sflag:s29] =	ssyncadd.s32 $0xFFFFFFFF  }
0xc5: {  	_ =	strace $0x9000004B  }
0xc6: {  	_ =	sfence  }
0xc7: {  	s30 =	sld [smem:$0x0];
	_ =	sdelay $0x2  }
0xc8: {  	s31 =	sshll.u32 s1, $0xD;
	s1 =	sshrl.u32 s1, $0x2  }
0xc9: {  	s4 =	sand.u32 $0x4000, s31;
	s1 =	sadd.s32 s1, s30  }
0xca: {  	s0 =	sor.u32 s4, s0;
	s1 =	sshll.u32 s1, $0x11  }
0xcb: {  	s0 =	sor.u32 s1, s0  }
0xcc: {  	s0 =	sadd.s32 $0x8F2B, s0  }
0xcd: {  	[sflag:s0] =	ssyncadd.remote.s32 $0x1  }
0xce: {  	_ =	sfence.sel $0xFFFF  }
0xcf: {  	[dreg:$0x0] =	wrdreg $0xFFFFFFFF;
	(pc) =	sbr.abs _section_cstart, $3  }
0xd0: {  	[dreg:$0x1] =	wrdreg $0xFFFFFFFF  }
0xd1: {  	_ =	task.clear_ibuf [dreg:s22], $0x2FFFF;
	_ =	strace $0x9FFFFFFF  }
0xd2: {  	(tm) =	ssettm $0x7FFFFFFF  }
0xd3: {  	_ =	shalt  }
tec
execute0_lowered:
.L_overlay_start_1:
0x0: {  	(tag) =	ssettag $0x1  }
0x1: {  	s5 =	rddreg [dreg:$0x0]  }
0x2: {  	s2 =	rddreg [dreg:$0x1]  }
0x3: {  	s3 =	rddreg [dreg:$0x2]  }
0x4: {  	s0 =	rddreg [dreg:$0x3]  }
0x5: {  	s1 =	stileid.u32;
	s6 =	srdreg.scid;
	s4 =	simm.s32 $0x0  }
0x6: {  	s16 =	simm.s32 $0x180;
	s17 =	simm.s32 $0x1;
	s7 =	smul.u32 $0x13C00, s1  }
0x7: {  	s18 =	simm.s32 $0x0;
	s6 =	sand.u32 $0x1, s6;
	s11 =	smul.u32 $0x4F000, s1  }
0x8: {  	[smem:$0x7FF] =	sst s4;
	s10 =	sadd.s32 $0x2600, s5;
	s15 =	smul.u32 $0xA00, s1  }
0x9: {  	s29 =	sshll.u32 s1, $0x6;
	s8 =	smul.u32 $0x13C000, s6;
	_ =	strace $0x8000004A  }
0xa: {  	s24 =	sshll.u32 s6, $0x4;
	s25 =	ssub.s32 $0x2, s6;
	s31 =	smul.u32 $0xA000, s6  }
0xb: {  	s6 =	sor.u32 $0x1C02, s29;
	s9 =	sshrl.u32 s7, $0x3;
	s26 =	sor.u32 s1, s24  }
0xc: {  	s28 =	sshrl.u32 s25, $0x1;
	s11 =	sshrl.u32 s11, $0x2;
	s9 =	sadd.s32 s9, s5  }
0xd: {  	s7 =	sadd.s32 s7, s8;
	s14 =	sadd.s32 s11, s3;
	s11 =	sadd.s32 s31, s10  }
0xe: {  	s13 =	ssub.s32 s25, s28;
	s7 =	sshrl.u32 s7, $0x3;
	s11 =	sadd.s32 s15, s11  }
0xf: {  	s15 =	simm.s32 $0x80;
	s12 =	sadd.s32 s7, s5;
	s7 =	smul.u32 $0xA00, s26  }
0x10: {  	s5 =	sadd.s32 $0x3D800, s9;
	s9 =	sadd.s32 $0xB4000, s12;
	s12 =	sshrl.u32 s14, $0x3  }
0x11: {  	s14 =	simm.s32 $0x200;
	s30 =	sadd.s32 s7, s10;
	s10 =	smax.u32 s13, $0x1  }
0x12: {  	s13 =	simm.s32 $0x2;
	s7 =	sadd.s32 $0x10, s30;
	s8 =	sadd.s32 $0x30, s30  }
.LBB2_1:
0x13: {  	[spmem:s12], [sflag:s6] =	dma.local [hbm:s5], $0x2780  }
0x14: {  	_ =	swait.ge [sflag:s13], $0x2780  }
0x15: {  	[sflag:s13] =	ssyncset.done $0x0  }
0x16: {  	[sflag:s13] =	ssyncadd.s32 $0xFFFFD880  }
0x17: {  	[tilespmem:s14], [sflag:$0x2] =	stream.linear.gather [hbm4b:s2+s4], $0x4000, $0x38;
	[tilespmem:$0x17E00] =	vst v63  }
0x18: {  	_ =	swait.ge [sflag:s13], $0x4000  }
0x19: {  	[sflag:s13] =	ssyncset.done $0x0  }
0x1a: {  	[sflag:s13] =	ssyncadd.s32 $0xFFFFC000  }
0x1b: {  	[tilespmem:s15], [sflag:$0x2] =	stream.linear.gather [hbm4b:s7+s4], $0x80, $0x38;
	[tilespmem:$0x17E00] =	vst v63  }
0x1c: {  	_ =	swait.ge [sflag:s13], $0x80  }
0x1d: {  	[sflag:s13] =	ssyncset.done $0x0  }
0x1e: {  	[sflag:s13] =	ssyncadd.s32 $0xFFFFFF80  }
0x1f: {  	[tilespmem:s16], [sflag:$0x1] =	stream.linear.gather [hbm4b:s8+s4], $0x80, $0x38;
	[tilespmem:$0x17E00] =	vst v63  }
0x20: {  	[bflag:$0x0] =	sbarrier.arrive $0xFFFF  }
0x21: {  	_ =	swait.ge [sflag:s17], $0x80  }
0x22: {  	[sflag:s17] =	ssyncset.done $0x0  }
0x23: {  	[sflag:s17] =	ssyncadd.s32 $0xFFFFFF80  }
0x24: {  	[spmem:s3] =	stream.indirect.scatter.add.f32 [tilespmem:s14], [sflag:$0x2], $0x80, s15, s15, $0xb8;
	[tilespmem:$0x17E00] =	vst v63  }
0x25: {  	_ =	swait.ge [sflag:s13], $0x4000  }
0x26: {  	s20 =	sadd.s32 $0xFFFFF640, s11;
	[sflag:s13] =	ssyncset.done $0x0  }
0x27: {  	s19 =	sadd.s32 $0xA10, s20;
	[sflag:s13] =	ssyncadd.s32 $0xFFFFC000  }
0x28: {  	[tilespmem:s15], [sflag:$0x1] =	stream.linear.gather [hbm4b:s19+s4], $0x80, $0x38;
	[tilespmem:$0x17E00] =	vst v63  }
0x29: {  	_ =	swait.ge [sflag:s17], $0x80  }
0x2a: {  	[sflag:s17] =	ssyncset.done $0x0  }
0x2b: {  	[sflag:s17] =	ssyncadd.s32 $0xFFFFFF80  }
0x2c: {  	[spmem:s3] =	stream.indirect.scatter.add.f32 [tilespmem:s14], [sflag:$0x2], $0x80, s16, s15, $0xb8;
	[tilespmem:$0x17E00] =	vst v63  }
0x2d: {  	_ =	swait.ge [sflag:s13], $0x4000  }
0x2e: {  	[sflag:s13] =	ssyncset.done $0x0  }
0x2f: {  	s20 =	sadd.s32 $0xA30, s20;
	s19 =	simm.s32 $0xFFFFF680;
	[sflag:s13] =	ssyncadd.s32 $0xFFFFC000  }
.LBB2_2:
0x30: {  	[tilespmem:s16], [sflag:$0x1] =	stream.linear.gather [hbm4b:s20+s4], $0x80, $0x38;
	[tilespmem:$0x17E00] =	vst v63  }
0x31: {  	s20 =	smov.u32 s19  }
0x32: {  	p0 =	sne.s32 s19, $0xFFFFFFC0;
	s19 =	sadd.s32 $0x40, s19;
	_ =	swait.ge [sflag:s17], $0x80  }
0x33: {  	[sflag:s17] =	ssyncset.done $0x0  }
0x34: {  	[sflag:s17] =	ssyncadd.s32 $0xFFFFFF80  }
0x35: {  	[spmem:s3] =	stream.indirect.scatter.add.f32 [tilespmem:s14], [sflag:$0x2], $0x80, s15, s15, $0xb8;
	[tilespmem:$0x17E00] =	vst v63  }
0x36: {  	_ =	swait.ge [sflag:s13], $0x4000  }
0x37: {  	s20 =	sadd.s32 s20, s11;
	[sflag:s13] =	ssyncset.done $0x0  }
0x38: {  	s21 =	sadd.s32 $0xA10, s20;
	[sflag:s13] =	ssyncadd.s32 $0xFFFFC000  }
0x39: {  	[tilespmem:s15], [sflag:$0x1] =	stream.linear.gather [hbm4b:s21+s4], $0x80, $0x38;
	[tilespmem:$0x17E00] =	vst v63  }
0x3a: {  	_ =	swait.ge [sflag:s17], $0x80  }
0x3b: {  	[sflag:s17] =	ssyncset.done $0x0  }
.Ltmp0:
0x3c: {  	[sflag:s17] =	ssyncadd.s32 $0xFFFFFF80;
	(pc) =	sbr.rel @p0 .LBB2_2-.Ltmp0, $4  }
0x3d: {  	[spmem:s3] =	stream.indirect.scatter.add.f32 [tilespmem:s14], [sflag:$0x2], $0x80, s16, s15, $0xb8;
	[tilespmem:$0x17E00] =	vst v63  }
0x3e: {  	_ =	swait.ge [sflag:s13], $0x4000  }
0x3f: {  	[sflag:s13] =	ssyncset.done $0x0  }
0x40: {  	s20 =	sadd.s32 $0xA30, s20;
	[sflag:s13] =	ssyncadd.s32 $0xFFFFC000  }
0x41: {  	[tilespmem:s16], [sflag:$0x1] =	stream.linear.gather [hbm4b:s20+s4], $0x80, $0x38;
	[tilespmem:$0x17E00] =	vst v63  }
0x42: {  	_ =	swait.ge [sflag:s17], $0x80  }
0x43: {  	[sflag:s17] =	ssyncset.done $0x0  }
0x44: {  	[sflag:s17] =	ssyncadd.s32 $0xFFFFFF80  }
0x45: {  	[spmem:s3] =	stream.indirect.scatter.add.f32 [tilespmem:s14], [sflag:$0x2], $0x80, s15, s15, $0xb8;
	[tilespmem:$0x17E00] =	vst v63  }
0x46: {  	_ =	swait.ge [sflag:s13], $0x4000  }
0x47: {  	[sflag:s13] =	ssyncset.done $0x0  }
0x48: {  	[sflag:s13] =	ssyncadd.s32 $0xFFFFC000  }
0x49: {  	[spmem:s3] =	stream.indirect.scatter.add.f32 [tilespmem:s14], [sflag:$0x2], $0x80, s16, s15, $0xb8;
	[tilespmem:$0x17E00] =	vst v63  }
0x4a: {  	_ =	swait.ge [sflag:s13], $0x4000  }
0x4b: {  	s18 =	sadd.s32 $0x1, s18;
	[sflag:s13] =	ssyncset.done $0x0  }
0x4c: {  	p0 =	sne.s32 s18, s10;
	[sflag:s13] =	ssyncadd.s32 $0xFFFFC000  }
.Ltmp1:
0x4d: {  	[bflag:$0x0] =	sbarrier.arrive $0xFFFF;
	(pc) =	sbr.rel @p0 .LBB2_1-.Ltmp1, $4  }
0x4e: {  	[hbm:s9], [sflag:s6] =	dma.local [spmem:s12], $0x2780  }
0x4f: {  	_ =	swait.ge [sflag:s13], $0x2780  }
0x50: {  	[sflag:s13] =	ssyncset.done $0x0  }
0x51: {  	[sflag:s13] =	ssyncadd.s32 $0xFFFFD880  }
0x52: {  	_ =	sfence.sel $0x180000  }
0x53: {  	[bflag:$0x0] =	sbarrier.arrive $0xFFFF  }
0x54: {  	p0 =	sne.s32 s1, $0x0;
	_ =	strace $0x9000004A  }
0x55: {  	s0 =	sadd.s32 @!p0 $0x100000, s0;
	[bflag:$0x2] =	sbarrier.arrive $0xFFFF  }
0x56: {  	[sflag:s0] =	ssyncadd.tile.s32 @!p0 $0x1;
	_ =	shalt  }
.Lfunc_end2:
_tile_overlayer_lowered:
.L_overlay_start_2:
0x57: {  	(tag) =	ssettag $0x2  }
0x58: {  	s0 =	rddreg [dreg:$0x0];
	s2 =	stileid.u32  }
0x59: {  	s1 =	rddreg [dreg:$0x1];
	p0 =	sne.s32 s2, $0x0  }
0x5a: {  	s3 =	rddreg [dreg:$0x2];
	[bflag:$0x3] =	sbarrier.arrive $0xFFFF;
	s2 =	simm.s32 @!p0 $0x1C02  }
0x5b: {  	[timem:s3], [sflag:s2] =	dma.local @!p0 [hbm:s0], s1  }
0x5c: {  	s0 =	simm.s32 @!p0 $0x2  }
0x5d: {  	_ =	swait.ge @!p0 [sflag:s0], s1  }
0x5e: {  	s1 =	ssub.s32 @!p0 $0x0, s1;
	[sflag:s0] =	ssyncset.done @!p0 $0x0  }
0x5f: {  	[sflag:s0] =	ssyncadd.s32 @!p0 s1  }
0x60: {  	[bflag:$0x3] =	sbarrier.arrive $0xFFFF  }
0x61: {  	_ =	shalt  }

</sc_bundles>
